<compile_context>
chip_gen: v7x
topology: tpu7x:2x2x1
jax: 0.10.2.dev20260603
libtpu: 0.0.44.dev20260713+nightly
codegen_flags: <defaults>
</compile_context>

<pallas_src>
import functools

import jax
import jax.numpy as jnp
from jax import lax
from jax.experimental import pallas as pl
from jax.experimental.pallas import tpu as pltpu
from jax.experimental.pallas import tpu_sc as plsc

N_NODES = 100000
N_EDGES = 6400000
INV_T = 1.0 / 0.07
EPS = 1e-08

NC, NS, L = 2, 16, 16
NW = NC * NS
CHUNK = 2048
NCHUNKS_TOT = N_EDGES // CHUNK
NCHUNKS_T = -(-NCHUNKS_TOT // NW)
NPACK = N_NODES // 4
NP = 100352
ZS = NP // NS


def _edge_pass_kernel(edge_hbm, logits_hbm, packed_hbm, out_hbm,
                      packed_v, eb_a, eb_b, lg_a, lg_b,
                      si_a, si_b, vn_a, vn_b, vg_a, vg_b,
                      zbuf_v, acc_num, acc_neg,
                      sem_in_a, sem_in_b, sem_out_a, sem_out_b):
    eb_2 = (eb_a, eb_b)
    lg_2 = (lg_a, lg_b)
    si_2 = (si_a, si_b)
    vn_2 = (vn_a, vn_b)
    vg_2 = (vg_a, vg_b)
    sem_in = (sem_in_a, sem_in_b)
    sem_out = (sem_out_a, sem_out_b)
    cid = lax.axis_index("c")
    sid = lax.axis_index("s")
    wid = cid * NS + sid

    def zero_body(t, _):
        zbuf_v[pl.ds(t * L, L)] = jnp.zeros((L,), jnp.float32)
        return _
    lax.fori_loop(0, ZS // L, zero_body, None)
    for acc in (acc_num, acc_neg):
        pltpu.sync_copy(zbuf_v, acc.at[pl.ds(sid * ZS, ZS)])

    pltpu.sync_copy(packed_hbm, packed_v)
    plsc.subcore_barrier()

    def chunk_id(k):
        g = wid + k * NW
        return jnp.minimum(g, NCHUNKS_TOT - 1), g < NCHUNKS_TOT

    def in_descs(k, s):
        g, _ = chunk_id(k)
        base = g * CHUNK
        return (
            pltpu.make_async_copy(edge_hbm.at[:, pl.ds(base, CHUNK)],
                                  eb_2[s], sem_in[s]),
            pltpu.make_async_copy(logits_hbm.at[pl.ds(base, CHUNK)],
                                  lg_2[s], sem_in[s]),
        )

    def start_in(k, s):
        for d in in_descs(k, s):
            d.start()

    def wait_in(k, s):
        for d in in_descs(k, s):
            d.wait()

    def out_descs(s):
        return (
            pltpu.make_async_copy(vn_2[s], acc_num.at[si_2[s]],
                                  sem_out[s]),
            pltpu.make_async_copy(vg_2[s], acc_neg.at[si_2[s]],
                                  sem_out[s]),
        )

    def start_scatter(s):
        for d in out_descs(s):
            d.start(add=True)

    def wait_scatter(s):
        for d in out_descs(s):
            d.wait()

    def compute(k, s):
        ebb, lgb = eb_2[s], lg_2[s]
        sib, vnb, vgb = si_2[s], vn_2[s], vg_2[s]
        _, real = chunk_id(k)
        padv = jnp.where(real, 1.0, 0.0)

        @plsc.parallel_loop(0, CHUNK, L, unroll=8)
        def _(e):
            sl = pl.ds(e, L)
            ii = ebb[0, sl]
            jj = ebb[1, sl]
            lg = lgb[sl]
            sib[sl] = ii
            li_w = plsc.load_gather(packed_v, [ii >> 2])
            lj_w = plsc.load_gather(packed_v, [jj >> 2])
            diff = ((li_w >> ((ii & 3) << 3)) ^ (lj_w >> ((jj & 3) << 3))) & 255
            same = diff == 0
            ex = jnp.exp(lg * INV_T) * padv
            vnb[sl] = jnp.where(same, ex, 0.0)
            vgb[sl] = jnp.where(same, 0.0, ex)

    start_in(0, 0)
    start_in(1, 1)
    wait_in(0, 0)
    compute(0, 0)
    start_scatter(0)
    start_in(2, 0)
    wait_in(1, 1)
    compute(1, 1)
    start_scatter(1)
    start_in(3, 1)

    def pair_body(j, _):
        a = 2 * j + 2
        wait_in(a, 0)
        wait_scatter(0)
        compute(a, 0)
        start_scatter(0)
        start_in(a + 2, 0)
        wait_in(a + 1, 1)
        wait_scatter(1)
        compute(a + 1, 1)
        start_scatter(1)
        start_in(a + 3, 1)
        return _
    lax.fori_loop(0, (NCHUNKS_T - 4) // 2, pair_body, None)

    wait_in(NCHUNKS_T - 2, 0)
    wait_scatter(0)
    compute(NCHUNKS_T - 2, 0)
    start_scatter(0)
    wait_in(NCHUNKS_T - 1, 1)
    wait_scatter(1)
    compute(NCHUNKS_T - 1, 1)
    start_scatter(1)
    wait_scatter(0)
    wait_scatter(1)

    plsc.subcore_barrier()
    sl = pl.ds(sid * ZS, ZS)
    obase = cid * 2 * NP + sid * ZS
    pltpu.sync_copy(acc_num.at[sl], out_hbm.at[pl.ds(obase, ZS)])
    pltpu.sync_copy(acc_neg.at[sl], out_hbm.at[pl.ds(obase + NP, ZS)])


_edge_pass = functools.partial(
    pl.kernel,
    mesh=plsc.VectorSubcoreMesh(core_axis_name="c", subcore_axis_name="s"),
    out_type=jax.ShapeDtypeStruct((NC * 2 * NP,), jnp.float32),
    compiler_params=pltpu.CompilerParams(needs_layout_passes=False),
    scratch_types=[
        pltpu.VMEM((NPACK,), jnp.int32),
        pltpu.VMEM((2, CHUNK), jnp.int32),
        pltpu.VMEM((2, CHUNK), jnp.int32),
        pltpu.VMEM((CHUNK,), jnp.float32),
        pltpu.VMEM((CHUNK,), jnp.float32),
        pltpu.VMEM((CHUNK,), jnp.int32),
        pltpu.VMEM((CHUNK,), jnp.int32),
        pltpu.VMEM((CHUNK,), jnp.float32),
        pltpu.VMEM((CHUNK,), jnp.float32),
        pltpu.VMEM((CHUNK,), jnp.float32),
        pltpu.VMEM((CHUNK,), jnp.float32),
        pltpu.VMEM((ZS,), jnp.float32),
        pltpu.VMEM_SHARED((NP,), jnp.float32),
        pltpu.VMEM_SHARED((NP,), jnp.float32),
        pltpu.SemaphoreType.DMA,
        pltpu.SemaphoreType.DMA,
        pltpu.SemaphoreType.DMA,
        pltpu.SemaphoreType.DMA,
    ],
)(_edge_pass_kernel)


def _finalize_body(part_ref, lab_ref, out_ref):
    p = part_ref[...]
    num = p[0] + p[2]
    neg = p[1] + p[3]
    den = num + neg
    lab = lab_ref[...]
    boundary = (neg > 0) & (lab != -1)
    mask = boundary & (den > 0)
    contrib = jnp.where(mask, jnp.log(den + EPS) - jnp.log(num + EPS), 0.0)
    cnt = jnp.maximum(jnp.sum(mask.astype(jnp.float32)), 1.0)
    out_ref[...] = jnp.broadcast_to(jnp.sum(contrib) / cnt, (1, 1))


_finalize = pl.pallas_call(
    _finalize_body,
    out_shape=jax.ShapeDtypeStruct((1, 1), jnp.float32),
)


def kernel(edge_index, edge_logits, label):
    packed = lax.bitcast_convert_type(
        label.astype(jnp.int8).reshape(NPACK, 4), jnp.int32)
    parts = _edge_pass(edge_index, edge_logits, packed)
    parts4 = parts.reshape(4, NP // 128, 128)
    labp = jnp.concatenate(
        [label, jnp.full((NP - N_NODES,), -1, jnp.int32)]).reshape(NP // 128, 128)
    loss = _finalize(parts4, labp)
    return loss[0, 0]

# --- scband reference (transcript-rebuilt; emitter-appended) ---
"""Pipeline reference for scband-contrastive-boundary-loss-72310069395902 (READ-ONLY COPY).

The authoritative reference and input builder live on the scoring server;
editing this copy changes nothing except your own understanding.
"""

import jax, jax.numpy as jnp
import numpy as np

N_NODES = 100000
N_EDGES = 6400000
TEMPERATURE = 0.07
IGNORE_LABEL = -1
EPS = 1e-08


def setup_inputs(seed: int = 0) -> dict:
    key = jax.random.key(seed)
    k1, k2, k3 = jax.random.split(key, 3)
    edge_index = jax.random.randint(k1, (2, N_EDGES), 0, N_NODES, dtype=jnp.int64 if jax.config.jax_enable_x64 else jnp.int32).astype(jnp.int32)
    edge_logits = jax.random.normal(k2, (N_EDGES,), dtype=jnp.float32)
    label = jax.random.randint(k3, (N_NODES,), 0, 20, dtype=jnp.int32)
    return {"edge_index": edge_index, "edge_logits": edge_logits, "label": label}


def reference(edge_index, edge_logits, label):
    N_total = label.shape[0]
    idx_i = edge_index[0]
    idx_j = edge_index[1]
    label_i = label[idx_i]
    label_j = label[idx_j]
    valid_mask = (label_i != IGNORE_LABEL) & (label_j != IGNORE_LABEL)
    same = label_i == label_j
    is_pos = same & valid_mask
    is_neg = (~same) & valid_mask
    # boundary nodes: any node that is source of a valid negative edge
    node_neg = jnp.zeros(N_total, dtype=jnp.float32).at[idx_i].add(is_neg.astype(jnp.float32))
    is_boundary = (node_neg > 0) & (label != IGNORE_LABEL)
    edge_active = (valid_mask & is_boundary[idx_i]).astype(edge_logits.dtype)
    exp_logits = jnp.exp(edge_logits / TEMPERATURE) * edge_active
    denominator = jnp.zeros(N_total, dtype=edge_logits.dtype).at[idx_i].add(exp_logits)
    numerator = jnp.zeros(N_total, dtype=edge_logits.dtype).at[idx_i].add(exp_logits * is_pos.astype(edge_logits.dtype))
    valid_boundary_mask = is_boundary & (denominator > 0)
    loss_per_node = jnp.log(denominator + EPS) - jnp.log(numerator + EPS)
    cnt = jnp.maximum(valid_boundary_mask.sum(), 1)
    loss = jnp.sum(jnp.where(valid_boundary_mask, loss_per_node, 0.0)) / cnt
    return loss

if __name__ == "__main__":
    import jax
    _d = setup_inputs()
    print(jax.jit(kernel)(*tuple(_d.values())))

</pallas_src>

<mosaic_0001>
#map = affine_map<(d0, d1) -> (0, 0)>
#map1 = affine_map<(d0, d1) -> (0)>
module attributes {stable_mosaic.version = 14 : i64} {
  func.func @_edge_pass_kernel(%arg0: i32, %arg1: i32, %arg2: memref<2x6400000xi32, #tpu.memory_space<hbm>>, %arg3: memref<6400000xf32, #tpu.memory_space<hbm>>, %arg4: memref<25000xi32, #tpu.memory_space<hbm>>, %arg5: memref<401408xf32, #tpu.memory_space<hbm>>, %arg6: memref<25000xi32, #tpu.memory_space<vmem>>, %arg7: memref<2x2048xi32, #tpu.memory_space<vmem>>, %arg8: memref<2x2048xi32, #tpu.memory_space<vmem>>, %arg9: memref<2048xf32, #tpu.memory_space<vmem>>, %arg10: memref<2048xf32, #tpu.memory_space<vmem>>, %arg11: memref<2048xi32, #tpu.memory_space<vmem>>, %arg12: memref<2048xi32, #tpu.memory_space<vmem>>, %arg13: memref<2048xf32, #tpu.memory_space<vmem>>, %arg14: memref<2048xf32, #tpu.memory_space<vmem>>, %arg15: memref<2048xf32, #tpu.memory_space<vmem>>, %arg16: memref<2048xf32, #tpu.memory_space<vmem>>, %arg17: memref<6272xf32, #tpu.memory_space<vmem>>, %arg18: memref<100352xf32, #tpu.memory_space<vmem_shared>>, %arg19: memref<100352xf32, #tpu.memory_space<vmem_shared>>, %arg20: memref<!tpu.dma_semaphore, #tpu.memory_space<semaphore_mem>>, %arg21: memref<!tpu.dma_semaphore, #tpu.memory_space<semaphore_mem>>, %arg22: memref<!tpu.dma_semaphore, #tpu.memory_space<semaphore_mem>>, %arg23: memref<!tpu.dma_semaphore, #tpu.memory_space<semaphore_mem>>) attributes {dimension_semantics = [#tpu.dimension_semantics<core_parallel>, #tpu.dimension_semantics<subcore_parallel>], iteration_bounds = array<i64: 2, 16>, scalar_prefetch = 0 : i64, scratch_operands = 18 : i64, tpu.core_type = #tpu.core_type<sc_vector_subcore>, window_params = [{transform_indices = #map}, {transform_indices = #map1}, {transform_indices = #map1}, {transform_indices = #map1}]} {
    %mul3A = arith.constant 16 : i32
    %mul3A_0 = arith.muli %arg0, %mul3A : i32
    %add3A = arith.addi %mul3A_0, %arg1 : i32
    %scan3A = arith.constant 0 : i32
    %scan3A_1 = arith.constant 392 : i32
    %scan3A_2 = arith.addi %scan3A, %scan3A_1 : i32
    %scan3A_3 = arith.constant 1 : i32
    scf.for %scan3A_211 = %scan3A to %scan3A_2 step %scan3A_3  : i32 {
      %broadcast_in_dim3A = arith.constant 0.000000e+00 : f32
      %broadcast_in_dim3A_212 = vector.broadcast %broadcast_in_dim3A : f32 to vector<16xf32>
      %mul3A_213 = arith.constant 16 : i32
      %mul3A_214 = arith.muli %scan3A_211, %mul3A_213 : i32
      %swap3A = arith.index_cast %mul3A_214 : i32 to index
      %swap3A_215 = tpu.vector_load %arg17[%swap3A] {strides = array<i32>} : memref<6272xf32, #tpu.memory_space<vmem>>, vector<16xf32>,
      tpu.vector_store %arg17[%swap3A], %broadcast_in_dim3A_212 {strides = array<i32>} : memref<6272xf32, #tpu.memory_space<vmem>>, vector<16xf32>,
    }
    %scan3A_4 = arith.constant 392 : i32
    %mul3A_5 = arith.constant 6272 : i32
    %mul3A_6 = arith.muli %arg1, %mul3A_5 : i32
    "tpu.region"() ({
      %run_scoped3A = tpu.sem_alloc : memref<!tpu.dma_semaphore, #tpu.memory_space<semaphore_mem>>
      %dma_start3A_211 = tpu.memref_slice %arg18[%mul3A_6] : memref<100352xf32, #tpu.memory_space<vmem_shared>> -> memref<6272xf32, #tpu.memory_space<vmem_shared>>
      %dma_start3A_212 = tpu.memref_slice %arg18[%mul3A_6] : memref<100352xf32, #tpu.memory_space<vmem_shared>> -> memref<6272xf32, #tpu.memory_space<vmem_shared>>
      tpu.enqueue_dma source(%arg17 : memref<6272xf32, #tpu.memory_space<vmem>>) target(%dma_start3A_212 : memref<6272xf32, #tpu.memory_space<vmem_shared>>) target_semaphore(%run_scoped3A : memref<!tpu.dma_semaphore, #tpu.memory_space<semaphore_mem>>)
      %dma_wait3A_213 = tpu.memref_slice %arg18[%mul3A_6] : memref<100352xf32, #tpu.memory_space<vmem_shared>> -> memref<6272xf32, #tpu.memory_space<vmem_shared>>
      %dma_wait3A_214 = tpu.memref_slice %arg18[%mul3A_6] : memref<100352xf32, #tpu.memory_space<vmem_shared>> -> memref<6272xf32, #tpu.memory_space<vmem_shared>>
      tpu.wait_dma2 semaphore(%run_scoped3A : memref<!tpu.dma_semaphore, #tpu.memory_space<semaphore_mem>>) src(%arg17 : memref<6272xf32, #tpu.memory_space<vmem>>) dst(%dma_wait3A_214 : memref<6272xf32, #tpu.memory_space<vmem_shared>>)
      tpu.yield
    }) : () -> ()
    %mul3A_7 = arith.constant 6272 : i32
    %mul3A_8 = arith.muli %arg1, %mul3A_7 : i32
    "tpu.region"() ({
      %run_scoped3A = tpu.sem_alloc : memref<!tpu.dma_semaphore, #tpu.memory_space<semaphore_mem>>
      %dma_start3A_211 = tpu.memref_slice %arg19[%mul3A_8] : memref<100352xf32, #tpu.memory_space<vmem_shared>> -> memref<6272xf32, #tpu.memory_space<vmem_shared>>
      %dma_start3A_212 = tpu.memref_slice %arg19[%mul3A_8] : memref<100352xf32, #tpu.memory_space<vmem_shared>> -> memref<6272xf32, #tpu.memory_space<vmem_shared>>
      tpu.enqueue_dma source(%arg17 : memref<6272xf32, #tpu.memory_space<vmem>>) target(%dma_start3A_212 : memref<6272xf32, #tpu.memory_space<vmem_shared>>) target_semaphore(%run_scoped3A : memref<!tpu.dma_semaphore, #tpu.memory_space<semaphore_mem>>)
      %dma_wait3A_213 = tpu.memref_slice %arg19[%mul3A_8] : memref<100352xf32, #tpu.memory_space<vmem_shared>> -> memref<6272xf32, #tpu.memory_space<vmem_shared>>
      %dma_wait3A_214 = tpu.memref_slice %arg19[%mul3A_8] : memref<100352xf32, #tpu.memory_space<vmem_shared>> -> memref<6272xf32, #tpu.memory_space<vmem_shared>>
      tpu.wait_dma2 semaphore(%run_scoped3A : memref<!tpu.dma_semaphore, #tpu.memory_space<semaphore_mem>>) src(%arg17 : memref<6272xf32, #tpu.memory_space<vmem>>) dst(%dma_wait3A_214 : memref<6272xf32, #tpu.memory_space<vmem_shared>>)
      tpu.yield
    }) : () -> ()
    "tpu.region"() ({
      %run_scoped3A = tpu.sem_alloc : memref<!tpu.dma_semaphore, #tpu.memory_space<semaphore_mem>>
      tpu.enqueue_dma source(%arg4 : memref<25000xi32, #tpu.memory_space<hbm>>) target(%arg6 : memref<25000xi32, #tpu.memory_space<vmem>>) target_semaphore(%run_scoped3A : memref<!tpu.dma_semaphore, #tpu.memory_space<semaphore_mem>>)
      tpu.wait_dma2 semaphore(%run_scoped3A : memref<!tpu.dma_semaphore, #tpu.memory_space<semaphore_mem>>) src(%arg4 : memref<25000xi32, #tpu.memory_space<hbm>>) dst(%arg6 : memref<25000xi32, #tpu.memory_space<vmem>>)
      tpu.yield
    }) : () -> ()
    %barrier3A = arith.constant 0 : index
    tpu.barrier barrier_id(%barrier3A)
    %add3A_9 = arith.constant 0 : i32
    %add3A_10 = arith.addi %add3A, %add3A_9 : i32
    %min3A = arith.constant 3124 : i32
    %min3A_11 = arith.minsi %add3A_10, %min3A : i32
    %lt3A = arith.constant 3125 : i32
    %lt3A_12 = arith.cmpi slt, %add3A_10, %lt3A : i32
    %mul3A_13 = arith.constant 2048 : i32
    %mul3A_14 = arith.muli %min3A_11, %mul3A_13 : i32
    %dma_start3A = arith.constant 0 : i32
    %dma_start3A_15 = tpu.memref_slice %arg2[%dma_start3A, %mul3A_14] : memref<2x6400000xi32, #tpu.memory_space<hbm>> -> memref<2x2048xi32, #tpu.memory_space<hbm>>
    %dma_start3A_16 = arith.constant 0 : i32
    %dma_start3A_17 = tpu.memref_slice %arg2[%dma_start3A_16, %mul3A_14] : memref<2x6400000xi32, #tpu.memory_space<hbm>> -> memref<2x2048xi32, #tpu.memory_space<hbm>>
    tpu.enqueue_dma source(%dma_start3A_17 : memref<2x2048xi32, #tpu.memory_space<hbm>>) target(%arg7 : memref<2x2048xi32, #tpu.memory_space<vmem>>) target_semaphore(%arg20 : memref<!tpu.dma_semaphore, #tpu.memory_space<semaphore_mem>>)
    %dma_start3A_18 = tpu.memref_slice %arg3[%mul3A_14] : memref<6400000xf32, #tpu.memory_space<hbm>> -> memref<2048xf32, #tpu.memory_space<hbm>>
    %dma_start3A_19 = tpu.memref_slice %arg3[%mul3A_14] : memref<6400000xf32, #tpu.memory_space<hbm>> -> memref<2048xf32, #tpu.memory_space<hbm>>
    tpu.enqueue_dma source(%dma_start3A_19 : memref<2048xf32, #tpu.memory_space<hbm>>) target(%arg9 : memref<2048xf32, #tpu.memory_space<vmem>>) target_semaphore(%arg20 : memref<!tpu.dma_semaphore, #tpu.memory_space<semaphore_mem>>)
    %add3A_20 = arith.constant 32 : i32
    %add3A_21 = arith.addi %add3A, %add3A_20 : i32
    %min3A_22 = arith.constant 3124 : i32
    %min3A_23 = arith.minsi %add3A_21, %min3A_22 : i32
    %lt3A_24 = arith.constant 3125 : i32
    %lt3A_25 = arith.cmpi slt, %add3A_21, %lt3A_24 : i32
    %mul3A_26 = arith.constant 2048 : i32
    %mul3A_27 = arith.muli %min3A_23, %mul3A_26 : i32
    %dma_start3A_28 = arith.constant 0 : i32
    %dma_start3A_29 = tpu.memref_slice %arg2[%dma_start3A_28, %mul3A_27] : memref<2x6400000xi32, #tpu.memory_space<hbm>> -> memref<2x2048xi32, #tpu.memory_space<hbm>>
    %dma_start3A_30 = arith.constant 0 : i32
    %dma_start3A_31 = tpu.memref_slice %arg2[%dma_start3A_30, %mul3A_27] : memref<2x6400000xi32, #tpu.memory_space<hbm>> -> memref<2x2048xi32, #tpu.memory_space<hbm>>
    tpu.enqueue_dma source(%dma_start3A_31 : memref<2x2048xi32, #tpu.memory_space<hbm>>) target(%arg8 : memref<2x2048xi32, #tpu.memory_space<vmem>>) target_semaphore(%arg21 : memref<!tpu.dma_semaphore, #tpu.memory_space<semaphore_mem>>)
    %dma_start3A_32 = tpu.memref_slice %arg3[%mul3A_27] : memref<6400000xf32, #tpu.memory_space<hbm>> -> memref<2048xf32, #tpu.memory_space<hbm>>
    %dma_start3A_33 = tpu.memref_slice %arg3[%mul3A_27] : memref<6400000xf32, #tpu.memory_space<hbm>> -> memref<2048xf32, #tpu.memory_space<hbm>>
    tpu.enqueue_dma source(%dma_start3A_33 : memref<2048xf32, #tpu.memory_space<hbm>>) target(%arg10 : memref<2048xf32, #tpu.memory_space<vmem>>) target_semaphore(%arg21 : memref<!tpu.dma_semaphore, #tpu.memory_space<semaphore_mem>>)
    %add3A_34 = arith.constant 0 : i32
    %add3A_35 = arith.addi %add3A, %add3A_34 : i32
    %min3A_36 = arith.constant 3124 : i32
    %min3A_37 = arith.minsi %add3A_35, %min3A_36 : i32
    %lt3A_38 = arith.constant 3125 : i32
    %lt3A_39 = arith.cmpi slt, %add3A_35, %lt3A_38 : i32
    %mul3A_40 = arith.constant 2048 : i32
    %mul3A_41 = arith.muli %min3A_37, %mul3A_40 : i32
    %dma_wait3A = arith.constant 0 : i32
    %dma_wait3A_42 = tpu.memref_slice %arg2[%dma_wait3A, %mul3A_41] : memref<2x6400000xi32, #tpu.memory_space<hbm>> -> memref<2x2048xi32, #tpu.memory_space<hbm>>
    %dma_wait3A_43 = arith.constant 0 : i32
    %dma_wait3A_44 = tpu.memref_slice %arg2[%dma_wait3A_43, %mul3A_41] : memref<2x6400000xi32, #tpu.memory_space<hbm>> -> memref<2x2048xi32, #tpu.memory_space<hbm>>
    tpu.wait_dma2 semaphore(%arg20 : memref<!tpu.dma_semaphore, #tpu.memory_space<semaphore_mem>>) src(%dma_wait3A_44 : memref<2x2048xi32, #tpu.memory_space<hbm>>) dst(%arg7 : memref<2x2048xi32, #tpu.memory_space<vmem>>)
    %dma_wait3A_45 = tpu.memref_slice %arg3[%mul3A_41] : memref<6400000xf32, #tpu.memory_space<hbm>> -> memref<2048xf32, #tpu.memory_space<hbm>>
    %dma_wait3A_46 = tpu.memref_slice %arg3[%mul3A_41] : memref<6400000xf32, #tpu.memory_space<hbm>> -> memref<2048xf32, #tpu.memory_space<hbm>>
    tpu.wait_dma2 semaphore(%arg20 : memref<!tpu.dma_semaphore, #tpu.memory_space<semaphore_mem>>) src(%dma_wait3A_46 : memref<2048xf32, #tpu.memory_space<hbm>>) dst(%arg9 : memref<2048xf32, #tpu.memory_space<vmem>>)
    %add3A_47 = arith.constant 0 : i32
    %add3A_48 = arith.addi %add3A, %add3A_47 : i32
    %min3A_49 = arith.constant 3124 : i32
    %min3A_50 = arith.minsi %add3A_48, %min3A_49 : i32
    %lt3A_51 = arith.constant 3125 : i32
    %lt3A_52 = arith.cmpi slt, %add3A_48, %lt3A_51 : i32
    %jit3A = arith.constant 1.000000e+00 : f32
    %jit3A_53 = arith.constant 0.000000e+00 : f32
    %select_n3A = arith.select %lt3A_52, %jit3A, %jit3A_53 : f32
    %parallel_loop3A = arith.constant 0 : i32
    %parallel_loop3A_54 = arith.constant 2048 : i32
    %parallel_loop3A_55 = arith.constant 16 : i32
    scf.for %parallel_loop3A_211 = %parallel_loop3A to %parallel_loop3A_54 step %parallel_loop3A_55  : i32 {
      %parallel_loop3A_212 = arith.constant 0 : i32
      %parallel_loop3A_213 = arith.index_cast %parallel_loop3A_212 : i32 to index
      %parallel_loop3A_214 = arith.index_cast %parallel_loop3A_211 : i32 to index
      %parallel_loop3A_215 = tpu.vector_load %arg7[%parallel_loop3A_213, %parallel_loop3A_214] {strides = array<i32>} : memref<2x2048xi32, #tpu.memory_space<vmem>>, vector<16xi32>,
      %parallel_loop3A_216 = arith.constant 1 : i32
      %parallel_loop3A_217 = arith.index_cast %parallel_loop3A_216 : i32 to index
      %parallel_loop3A_218 = arith.index_cast %parallel_loop3A_211 : i32 to index
      %parallel_loop3A_219 = tpu.vector_load %arg7[%parallel_loop3A_217, %parallel_loop3A_218] {strides = array<i32>} : memref<2x2048xi32, #tpu.memory_space<vmem>>, vector<16xi32>,
      %parallel_loop3A_220 = arith.index_cast %parallel_loop3A_211 : i32 to index
      %parallel_loop3A_221 = tpu.vector_load %arg9[%parallel_loop3A_220] {strides = array<i32>} : memref<2048xf32, #tpu.memory_space<vmem>>, vector<16xf32>,
      %parallel_loop3A_222 = arith.index_cast %parallel_loop3A_211 : i32 to index
      %parallel_loop3A_223 = tpu.vector_load %arg11[%parallel_loop3A_222] {strides = array<i32>} : memref<2048xi32, #tpu.memory_space<vmem>>, vector<16xi32>,
      tpu.vector_store %arg11[%parallel_loop3A_222], %parallel_loop3A_215 {strides = array<i32>} : memref<2048xi32, #tpu.memory_space<vmem>>, vector<16xi32>,
      %parallel_loop3A_224 = arith.constant 2 : i32
      %parallel_loop3A_225 = vector.broadcast %parallel_loop3A_224 : i32 to vector<16xi32>
      %parallel_loop3A_226 = arith.shrsi %parallel_loop3A_215, %parallel_loop3A_225 : vector<16xi32>
      %parallel_loop3A_227 = tpu.vector_load_idx %arg6[%parallel_loop3A_226] : memref<25000xi32, #tpu.memory_space<vmem>>[vector<16xi32>], vector<16xi32>,
      %parallel_loop3A_228 = arith.constant 2 : i32
      %parallel_loop3A_229 = vector.broadcast %parallel_loop3A_228 : i32 to vector<16xi32>
      %parallel_loop3A_230 = arith.shrsi %parallel_loop3A_219, %parallel_loop3A_229 : vector<16xi32>
      %parallel_loop3A_231 = tpu.vector_load_idx %arg6[%parallel_loop3A_230] : memref<25000xi32, #tpu.memory_space<vmem>>[vector<16xi32>], vector<16xi32>,
      %parallel_loop3A_232 = arith.constant 3 : i32
      %parallel_loop3A_233 = vector.broadcast %parallel_loop3A_232 : i32 to vector<16xi32>
      %parallel_loop3A_234 = arith.andi %parallel_loop3A_215, %parallel_loop3A_233 : vector<16xi32>
      %parallel_loop3A_235 = arith.constant 3 : i32
      %parallel_loop3A_236 = vector.broadcast %parallel_loop3A_235 : i32 to vector<16xi32>
      %parallel_loop3A_237 = arith.shli %parallel_loop3A_234, %parallel_loop3A_236 : vector<16xi32>
      %parallel_loop3A_238 = arith.shrsi %parallel_loop3A_227, %parallel_loop3A_237 : vector<16xi32>
      %parallel_loop3A_239 = arith.constant 3 : i32
      %parallel_loop3A_240 = vector.broadcast %parallel_loop3A_239 : i32 to vector<16xi32>
      %parallel_loop3A_241 = arith.andi %parallel_loop3A_219, %parallel_loop3A_240 : vector<16xi32>
      %parallel_loop3A_242 = arith.constant 3 : i32
      %parallel_loop3A_243 = vector.broadcast %parallel_loop3A_242 : i32 to vector<16xi32>
      %parallel_loop3A_244 = arith.shli %parallel_loop3A_241, %parallel_loop3A_243 : vector<16xi32>
      %parallel_loop3A_245 = arith.shrsi %parallel_loop3A_231, %parallel_loop3A_244 : vector<16xi32>
      %parallel_loop3A_246 = arith.xori %parallel_loop3A_238, %parallel_loop3A_245 : vector<16xi32>
      %parallel_loop3A_247 = arith.constant 255 : i32
      %parallel_loop3A_248 = vector.broadcast %parallel_loop3A_247 : i32 to vector<16xi32>
      %parallel_loop3A_249 = arith.andi %parallel_loop3A_246, %parallel_loop3A_248 : vector<16xi32>
      %parallel_loop3A_250 = arith.constant 0 : i32
      %parallel_loop3A_251 = vector.broadcast %parallel_loop3A_250 : i32 to vector<16xi32>
      %parallel_loop3A_252 = arith.cmpi eq, %parallel_loop3A_249, %parallel_loop3A_251 : vector<16xi32>
      %parallel_loop3A_253 = arith.constant 14.2857141 : f32
      %parallel_loop3A_254 = vector.broadcast %parallel_loop3A_253 : f32 to vector<16xf32>
      %parallel_loop3A_255 = arith.mulf %parallel_loop3A_221, %parallel_loop3A_254 : vector<16xf32>
      %parallel_loop3A_256 = math.exp %parallel_loop3A_255 : vector<16xf32>
      %parallel_loop3A_257 = vector.broadcast %select_n3A : f32 to vector<16xf32>
      %parallel_loop3A_258 = arith.mulf %parallel_loop3A_256, %parallel_loop3A_257 : vector<16xf32>
      %parallel_loop3A_259 = arith.constant 0.000000e+00 : f32
      %parallel_loop3A_260 = vector.broadcast %parallel_loop3A_259 : f32 to vector<16xf32>
      %parallel_loop3A_261 = arith.select %parallel_loop3A_252, %parallel_loop3A_258, %parallel_loop3A_260 : vector<16xi1>, vector<16xf32>
      %parallel_loop3A_262 = arith.index_cast %parallel_loop3A_211 : i32 to index
      %parallel_loop3A_263 = tpu.vector_load %arg13[%parallel_loop3A_262] {strides = array<i32>} : memref<2048xf32, #tpu.memory_space<vmem>>, vector<16xf32>,
      tpu.vector_store %arg13[%parallel_loop3A_262], %parallel_loop3A_261 {strides = array<i32>} : memref<2048xf32, #tpu.memory_space<vmem>>, vector<16xf32>,
      %parallel_loop3A_264 = arith.constant 0.000000e+00 : f32
      %parallel_loop3A_265 = vector.broadcast %parallel_loop3A_264 : f32 to vector<16xf32>
      %parallel_loop3A_266 = arith.select %parallel_loop3A_252, %parallel_loop3A_265, %parallel_loop3A_258 : vector<16xi1>, vector<16xf32>
      %parallel_loop3A_267 = arith.index_cast %parallel_loop3A_211 : i32 to index
      %parallel_loop3A_268 = tpu.vector_load %arg15[%parallel_loop3A_267] {strides = array<i32>} : memref<2048xf32, #tpu.memory_space<vmem>>, vector<16xf32>,
      tpu.vector_store %arg15[%parallel_loop3A_267], %parallel_loop3A_266 {strides = array<i32>} : memref<2048xf32, #tpu.memory_space<vmem>>, vector<16xf32>,
    } {sc.loop_unroll_factor = 8 : i64, sc.parallel_access}
    %dma_start3A_56 = arith.constant 0 : i32
    %dma_start3A_57 = tpu.memref_slice %arg18[%dma_start3A_56] : memref<100352xf32, #tpu.memory_space<vmem_shared>> -> memref<100352xf32, #tpu.memory_space<vmem_shared>>
    tpu.enqueue_indirect_dma source(%arg13 : memref<2048xf32, #tpu.memory_space<vmem>>) target(%dma_start3A_57 : memref<100352xf32, #tpu.memory_space<vmem_shared>>) offsets(%arg11 : memref<2048xi32, #tpu.memory_space<vmem>>) semaphore(%arg22 : memref<!tpu.dma_semaphore, #tpu.memory_space<semaphore_mem>>) {add = true}
    %dma_start3A_58 = arith.constant 0 : i32
    %dma_start3A_59 = tpu.memref_slice %arg19[%dma_start3A_58] : memref<100352xf32, #tpu.memory_space<vmem_shared>> -> memref<100352xf32, #tpu.memory_space<vmem_shared>>
    tpu.enqueue_indirect_dma source(%arg15 : memref<2048xf32, #tpu.memory_space<vmem>>) target(%dma_start3A_59 : memref<100352xf32, #tpu.memory_space<vmem_shared>>) offsets(%arg11 : memref<2048xi32, #tpu.memory_space<vmem>>) semaphore(%arg22 : memref<!tpu.dma_semaphore, #tpu.memory_space<semaphore_mem>>) {add = true}
    %add3A_60 = arith.constant 64 : i32
    %add3A_61 = arith.addi %add3A, %add3A_60 : i32
    %min3A_62 = arith.constant 3124 : i32
    %min3A_63 = arith.minsi %add3A_61, %min3A_62 : i32
    %lt3A_64 = arith.constant 3125 : i32
    %lt3A_65 = arith.cmpi slt, %add3A_61, %lt3A_64 : i32
    %mul3A_66 = arith.constant 2048 : i32
    %mul3A_67 = arith.muli %min3A_63, %mul3A_66 : i32
    %dma_start3A_68 = arith.constant 0 : i32
    %dma_start3A_69 = tpu.memref_slice %arg2[%dma_start3A_68, %mul3A_67] : memref<2x6400000xi32, #tpu.memory_space<hbm>> -> memref<2x2048xi32, #tpu.memory_space<hbm>>
    %dma_start3A_70 = arith.constant 0 : i32
    %dma_start3A_71 = tpu.memref_slice %arg2[%dma_start3A_70, %mul3A_67] : memref<2x6400000xi32, #tpu.memory_space<hbm>> -> memref<2x2048xi32, #tpu.memory_space<hbm>>
    tpu.enqueue_dma source(%dma_start3A_71 : memref<2x2048xi32, #tpu.memory_space<hbm>>) target(%arg7 : memref<2x2048xi32, #tpu.memory_space<vmem>>) target_semaphore(%arg20 : memref<!tpu.dma_semaphore, #tpu.memory_space<semaphore_mem>>)
    %dma_start3A_72 = tpu.memref_slice %arg3[%mul3A_67] : memref<6400000xf32, #tpu.memory_space<hbm>> -> memref<2048xf32, #tpu.memory_space<hbm>>
    %dma_start3A_73 = tpu.memref_slice %arg3[%mul3A_67] : memref<6400000xf32, #tpu.memory_space<hbm>> -> memref<2048xf32, #tpu.memory_space<hbm>>
    tpu.enqueue_dma source(%dma_start3A_73 : memref<2048xf32, #tpu.memory_space<hbm>>) target(%arg9 : memref<2048xf32, #tpu.memory_space<vmem>>) target_semaphore(%arg20 : memref<!tpu.dma_semaphore, #tpu.memory_space<semaphore_mem>>)
    %add3A_74 = arith.constant 32 : i32
    %add3A_75 = arith.addi %add3A, %add3A_74 : i32
    %min3A_76 = arith.constant 3124 : i32
    %min3A_77 = arith.minsi %add3A_75, %min3A_76 : i32
    %lt3A_78 = arith.constant 3125 : i32
    %lt3A_79 = arith.cmpi slt, %add3A_75, %lt3A_78 : i32
    %mul3A_80 = arith.constant 2048 : i32
    %mul3A_81 = arith.muli %min3A_77, %mul3A_80 : i32
    %dma_wait3A_82 = arith.constant 0 : i32
    %dma_wait3A_83 = tpu.memref_slice %arg2[%dma_wait3A_82, %mul3A_81] : memref<2x6400000xi32, #tpu.memory_space<hbm>> -> memref<2x2048xi32, #tpu.memory_space<hbm>>
    %dma_wait3A_84 = arith.constant 0 : i32
    %dma_wait3A_85 = tpu.memref_slice %arg2[%dma_wait3A_84, %mul3A_81] : memref<2x6400000xi32, #tpu.memory_space<hbm>> -> memref<2x2048xi32, #tpu.memory_space<hbm>>
    tpu.wait_dma2 semaphore(%arg21 : memref<!tpu.dma_semaphore, #tpu.memory_space<semaphore_mem>>) src(%dma_wait3A_85 : memref<2x2048xi32, #tpu.memory_space<hbm>>) dst(%arg8 : memref<2x2048xi32, #tpu.memory_space<vmem>>)
    %dma_wait3A_86 = tpu.memref_slice %arg3[%mul3A_81] : memref<6400000xf32, #tpu.memory_space<hbm>> -> memref<2048xf32, #tpu.memory_space<hbm>>
    %dma_wait3A_87 = tpu.memref_slice %arg3[%mul3A_81] : memref<6400000xf32, #tpu.memory_space<hbm>> -> memref<2048xf32, #tpu.memory_space<hbm>>
    tpu.wait_dma2 semaphore(%arg21 : memref<!tpu.dma_semaphore, #tpu.memory_space<semaphore_mem>>) src(%dma_wait3A_87 : memref<2048xf32, #tpu.memory_space<hbm>>) dst(%arg10 : memref<2048xf32, #tpu.memory_space<vmem>>)
    %add3A_88 = arith.constant 32 : i32
    %add3A_89 = arith.addi %add3A, %add3A_88 : i32
    %min3A_90 = arith.constant 3124 : i32
    %min3A_91 = arith.minsi %add3A_89, %min3A_90 : i32
    %lt3A_92 = arith.constant 3125 : i32
    %lt3A_93 = arith.cmpi slt, %add3A_89, %lt3A_92 : i32
    %jit3A_94 = arith.constant 1.000000e+00 : f32
    %jit3A_95 = arith.constant 0.000000e+00 : f32
    %select_n3A_96 = arith.select %lt3A_93, %jit3A_94, %jit3A_95 : f32
    %parallel_loop3A_97 = arith.constant 0 : i32
    %parallel_loop3A_98 = arith.constant 2048 : i32
    %parallel_loop3A_99 = arith.constant 16 : i32
    scf.for %parallel_loop3A_211 = %parallel_loop3A_97 to %parallel_loop3A_98 step %parallel_loop3A_99  : i32 {
      %parallel_loop3A_212 = arith.constant 0 : i32
      %parallel_loop3A_213 = arith.index_cast %parallel_loop3A_212 : i32 to index
      %parallel_loop3A_214 = arith.index_cast %parallel_loop3A_211 : i32 to index
      %parallel_loop3A_215 = tpu.vector_load %arg8[%parallel_loop3A_213, %parallel_loop3A_214] {strides = array<i32>} : memref<2x2048xi32, #tpu.memory_space<vmem>>, vector<16xi32>,
      %parallel_loop3A_216 = arith.constant 1 : i32
      %parallel_loop3A_217 = arith.index_cast %parallel_loop3A_216 : i32 to index
      %parallel_loop3A_218 = arith.index_cast %parallel_loop3A_211 : i32 to index
      %parallel_loop3A_219 = tpu.vector_load %arg8[%parallel_loop3A_217, %parallel_loop3A_218] {strides = array<i32>} : memref<2x2048xi32, #tpu.memory_space<vmem>>, vector<16xi32>,
      %parallel_loop3A_220 = arith.index_cast %parallel_loop3A_211 : i32 to index
      %parallel_loop3A_221 = tpu.vector_load %arg10[%parallel_loop3A_220] {strides = array<i32>} : memref<2048xf32, #tpu.memory_space<vmem>>, vector<16xf32>,
      %parallel_loop3A_222 = arith.index_cast %parallel_loop3A_211 : i32 to index
      %parallel_loop3A_223 = tpu.vector_load %arg12[%parallel_loop3A_222] {strides = array<i32>} : memref<2048xi32, #tpu.memory_space<vmem>>, vector<16xi32>,
      tpu.vector_store %arg12[%parallel_loop3A_222], %parallel_loop3A_215 {strides = array<i32>} : memref<2048xi32, #tpu.memory_space<vmem>>, vector<16xi32>,
      %parallel_loop3A_224 = arith.constant 2 : i32
      %parallel_loop3A_225 = vector.broadcast %parallel_loop3A_224 : i32 to vector<16xi32>
      %parallel_loop3A_226 = arith.shrsi %parallel_loop3A_215, %parallel_loop3A_225 : vector<16xi32>
      %parallel_loop3A_227 = tpu.vector_load_idx %arg6[%parallel_loop3A_226] : memref<25000xi32, #tpu.memory_space<vmem>>[vector<16xi32>], vector<16xi32>,
      %parallel_loop3A_228 = arith.constant 2 : i32
      %parallel_loop3A_229 = vector.broadcast %parallel_loop3A_228 : i32 to vector<16xi32>
      %parallel_loop3A_230 = arith.shrsi %parallel_loop3A_219, %parallel_loop3A_229 : vector<16xi32>
      %parallel_loop3A_231 = tpu.vector_load_idx %arg6[%parallel_loop3A_230] : memref<25000xi32, #tpu.memory_space<vmem>>[vector<16xi32>], vector<16xi32>,
      %parallel_loop3A_232 = arith.constant 3 : i32
      %parallel_loop3A_233 = vector.broadcast %parallel_loop3A_232 : i32 to vector<16xi32>
      %parallel_loop3A_234 = arith.andi %parallel_loop3A_215, %parallel_loop3A_233 : vector<16xi32>
      %parallel_loop3A_235 = arith.constant 3 : i32
      %parallel_loop3A_236 = vector.broadcast %parallel_loop3A_235 : i32 to vector<16xi32>
      %parallel_loop3A_237 = arith.shli %parallel_loop3A_234, %parallel_loop3A_236 : vector<16xi32>
      %parallel_loop3A_238 = arith.shrsi %parallel_loop3A_227, %parallel_loop3A_237 : vector<16xi32>
      %parallel_loop3A_239 = arith.constant 3 : i32
      %parallel_loop3A_240 = vector.broadcast %parallel_loop3A_239 : i32 to vector<16xi32>
      %parallel_loop3A_241 = arith.andi %parallel_loop3A_219, %parallel_loop3A_240 : vector<16xi32>
      %parallel_loop3A_242 = arith.constant 3 : i32
      %parallel_loop3A_243 = vector.broadcast %parallel_loop3A_242 : i32 to vector<16xi32>
      %parallel_loop3A_244 = arith.shli %parallel_loop3A_241, %parallel_loop3A_243 : vector<16xi32>
      %parallel_loop3A_245 = arith.shrsi %parallel_loop3A_231, %parallel_loop3A_244 : vector<16xi32>
      %parallel_loop3A_246 = arith.xori %parallel_loop3A_238, %parallel_loop3A_245 : vector<16xi32>
      %parallel_loop3A_247 = arith.constant 255 : i32
      %parallel_loop3A_248 = vector.broadcast %parallel_loop3A_247 : i32 to vector<16xi32>
      %parallel_loop3A_249 = arith.andi %parallel_loop3A_246, %parallel_loop3A_248 : vector<16xi32>
      %parallel_loop3A_250 = arith.constant 0 : i32
      %parallel_loop3A_251 = vector.broadcast %parallel_loop3A_250 : i32 to vector<16xi32>
      %parallel_loop3A_252 = arith.cmpi eq, %parallel_loop3A_249, %parallel_loop3A_251 : vector<16xi32>
      %parallel_loop3A_253 = arith.constant 14.2857141 : f32
      %parallel_loop3A_254 = vector.broadcast %parallel_loop3A_253 : f32 to vector<16xf32>
      %parallel_loop3A_255 = arith.mulf %parallel_loop3A_221, %parallel_loop3A_254 : vector<16xf32>
      %parallel_loop3A_256 = math.exp %parallel_loop3A_255 : vector<16xf32>
      %parallel_loop3A_257 = vector.broadcast %select_n3A_96 : f32 to vector<16xf32>
      %parallel_loop3A_258 = arith.mulf %parallel_loop3A_256, %parallel_loop3A_257 : vector<16xf32>
      %parallel_loop3A_259 = arith.constant 0.000000e+00 : f32
      %parallel_loop3A_260 = vector.broadcast %parallel_loop3A_259 : f32 to vector<16xf32>
      %parallel_loop3A_261 = arith.select %parallel_loop3A_252, %parallel_loop3A_258, %parallel_loop3A_260 : vector<16xi1>, vector<16xf32>
      %parallel_loop3A_262 = arith.index_cast %parallel_loop3A_211 : i32 to index
      %parallel_loop3A_263 = tpu.vector_load %arg14[%parallel_loop3A_262] {strides = array<i32>} : memref<2048xf32, #tpu.memory_space<vmem>>, vector<16xf32>,
      tpu.vector_store %arg14[%parallel_loop3A_262], %parallel_loop3A_261 {strides = array<i32>} : memref<2048xf32, #tpu.memory_space<vmem>>, vector<16xf32>,
      %parallel_loop3A_264 = arith.constant 0.000000e+00 : f32
      %parallel_loop3A_265 = vector.broadcast %parallel_loop3A_264 : f32 to vector<16xf32>
      %parallel_loop3A_266 = arith.select %parallel_loop3A_252, %parallel_loop3A_265, %parallel_loop3A_258 : vector<16xi1>, vector<16xf32>
      %parallel_loop3A_267 = arith.index_cast %parallel_loop3A_211 : i32 to index
      %parallel_loop3A_268 = tpu.vector_load %arg16[%parallel_loop3A_267] {strides = array<i32>} : memref<2048xf32, #tpu.memory_space<vmem>>, vector<16xf32>,
      tpu.vector_store %arg16[%parallel_loop3A_267], %parallel_loop3A_266 {strides = array<i32>} : memref<2048xf32, #tpu.memory_space<vmem>>, vector<16xf32>,
    } {sc.loop_unroll_factor = 8 : i64, sc.parallel_access}
    %dma_start3A_100 = arith.constant 0 : i32
    %dma_start3A_101 = tpu.memref_slice %arg18[%dma_start3A_100] : memref<100352xf32, #tpu.memory_space<vmem_shared>> -> memref<100352xf32, #tpu.memory_space<vmem_shared>>
    tpu.enqueue_indirect_dma source(%arg14 : memref<2048xf32, #tpu.memory_space<vmem>>) target(%dma_start3A_101 : memref<100352xf32, #tpu.memory_space<vmem_shared>>) offsets(%arg12 : memref<2048xi32, #tpu.memory_space<vmem>>) semaphore(%arg23 : memref<!tpu.dma_semaphore, #tpu.memory_space<semaphore_mem>>) {add = true}
    %dma_start3A_102 = arith.constant 0 : i32
    %dma_start3A_103 = tpu.memref_slice %arg19[%dma_start3A_102] : memref<100352xf32, #tpu.memory_space<vmem_shared>> -> memref<100352xf32, #tpu.memory_space<vmem_shared>>
    tpu.enqueue_indirect_dma source(%arg16 : memref<2048xf32, #tpu.memory_space<vmem>>) target(%dma_start3A_103 : memref<100352xf32, #tpu.memory_space<vmem_shared>>) offsets(%arg12 : memref<2048xi32, #tpu.memory_space<vmem>>) semaphore(%arg23 : memref<!tpu.dma_semaphore, #tpu.memory_space<semaphore_mem>>) {add = true}
    %add3A_104 = arith.constant 96 : i32
    %add3A_105 = arith.addi %add3A, %add3A_104 : i32
    %min3A_106 = arith.constant 3124 : i32
    %min3A_107 = arith.minsi %add3A_105, %min3A_106 : i32
    %lt3A_108 = arith.constant 3125 : i32
    %lt3A_109 = arith.cmpi slt, %add3A_105, %lt3A_108 : i32
    %mul3A_110 = arith.constant 2048 : i32
    %mul3A_111 = arith.muli %min3A_107, %mul3A_110 : i32
    %dma_start3A_112 = arith.constant 0 : i32
    %dma_start3A_113 = tpu.memref_slice %arg2[%dma_start3A_112, %mul3A_111] : memref<2x6400000xi32, #tpu.memory_space<hbm>> -> memref<2x2048xi32, #tpu.memory_space<hbm>>
    %dma_start3A_114 = arith.constant 0 : i32
    %dma_start3A_115 = tpu.memref_slice %arg2[%dma_start3A_114, %mul3A_111] : memref<2x6400000xi32, #tpu.memory_space<hbm>> -> memref<2x2048xi32, #tpu.memory_space<hbm>>
    tpu.enqueue_dma source(%dma_start3A_115 : memref<2x2048xi32, #tpu.memory_space<hbm>>) target(%arg8 : memref<2x2048xi32, #tpu.memory_space<vmem>>) target_semaphore(%arg21 : memref<!tpu.dma_semaphore, #tpu.memory_space<semaphore_mem>>)
    %dma_start3A_116 = tpu.memref_slice %arg3[%mul3A_111] : memref<6400000xf32, #tpu.memory_space<hbm>> -> memref<2048xf32, #tpu.memory_space<hbm>>
    %dma_start3A_117 = tpu.memref_slice %arg3[%mul3A_111] : memref<6400000xf32, #tpu.memory_space<hbm>> -> memref<2048xf32, #tpu.memory_space<hbm>>
    tpu.enqueue_dma source(%dma_start3A_117 : memref<2048xf32, #tpu.memory_space<hbm>>) target(%arg10 : memref<2048xf32, #tpu.memory_space<vmem>>) target_semaphore(%arg21 : memref<!tpu.dma_semaphore, #tpu.memory_space<semaphore_mem>>)
    %scan3A_118 = arith.constant 0 : i32
    %scan3A_119 = arith.constant 47 : i32
    %scan3A_120 = arith.addi %scan3A_118, %scan3A_119 : i32
    %scan3A_121 = arith.constant 1 : i32
    scf.for %scan3A_211 = %scan3A_118 to %scan3A_120 step %scan3A_121  : i32 {
      %mul3A_212 = arith.constant 2 : i32
      %mul3A_213 = arith.muli %mul3A_212, %scan3A_211 : i32
      %add3A_214 = arith.constant 2 : i32
      %add3A_215 = arith.addi %mul3A_213, %add3A_214 : i32
      %mul3A_216 = arith.constant 32 : i32
      %mul3A_217 = arith.muli %add3A_215, %mul3A_216 : i32
      %add3A_218 = arith.addi %add3A, %mul3A_217 : i32
      %min3A_219 = arith.constant 3124 : i32
      %min3A_220 = arith.minsi %add3A_218, %min3A_219 : i32
      %lt3A_221 = arith.constant 3125 : i32
      %lt3A_222 = arith.cmpi slt, %add3A_218, %lt3A_221 : i32
      %mul3A_223 = arith.constant 2048 : i32
      %mul3A_224 = arith.muli %min3A_220, %mul3A_223 : i32
      %dma_wait3A_225 = arith.constant 0 : i32
      %dma_wait3A_226 = tpu.memref_slice %arg2[%dma_wait3A_225, %mul3A_224] : memref<2x6400000xi32, #tpu.memory_space<hbm>> -> memref<2x2048xi32, #tpu.memory_space<hbm>>
      %dma_wait3A_227 = arith.constant 0 : i32
      %dma_wait3A_228 = tpu.memref_slice %arg2[%dma_wait3A_227, %mul3A_224] : memref<2x6400000xi32, #tpu.memory_space<hbm>> -> memref<2x2048xi32, #tpu.memory_space<hbm>>
      tpu.wait_dma2 semaphore(%arg20 : memref<!tpu.dma_semaphore, #tpu.memory_space<semaphore_mem>>) src(%dma_wait3A_228 : memref<2x2048xi32, #tpu.memory_space<hbm>>) dst(%arg7 : memref<2x2048xi32, #tpu.memory_space<vmem>>)
      %dma_wait3A_229 = tpu.memref_slice %arg3[%mul3A_224] : memref<6400000xf32, #tpu.memory_space<hbm>> -> memref<2048xf32, #tpu.memory_space<hbm>>
      %dma_wait3A_230 = tpu.memref_slice %arg3[%mul3A_224] : memref<6400000xf32, #tpu.memory_space<hbm>> -> memref<2048xf32, #tpu.memory_space<hbm>>
      tpu.wait_dma2 semaphore(%arg20 : memref<!tpu.dma_semaphore, #tpu.memory_space<semaphore_mem>>) src(%dma_wait3A_230 : memref<2048xf32, #tpu.memory_space<hbm>>) dst(%arg9 : memref<2048xf32, #tpu.memory_space<vmem>>)
      %dma_wait3A_231 = arith.constant 0 : i32
      %dma_wait3A_232 = tpu.memref_slice %arg18[%dma_wait3A_231] : memref<100352xf32, #tpu.memory_space<vmem_shared>> -> memref<100352xf32, #tpu.memory_space<vmem_shared>>
      tpu.wait_indirect_dma semaphore(%arg22 : memref<!tpu.dma_semaphore, #tpu.memory_space<semaphore_mem>>) src(%arg13 : memref<2048xf32, #tpu.memory_space<vmem>>) dst(%dma_wait3A_232 : memref<100352xf32, #tpu.memory_space<vmem_shared>>)
      %dma_wait3A_233 = arith.constant 0 : i32
      %dma_wait3A_234 = tpu.memref_slice %arg19[%dma_wait3A_233] : memref<100352xf32, #tpu.memory_space<vmem_shared>> -> memref<100352xf32, #tpu.memory_space<vmem_shared>>
      tpu.wait_indirect_dma semaphore(%arg22 : memref<!tpu.dma_semaphore, #tpu.memory_space<semaphore_mem>>) src(%arg15 : memref<2048xf32, #tpu.memory_space<vmem>>) dst(%dma_wait3A_234 : memref<100352xf32, #tpu.memory_space<vmem_shared>>)
      %mul3A_235 = arith.constant 32 : i32
      %mul3A_236 = arith.muli %add3A_215, %mul3A_235 : i32
      %add3A_237 = arith.addi %add3A, %mul3A_236 : i32
      %min3A_238 = arith.constant 3124 : i32
      %min3A_239 = arith.minsi %add3A_237, %min3A_238 : i32
      %lt3A_240 = arith.constant 3125 : i32
      %lt3A_241 = arith.cmpi slt, %add3A_237, %lt3A_240 : i32
      %jit3A_242 = arith.constant 1.000000e+00 : f32
      %jit3A_243 = arith.constant 0.000000e+00 : f32
      %select_n3A_244 = arith.select %lt3A_241, %jit3A_242, %jit3A_243 : f32
      %parallel_loop3A_245 = arith.constant 0 : i32
      %parallel_loop3A_246 = arith.constant 2048 : i32
      %parallel_loop3A_247 = arith.constant 16 : i32
      scf.for %parallel_loop3A_326 = %parallel_loop3A_245 to %parallel_loop3A_246 step %parallel_loop3A_247  : i32 {
        %parallel_loop3A_327 = arith.constant 0 : i32
        %parallel_loop3A_328 = arith.index_cast %parallel_loop3A_327 : i32 to index
        %parallel_loop3A_329 = arith.index_cast %parallel_loop3A_326 : i32 to index
        %parallel_loop3A_330 = tpu.vector_load %arg7[%parallel_loop3A_328, %parallel_loop3A_329] {strides = array<i32>} : memref<2x2048xi32, #tpu.memory_space<vmem>>, vector<16xi32>,
        %parallel_loop3A_331 = arith.constant 1 : i32
        %parallel_loop3A_332 = arith.index_cast %parallel_loop3A_331 : i32 to index
        %parallel_loop3A_333 = arith.index_cast %parallel_loop3A_326 : i32 to index
        %parallel_loop3A_334 = tpu.vector_load %arg7[%parallel_loop3A_332, %parallel_loop3A_333] {strides = array<i32>} : memref<2x2048xi32, #tpu.memory_space<vmem>>, vector<16xi32>,
        %parallel_loop3A_335 = arith.index_cast %parallel_loop3A_326 : i32 to index
        %parallel_loop3A_336 = tpu.vector_load %arg9[%parallel_loop3A_335] {strides = array<i32>} : memref<2048xf32, #tpu.memory_space<vmem>>, vector<16xf32>,
        %parallel_loop3A_337 = arith.index_cast %parallel_loop3A_326 : i32 to index
        %parallel_loop3A_338 = tpu.vector_load %arg11[%parallel_loop3A_337] {strides = array<i32>} : memref<2048xi32, #tpu.memory_space<vmem>>, vector<16xi32>,
        tpu.vector_store %arg11[%parallel_loop3A_337], %parallel_loop3A_330 {strides = array<i32>} : memref<2048xi32, #tpu.memory_space<vmem>>, vector<16xi32>,
        %parallel_loop3A_339 = arith.constant 2 : i32
        %parallel_loop3A_340 = vector.broadcast %parallel_loop3A_339 : i32 to vector<16xi32>
        %parallel_loop3A_341 = arith.shrsi %parallel_loop3A_330, %parallel_loop3A_340 : vector<16xi32>
        %parallel_loop3A_342 = tpu.vector_load_idx %arg6[%parallel_loop3A_341] : memref<25000xi32, #tpu.memory_space<vmem>>[vector<16xi32>], vector<16xi32>,
        %parallel_loop3A_343 = arith.constant 2 : i32
        %parallel_loop3A_344 = vector.broadcast %parallel_loop3A_343 : i32 to vector<16xi32>
        %parallel_loop3A_345 = arith.shrsi %parallel_loop3A_334, %parallel_loop3A_344 : vector<16xi32>
        %parallel_loop3A_346 = tpu.vector_load_idx %arg6[%parallel_loop3A_345] : memref<25000xi32, #tpu.memory_space<vmem>>[vector<16xi32>], vector<16xi32>,
        %parallel_loop3A_347 = arith.constant 3 : i32
        %parallel_loop3A_348 = vector.broadcast %parallel_loop3A_347 : i32 to vector<16xi32>
        %parallel_loop3A_349 = arith.andi %parallel_loop3A_330, %parallel_loop3A_348 : vector<16xi32>
        %parallel_loop3A_350 = arith.constant 3 : i32
        %parallel_loop3A_351 = vector.broadcast %parallel_loop3A_350 : i32 to vector<16xi32>
        %parallel_loop3A_352 = arith.shli %parallel_loop3A_349, %parallel_loop3A_351 : vector<16xi32>
        %parallel_loop3A_353 = arith.shrsi %parallel_loop3A_342, %parallel_loop3A_352 : vector<16xi32>
        %parallel_loop3A_354 = arith.constant 3 : i32
        %parallel_loop3A_355 = vector.broadcast %parallel_loop3A_354 : i32 to vector<16xi32>
        %parallel_loop3A_356 = arith.andi %parallel_loop3A_334, %parallel_loop3A_355 : vector<16xi32>
        %parallel_loop3A_357 = arith.constant 3 : i32
        %parallel_loop3A_358 = vector.broadcast %parallel_loop3A_357 : i32 to vector<16xi32>
        %parallel_loop3A_359 = arith.shli %parallel_loop3A_356, %parallel_loop3A_358 : vector<16xi32>
        %parallel_loop3A_360 = arith.shrsi %parallel_loop3A_346, %parallel_loop3A_359 : vector<16xi32>
        %parallel_loop3A_361 = arith.xori %parallel_loop3A_353, %parallel_loop3A_360 : vector<16xi32>
        %parallel_loop3A_362 = arith.constant 255 : i32
        %parallel_loop3A_363 = vector.broadcast %parallel_loop3A_362 : i32 to vector<16xi32>
        %parallel_loop3A_364 = arith.andi %parallel_loop3A_361, %parallel_loop3A_363 : vector<16xi32>
        %parallel_loop3A_365 = arith.constant 0 : i32
        %parallel_loop3A_366 = vector.broadcast %parallel_loop3A_365 : i32 to vector<16xi32>
        %parallel_loop3A_367 = arith.cmpi eq, %parallel_loop3A_364, %parallel_loop3A_366 : vector<16xi32>
        %parallel_loop3A_368 = arith.constant 14.2857141 : f32
        %parallel_loop3A_369 = vector.broadcast %parallel_loop3A_368 : f32 to vector<16xf32>
        %parallel_loop3A_370 = arith.mulf %parallel_loop3A_336, %parallel_loop3A_369 : vector<16xf32>
        %parallel_loop3A_371 = math.exp %parallel_loop3A_370 : vector<16xf32>
        %parallel_loop3A_372 = vector.broadcast %select_n3A_244 : f32 to vector<16xf32>
        %parallel_loop3A_373 = arith.mulf %parallel_loop3A_371, %parallel_loop3A_372 : vector<16xf32>
        %parallel_loop3A_374 = arith.constant 0.000000e+00 : f32
        %parallel_loop3A_375 = vector.broadcast %parallel_loop3A_374 : f32 to vector<16xf32>
        %parallel_loop3A_376 = arith.select %parallel_loop3A_367, %parallel_loop3A_373, %parallel_loop3A_375 : vector<16xi1>, vector<16xf32>
        %parallel_loop3A_377 = arith.index_cast %parallel_loop3A_326 : i32 to index
        %parallel_loop3A_378 = tpu.vector_load %arg13[%parallel_loop3A_377] {strides = array<i32>} : memref<2048xf32, #tpu.memory_space<vmem>>, vector<16xf32>,
        tpu.vector_store %arg13[%parallel_loop3A_377], %parallel_loop3A_376 {strides = array<i32>} : memref<2048xf32, #tpu.memory_space<vmem>>, vector<16xf32>,
        %parallel_loop3A_379 = arith.constant 0.000000e+00 : f32
        %parallel_loop3A_380 = vector.broadcast %parallel_loop3A_379 : f32 to vector<16xf32>
        %parallel_loop3A_381 = arith.select %parallel_loop3A_367, %parallel_loop3A_380, %parallel_loop3A_373 : vector<16xi1>, vector<16xf32>
        %parallel_loop3A_382 = arith.index_cast %parallel_loop3A_326 : i32 to index
        %parallel_loop3A_383 = tpu.vector_load %arg15[%parallel_loop3A_382] {strides = array<i32>} : memref<2048xf32, #tpu.memory_space<vmem>>, vector<16xf32>,
        tpu.vector_store %arg15[%parallel_loop3A_382], %parallel_loop3A_381 {strides = array<i32>} : memref<2048xf32, #tpu.memory_space<vmem>>, vector<16xf32>,
      } {sc.loop_unroll_factor = 8 : i64, sc.parallel_access}
      %dma_start3A_248 = arith.constant 0 : i32
      %dma_start3A_249 = tpu.memref_slice %arg18[%dma_start3A_248] : memref<100352xf32, #tpu.memory_space<vmem_shared>> -> memref<100352xf32, #tpu.memory_space<vmem_shared>>
      tpu.enqueue_indirect_dma source(%arg13 : memref<2048xf32, #tpu.memory_space<vmem>>) target(%dma_start3A_249 : memref<100352xf32, #tpu.memory_space<vmem_shared>>) offsets(%arg11 : memref<2048xi32, #tpu.memory_space<vmem>>) semaphore(%arg22 : memref<!tpu.dma_semaphore, #tpu.memory_space<semaphore_mem>>) {add = true}
      %dma_start3A_250 = arith.constant 0 : i32
      %dma_start3A_251 = tpu.memref_slice %arg19[%dma_start3A_250] : memref<100352xf32, #tpu.memory_space<vmem_shared>> -> memref<100352xf32, #tpu.memory_space<vmem_shared>>
      tpu.enqueue_indirect_dma source(%arg15 : memref<2048xf32, #tpu.memory_space<vmem>>) target(%dma_start3A_251 : memref<100352xf32, #tpu.memory_space<vmem_shared>>) offsets(%arg11 : memref<2048xi32, #tpu.memory_space<vmem>>) semaphore(%arg22 : memref<!tpu.dma_semaphore, #tpu.memory_space<semaphore_mem>>) {add = true}
      %add3A_252 = arith.constant 2 : i32
      %add3A_253 = arith.addi %add3A_215, %add3A_252 : i32
      %mul3A_254 = arith.constant 32 : i32
      %mul3A_255 = arith.muli %add3A_253, %mul3A_254 : i32
      %add3A_256 = arith.addi %add3A, %mul3A_255 : i32
      %min3A_257 = arith.constant 3124 : i32
      %min3A_258 = arith.minsi %add3A_256, %min3A_257 : i32
      %lt3A_259 = arith.constant 3125 : i32
      %lt3A_260 = arith.cmpi slt, %add3A_256, %lt3A_259 : i32
      %mul3A_261 = arith.constant 2048 : i32
      %mul3A_262 = arith.muli %min3A_258, %mul3A_261 : i32
      %dma_start3A_263 = arith.constant 0 : i32
      %dma_start3A_264 = tpu.memref_slice %arg2[%dma_start3A_263, %mul3A_262] : memref<2x6400000xi32, #tpu.memory_space<hbm>> -> memref<2x2048xi32, #tpu.memory_space<hbm>>
      %dma_start3A_265 = arith.constant 0 : i32
      %dma_start3A_266 = tpu.memref_slice %arg2[%dma_start3A_265, %mul3A_262] : memref<2x6400000xi32, #tpu.memory_space<hbm>> -> memref<2x2048xi32, #tpu.memory_space<hbm>>
      tpu.enqueue_dma source(%dma_start3A_266 : memref<2x2048xi32, #tpu.memory_space<hbm>>) target(%arg7 : memref<2x2048xi32, #tpu.memory_space<vmem>>) target_semaphore(%arg20 : memref<!tpu.dma_semaphore, #tpu.memory_space<semaphore_mem>>)
      %dma_start3A_267 = tpu.memref_slice %arg3[%mul3A_262] : memref<6400000xf32, #tpu.memory_space<hbm>> -> memref<2048xf32, #tpu.memory_space<hbm>>
      %dma_start3A_268 = tpu.memref_slice %arg3[%mul3A_262] : memref<6400000xf32, #tpu.memory_space<hbm>> -> memref<2048xf32, #tpu.memory_space<hbm>>
      tpu.enqueue_dma source(%dma_start3A_268 : memref<2048xf32, #tpu.memory_space<hbm>>) target(%arg9 : memref<2048xf32, #tpu.memory_space<vmem>>) target_semaphore(%arg20 : memref<!tpu.dma_semaphore, #tpu.memory_space<semaphore_mem>>)
      %add3A_269 = arith.constant 1 : i32
      %add3A_270 = arith.addi %add3A_215, %add3A_269 : i32
      %mul3A_271 = arith.constant 32 : i32
      %mul3A_272 = arith.muli %add3A_270, %mul3A_271 : i32
      %add3A_273 = arith.addi %add3A, %mul3A_272 : i32
      %min3A_274 = arith.constant 3124 : i32
      %min3A_275 = arith.minsi %add3A_273, %min3A_274 : i32
      %lt3A_276 = arith.constant 3125 : i32
      %lt3A_277 = arith.cmpi slt, %add3A_273, %lt3A_276 : i32
      %mul3A_278 = arith.constant 2048 : i32
      %mul3A_279 = arith.muli %min3A_275, %mul3A_278 : i32
      %dma_wait3A_280 = arith.constant 0 : i32
      %dma_wait3A_281 = tpu.memref_slice %arg2[%dma_wait3A_280, %mul3A_279] : memref<2x6400000xi32, #tpu.memory_space<hbm>> -> memref<2x2048xi32, #tpu.memory_space<hbm>>
      %dma_wait3A_282 = arith.constant 0 : i32
      %dma_wait3A_283 = tpu.memref_slice %arg2[%dma_wait3A_282, %mul3A_279] : memref<2x6400000xi32, #tpu.memory_space<hbm>> -> memref<2x2048xi32, #tpu.memory_space<hbm>>
      tpu.wait_dma2 semaphore(%arg21 : memref<!tpu.dma_semaphore, #tpu.memory_space<semaphore_mem>>) src(%dma_wait3A_283 : memref<2x2048xi32, #tpu.memory_space<hbm>>) dst(%arg8 : memref<2x2048xi32, #tpu.memory_space<vmem>>)
      %dma_wait3A_284 = tpu.memref_slice %arg3[%mul3A_279] : memref<6400000xf32, #tpu.memory_space<hbm>> -> memref<2048xf32, #tpu.memory_space<hbm>>
      %dma_wait3A_285 = tpu.memref_slice %arg3[%mul3A_279] : memref<6400000xf32, #tpu.memory_space<hbm>> -> memref<2048xf32, #tpu.memory_space<hbm>>
      tpu.wait_dma2 semaphore(%arg21 : memref<!tpu.dma_semaphore, #tpu.memory_space<semaphore_mem>>) src(%dma_wait3A_285 : memref<2048xf32, #tpu.memory_space<hbm>>) dst(%arg10 : memref<2048xf32, #tpu.memory_space<vmem>>)
      %dma_wait3A_286 = arith.constant 0 : i32
      %dma_wait3A_287 = tpu.memref_slice %arg18[%dma_wait3A_286] : memref<100352xf32, #tpu.memory_space<vmem_shared>> -> memref<100352xf32, #tpu.memory_space<vmem_shared>>
      tpu.wait_indirect_dma semaphore(%arg23 : memref<!tpu.dma_semaphore, #tpu.memory_space<semaphore_mem>>) src(%arg14 : memref<2048xf32, #tpu.memory_space<vmem>>) dst(%dma_wait3A_287 : memref<100352xf32, #tpu.memory_space<vmem_shared>>)
      %dma_wait3A_288 = arith.constant 0 : i32
      %dma_wait3A_289 = tpu.memref_slice %arg19[%dma_wait3A_288] : memref<100352xf32, #tpu.memory_space<vmem_shared>> -> memref<100352xf32, #tpu.memory_space<vmem_shared>>
      tpu.wait_indirect_dma semaphore(%arg23 : memref<!tpu.dma_semaphore, #tpu.memory_space<semaphore_mem>>) src(%arg16 : memref<2048xf32, #tpu.memory_space<vmem>>) dst(%dma_wait3A_289 : memref<100352xf32, #tpu.memory_space<vmem_shared>>)
      %add3A_290 = arith.constant 1 : i32
      %add3A_291 = arith.addi %add3A_215, %add3A_290 : i32
      %mul3A_292 = arith.constant 32 : i32
      %mul3A_293 = arith.muli %add3A_291, %mul3A_292 : i32
      %add3A_294 = arith.addi %add3A, %mul3A_293 : i32
      %min3A_295 = arith.constant 3124 : i32
      %min3A_296 = arith.minsi %add3A_294, %min3A_295 : i32
      %lt3A_297 = arith.constant 3125 : i32
      %lt3A_298 = arith.cmpi slt, %add3A_294, %lt3A_297 : i32
      %jit3A_299 = arith.constant 1.000000e+00 : f32
      %jit3A_300 = arith.constant 0.000000e+00 : f32
      %select_n3A_301 = arith.select %lt3A_298, %jit3A_299, %jit3A_300 : f32
      %parallel_loop3A_302 = arith.constant 0 : i32
      %parallel_loop3A_303 = arith.constant 2048 : i32
      %parallel_loop3A_304 = arith.constant 16 : i32
      scf.for %parallel_loop3A_326 = %parallel_loop3A_302 to %parallel_loop3A_303 step %parallel_loop3A_304  : i32 {
        %parallel_loop3A_327 = arith.constant 0 : i32
        %parallel_loop3A_328 = arith.index_cast %parallel_loop3A_327 : i32 to index
        %parallel_loop3A_329 = arith.index_cast %parallel_loop3A_326 : i32 to index
        %parallel_loop3A_330 = tpu.vector_load %arg8[%parallel_loop3A_328, %parallel_loop3A_329] {strides = array<i32>} : memref<2x2048xi32, #tpu.memory_space<vmem>>, vector<16xi32>,
        %parallel_loop3A_331 = arith.constant 1 : i32
        %parallel_loop3A_332 = arith.index_cast %parallel_loop3A_331 : i32 to index
        %parallel_loop3A_333 = arith.index_cast %parallel_loop3A_326 : i32 to index
        %parallel_loop3A_334 = tpu.vector_load %arg8[%parallel_loop3A_332, %parallel_loop3A_333] {strides = array<i32>} : memref<2x2048xi32, #tpu.memory_space<vmem>>, vector<16xi32>,
        %parallel_loop3A_335 = arith.index_cast %parallel_loop3A_326 : i32 to index
        %parallel_loop3A_336 = tpu.vector_load %arg10[%parallel_loop3A_335] {strides = array<i32>} : memref<2048xf32, #tpu.memory_space<vmem>>, vector<16xf32>,
        %parallel_loop3A_337 = arith.index_cast %parallel_loop3A_326 : i32 to index
        %parallel_loop3A_338 = tpu.vector_load %arg12[%parallel_loop3A_337] {strides = array<i32>} : memref<2048xi32, #tpu.memory_space<vmem>>, vector<16xi32>,
        tpu.vector_store %arg12[%parallel_loop3A_337], %parallel_loop3A_330 {strides = array<i32>} : memref<2048xi32, #tpu.memory_space<vmem>>, vector<16xi32>,
        %parallel_loop3A_339 = arith.constant 2 : i32
        %parallel_loop3A_340 = vector.broadcast %parallel_loop3A_339 : i32 to vector<16xi32>
        %parallel_loop3A_341 = arith.shrsi %parallel_loop3A_330, %parallel_loop3A_340 : vector<16xi32>
        %parallel_loop3A_342 = tpu.vector_load_idx %arg6[%parallel_loop3A_341] : memref<25000xi32, #tpu.memory_space<vmem>>[vector<16xi32>], vector<16xi32>,
        %parallel_loop3A_343 = arith.constant 2 : i32
        %parallel_loop3A_344 = vector.broadcast %parallel_loop3A_343 : i32 to vector<16xi32>
        %parallel_loop3A_345 = arith.shrsi %parallel_loop3A_334, %parallel_loop3A_344 : vector<16xi32>
        %parallel_loop3A_346 = tpu.vector_load_idx %arg6[%parallel_loop3A_345] : memref<25000xi32, #tpu.memory_space<vmem>>[vector<16xi32>], vector<16xi32>,
        %parallel_loop3A_347 = arith.constant 3 : i32
        %parallel_loop3A_348 = vector.broadcast %parallel_loop3A_347 : i32 to vector<16xi32>
        %parallel_loop3A_349 = arith.andi %parallel_loop3A_330, %parallel_loop3A_348 : vector<16xi32>
        %parallel_loop3A_350 = arith.constant 3 : i32
        %parallel_loop3A_351 = vector.broadcast %parallel_loop3A_350 : i32 to vector<16xi32>
        %parallel_loop3A_352 = arith.shli %parallel_loop3A_349, %parallel_loop3A_351 : vector<16xi32>
        %parallel_loop3A_353 = arith.shrsi %parallel_loop3A_342, %parallel_loop3A_352 : vector<16xi32>
        %parallel_loop3A_354 = arith.constant 3 : i32
        %parallel_loop3A_355 = vector.broadcast %parallel_loop3A_354 : i32 to vector<16xi32>
        %parallel_loop3A_356 = arith.andi %parallel_loop3A_334, %parallel_loop3A_355 : vector<16xi32>
        %parallel_loop3A_357 = arith.constant 3 : i32
        %parallel_loop3A_358 = vector.broadcast %parallel_loop3A_357 : i32 to vector<16xi32>
        %parallel_loop3A_359 = arith.shli %parallel_loop3A_356, %parallel_loop3A_358 : vector<16xi32>
        %parallel_loop3A_360 = arith.shrsi %parallel_loop3A_346, %parallel_loop3A_359 : vector<16xi32>
        %parallel_loop3A_361 = arith.xori %parallel_loop3A_353, %parallel_loop3A_360 : vector<16xi32>
        %parallel_loop3A_362 = arith.constant 255 : i32
        %parallel_loop3A_363 = vector.broadcast %parallel_loop3A_362 : i32 to vector<16xi32>
        %parallel_loop3A_364 = arith.andi %parallel_loop3A_361, %parallel_loop3A_363 : vector<16xi32>
        %parallel_loop3A_365 = arith.constant 0 : i32
        %parallel_loop3A_366 = vector.broadcast %parallel_loop3A_365 : i32 to vector<16xi32>
        %parallel_loop3A_367 = arith.cmpi eq, %parallel_loop3A_364, %parallel_loop3A_366 : vector<16xi32>
        %parallel_loop3A_368 = arith.constant 14.2857141 : f32
        %parallel_loop3A_369 = vector.broadcast %parallel_loop3A_368 : f32 to vector<16xf32>
        %parallel_loop3A_370 = arith.mulf %parallel_loop3A_336, %parallel_loop3A_369 : vector<16xf32>
        %parallel_loop3A_371 = math.exp %parallel_loop3A_370 : vector<16xf32>
        %parallel_loop3A_372 = vector.broadcast %select_n3A_301 : f32 to vector<16xf32>
        %parallel_loop3A_373 = arith.mulf %parallel_loop3A_371, %parallel_loop3A_372 : vector<16xf32>
        %parallel_loop3A_374 = arith.constant 0.000000e+00 : f32
        %parallel_loop3A_375 = vector.broadcast %parallel_loop3A_374 : f32 to vector<16xf32>
        %parallel_loop3A_376 = arith.select %parallel_loop3A_367, %parallel_loop3A_373, %parallel_loop3A_375 : vector<16xi1>, vector<16xf32>
        %parallel_loop3A_377 = arith.index_cast %parallel_loop3A_326 : i32 to index
        %parallel_loop3A_378 = tpu.vector_load %arg14[%parallel_loop3A_377] {strides = array<i32>} : memref<2048xf32, #tpu.memory_space<vmem>>, vector<16xf32>,
        tpu.vector_store %arg14[%parallel_loop3A_377], %parallel_loop3A_376 {strides = array<i32>} : memref<2048xf32, #tpu.memory_space<vmem>>, vector<16xf32>,
        %parallel_loop3A_379 = arith.constant 0.000000e+00 : f32
        %parallel_loop3A_380 = vector.broadcast %parallel_loop3A_379 : f32 to vector<16xf32>
        %parallel_loop3A_381 = arith.select %parallel_loop3A_367, %parallel_loop3A_380, %parallel_loop3A_373 : vector<16xi1>, vector<16xf32>
        %parallel_loop3A_382 = arith.index_cast %parallel_loop3A_326 : i32 to index
        %parallel_loop3A_383 = tpu.vector_load %arg16[%parallel_loop3A_382] {strides = array<i32>} : memref<2048xf32, #tpu.memory_space<vmem>>, vector<16xf32>,
        tpu.vector_store %arg16[%parallel_loop3A_382], %parallel_loop3A_381 {strides = array<i32>} : memref<2048xf32, #tpu.memory_space<vmem>>, vector<16xf32>,
      } {sc.loop_unroll_factor = 8 : i64, sc.parallel_access}
      %dma_start3A_305 = arith.constant 0 : i32
      %dma_start3A_306 = tpu.memref_slice %arg18[%dma_start3A_305] : memref<100352xf32, #tpu.memory_space<vmem_shared>> -> memref<100352xf32, #tpu.memory_space<vmem_shared>>
      tpu.enqueue_indirect_dma source(%arg14 : memref<2048xf32, #tpu.memory_space<vmem>>) target(%dma_start3A_306 : memref<100352xf32, #tpu.memory_space<vmem_shared>>) offsets(%arg12 : memref<2048xi32, #tpu.memory_space<vmem>>) semaphore(%arg23 : memref<!tpu.dma_semaphore, #tpu.memory_space<semaphore_mem>>) {add = true}
      %dma_start3A_307 = arith.constant 0 : i32
      %dma_start3A_308 = tpu.memref_slice %arg19[%dma_start3A_307] : memref<100352xf32, #tpu.memory_space<vmem_shared>> -> memref<100352xf32, #tpu.memory_space<vmem_shared>>
      tpu.enqueue_indirect_dma source(%arg16 : memref<2048xf32, #tpu.memory_space<vmem>>) target(%dma_start3A_308 : memref<100352xf32, #tpu.memory_space<vmem_shared>>) offsets(%arg12 : memref<2048xi32, #tpu.memory_space<vmem>>) semaphore(%arg23 : memref<!tpu.dma_semaphore, #tpu.memory_space<semaphore_mem>>) {add = true}
      %add3A_309 = arith.constant 3 : i32
      %add3A_310 = arith.addi %add3A_215, %add3A_309 : i32
      %mul3A_311 = arith.constant 32 : i32
      %mul3A_312 = arith.muli %add3A_310, %mul3A_311 : i32
      %add3A_313 = arith.addi %add3A, %mul3A_312 : i32
      %min3A_314 = arith.constant 3124 : i32
      %min3A_315 = arith.minsi %add3A_313, %min3A_314 : i32
      %lt3A_316 = arith.constant 3125 : i32
      %lt3A_317 = arith.cmpi slt, %add3A_313, %lt3A_316 : i32
      %mul3A_318 = arith.constant 2048 : i32
      %mul3A_319 = arith.muli %min3A_315, %mul3A_318 : i32
      %dma_start3A_320 = arith.constant 0 : i32
      %dma_start3A_321 = tpu.memref_slice %arg2[%dma_start3A_320, %mul3A_319] : memref<2x6400000xi32, #tpu.memory_space<hbm>> -> memref<2x2048xi32, #tpu.memory_space<hbm>>
      %dma_start3A_322 = arith.constant 0 : i32
      %dma_start3A_323 = tpu.memref_slice %arg2[%dma_start3A_322, %mul3A_319] : memref<2x6400000xi32, #tpu.memory_space<hbm>> -> memref<2x2048xi32, #tpu.memory_space<hbm>>
      tpu.enqueue_dma source(%dma_start3A_323 : memref<2x2048xi32, #tpu.memory_space<hbm>>) target(%arg8 : memref<2x2048xi32, #tpu.memory_space<vmem>>) target_semaphore(%arg21 : memref<!tpu.dma_semaphore, #tpu.memory_space<semaphore_mem>>)
      %dma_start3A_324 = tpu.memref_slice %arg3[%mul3A_319] : memref<6400000xf32, #tpu.memory_space<hbm>> -> memref<2048xf32, #tpu.memory_space<hbm>>
      %dma_start3A_325 = tpu.memref_slice %arg3[%mul3A_319] : memref<6400000xf32, #tpu.memory_space<hbm>> -> memref<2048xf32, #tpu.memory_space<hbm>>
      tpu.enqueue_dma source(%dma_start3A_325 : memref<2048xf32, #tpu.memory_space<hbm>>) target(%arg10 : memref<2048xf32, #tpu.memory_space<vmem>>) target_semaphore(%arg21 : memref<!tpu.dma_semaphore, #tpu.memory_space<semaphore_mem>>)
    }
    %scan3A_122 = arith.constant 47 : i32
    %add3A_123 = arith.constant 3072 : i32
    %add3A_124 = arith.addi %add3A, %add3A_123 : i32
    %min3A_125 = arith.constant 3124 : i32
    %min3A_126 = arith.minsi %add3A_124, %min3A_125 : i32
    %lt3A_127 = arith.constant 3125 : i32
    %lt3A_128 = arith.cmpi slt, %add3A_124, %lt3A_127 : i32
    %mul3A_129 = arith.constant 2048 : i32
    %mul3A_130 = arith.muli %min3A_126, %mul3A_129 : i32
    %dma_wait3A_131 = arith.constant 0 : i32
    %dma_wait3A_132 = tpu.memref_slice %arg2[%dma_wait3A_131, %mul3A_130] : memref<2x6400000xi32, #tpu.memory_space<hbm>> -> memref<2x2048xi32, #tpu.memory_space<hbm>>
    %dma_wait3A_133 = arith.constant 0 : i32
    %dma_wait3A_134 = tpu.memref_slice %arg2[%dma_wait3A_133, %mul3A_130] : memref<2x6400000xi32, #tpu.memory_space<hbm>> -> memref<2x2048xi32, #tpu.memory_space<hbm>>
    tpu.wait_dma2 semaphore(%arg20 : memref<!tpu.dma_semaphore, #tpu.memory_space<semaphore_mem>>) src(%dma_wait3A_134 : memref<2x2048xi32, #tpu.memory_space<hbm>>) dst(%arg7 : memref<2x2048xi32, #tpu.memory_space<vmem>>)
    %dma_wait3A_135 = tpu.memref_slice %arg3[%mul3A_130] : memref<6400000xf32, #tpu.memory_space<hbm>> -> memref<2048xf32, #tpu.memory_space<hbm>>
    %dma_wait3A_136 = tpu.memref_slice %arg3[%mul3A_130] : memref<6400000xf32, #tpu.memory_space<hbm>> -> memref<2048xf32, #tpu.memory_space<hbm>>
    tpu.wait_dma2 semaphore(%arg20 : memref<!tpu.dma_semaphore, #tpu.memory_space<semaphore_mem>>) src(%dma_wait3A_136 : memref<2048xf32, #tpu.memory_space<hbm>>) dst(%arg9 : memref<2048xf32, #tpu.memory_space<vmem>>)
    %dma_wait3A_137 = arith.constant 0 : i32
    %dma_wait3A_138 = tpu.memref_slice %arg18[%dma_wait3A_137] : memref<100352xf32, #tpu.memory_space<vmem_shared>> -> memref<100352xf32, #tpu.memory_space<vmem_shared>>
    tpu.wait_indirect_dma semaphore(%arg22 : memref<!tpu.dma_semaphore, #tpu.memory_space<semaphore_mem>>) src(%arg13 : memref<2048xf32, #tpu.memory_space<vmem>>) dst(%dma_wait3A_138 : memref<100352xf32, #tpu.memory_space<vmem_shared>>)
    %dma_wait3A_139 = arith.constant 0 : i32
    %dma_wait3A_140 = tpu.memref_slice %arg19[%dma_wait3A_139] : memref<100352xf32, #tpu.memory_space<vmem_shared>> -> memref<100352xf32, #tpu.memory_space<vmem_shared>>
    tpu.wait_indirect_dma semaphore(%arg22 : memref<!tpu.dma_semaphore, #tpu.memory_space<semaphore_mem>>) src(%arg15 : memref<2048xf32, #tpu.memory_space<vmem>>) dst(%dma_wait3A_140 : memref<100352xf32, #tpu.memory_space<vmem_shared>>)
    %add3A_141 = arith.constant 3072 : i32
    %add3A_142 = arith.addi %add3A, %add3A_141 : i32
    %min3A_143 = arith.constant 3124 : i32
    %min3A_144 = arith.minsi %add3A_142, %min3A_143 : i32
    %lt3A_145 = arith.constant 3125 : i32
    %lt3A_146 = arith.cmpi slt, %add3A_142, %lt3A_145 : i32
    %jit3A_147 = arith.constant 1.000000e+00 : f32
    %jit3A_148 = arith.constant 0.000000e+00 : f32
    %select_n3A_149 = arith.select %lt3A_146, %jit3A_147, %jit3A_148 : f32
    %parallel_loop3A_150 = arith.constant 0 : i32
    %parallel_loop3A_151 = arith.constant 2048 : i32
    %parallel_loop3A_152 = arith.constant 16 : i32
    scf.for %parallel_loop3A_211 = %parallel_loop3A_150 to %parallel_loop3A_151 step %parallel_loop3A_152  : i32 {
      %parallel_loop3A_212 = arith.constant 0 : i32
      %parallel_loop3A_213 = arith.index_cast %parallel_loop3A_212 : i32 to index
      %parallel_loop3A_214 = arith.index_cast %parallel_loop3A_211 : i32 to index
      %parallel_loop3A_215 = tpu.vector_load %arg7[%parallel_loop3A_213, %parallel_loop3A_214] {strides = array<i32>} : memref<2x2048xi32, #tpu.memory_space<vmem>>, vector<16xi32>,
      %parallel_loop3A_216 = arith.constant 1 : i32
      %parallel_loop3A_217 = arith.index_cast %parallel_loop3A_216 : i32 to index
      %parallel_loop3A_218 = arith.index_cast %parallel_loop3A_211 : i32 to index
      %parallel_loop3A_219 = tpu.vector_load %arg7[%parallel_loop3A_217, %parallel_loop3A_218] {strides = array<i32>} : memref<2x2048xi32, #tpu.memory_space<vmem>>, vector<16xi32>,
      %parallel_loop3A_220 = arith.index_cast %parallel_loop3A_211 : i32 to index
      %parallel_loop3A_221 = tpu.vector_load %arg9[%parallel_loop3A_220] {strides = array<i32>} : memref<2048xf32, #tpu.memory_space<vmem>>, vector<16xf32>,
      %parallel_loop3A_222 = arith.index_cast %parallel_loop3A_211 : i32 to index
      %parallel_loop3A_223 = tpu.vector_load %arg11[%parallel_loop3A_222] {strides = array<i32>} : memref<2048xi32, #tpu.memory_space<vmem>>, vector<16xi32>,
      tpu.vector_store %arg11[%parallel_loop3A_222], %parallel_loop3A_215 {strides = array<i32>} : memref<2048xi32, #tpu.memory_space<vmem>>, vector<16xi32>,
      %parallel_loop3A_224 = arith.constant 2 : i32
      %parallel_loop3A_225 = vector.broadcast %parallel_loop3A_224 : i32 to vector<16xi32>
      %parallel_loop3A_226 = arith.shrsi %parallel_loop3A_215, %parallel_loop3A_225 : vector<16xi32>
      %parallel_loop3A_227 = tpu.vector_load_idx %arg6[%parallel_loop3A_226] : memref<25000xi32, #tpu.memory_space<vmem>>[vector<16xi32>], vector<16xi32>,
      %parallel_loop3A_228 = arith.constant 2 : i32
      %parallel_loop3A_229 = vector.broadcast %parallel_loop3A_228 : i32 to vector<16xi32>
      %parallel_loop3A_230 = arith.shrsi %parallel_loop3A_219, %parallel_loop3A_229 : vector<16xi32>
      %parallel_loop3A_231 = tpu.vector_load_idx %arg6[%parallel_loop3A_230] : memref<25000xi32, #tpu.memory_space<vmem>>[vector<16xi32>], vector<16xi32>,
      %parallel_loop3A_232 = arith.constant 3 : i32
      %parallel_loop3A_233 = vector.broadcast %parallel_loop3A_232 : i32 to vector<16xi32>
      %parallel_loop3A_234 = arith.andi %parallel_loop3A_215, %parallel_loop3A_233 : vector<16xi32>
      %parallel_loop3A_235 = arith.constant 3 : i32
      %parallel_loop3A_236 = vector.broadcast %parallel_loop3A_235 : i32 to vector<16xi32>
      %parallel_loop3A_237 = arith.shli %parallel_loop3A_234, %parallel_loop3A_236 : vector<16xi32>
      %parallel_loop3A_238 = arith.shrsi %parallel_loop3A_227, %parallel_loop3A_237 : vector<16xi32>
      %parallel_loop3A_239 = arith.constant 3 : i32
      %parallel_loop3A_240 = vector.broadcast %parallel_loop3A_239 : i32 to vector<16xi32>
      %parallel_loop3A_241 = arith.andi %parallel_loop3A_219, %parallel_loop3A_240 : vector<16xi32>
      %parallel_loop3A_242 = arith.constant 3 : i32
      %parallel_loop3A_243 = vector.broadcast %parallel_loop3A_242 : i32 to vector<16xi32>
      %parallel_loop3A_244 = arith.shli %parallel_loop3A_241, %parallel_loop3A_243 : vector<16xi32>
      %parallel_loop3A_245 = arith.shrsi %parallel_loop3A_231, %parallel_loop3A_244 : vector<16xi32>
      %parallel_loop3A_246 = arith.xori %parallel_loop3A_238, %parallel_loop3A_245 : vector<16xi32>
      %parallel_loop3A_247 = arith.constant 255 : i32
      %parallel_loop3A_248 = vector.broadcast %parallel_loop3A_247 : i32 to vector<16xi32>
      %parallel_loop3A_249 = arith.andi %parallel_loop3A_246, %parallel_loop3A_248 : vector<16xi32>
      %parallel_loop3A_250 = arith.constant 0 : i32
      %parallel_loop3A_251 = vector.broadcast %parallel_loop3A_250 : i32 to vector<16xi32>
      %parallel_loop3A_252 = arith.cmpi eq, %parallel_loop3A_249, %parallel_loop3A_251 : vector<16xi32>
      %parallel_loop3A_253 = arith.constant 14.2857141 : f32
      %parallel_loop3A_254 = vector.broadcast %parallel_loop3A_253 : f32 to vector<16xf32>
      %parallel_loop3A_255 = arith.mulf %parallel_loop3A_221, %parallel_loop3A_254 : vector<16xf32>
      %parallel_loop3A_256 = math.exp %parallel_loop3A_255 : vector<16xf32>
      %parallel_loop3A_257 = vector.broadcast %select_n3A_149 : f32 to vector<16xf32>
      %parallel_loop3A_258 = arith.mulf %parallel_loop3A_256, %parallel_loop3A_257 : vector<16xf32>
      %parallel_loop3A_259 = arith.constant 0.000000e+00 : f32
      %parallel_loop3A_260 = vector.broadcast %parallel_loop3A_259 : f32 to vector<16xf32>
      %parallel_loop3A_261 = arith.select %parallel_loop3A_252, %parallel_loop3A_258, %parallel_loop3A_260 : vector<16xi1>, vector<16xf32>
      %parallel_loop3A_262 = arith.index_cast %parallel_loop3A_211 : i32 to index
      %parallel_loop3A_263 = tpu.vector_load %arg13[%parallel_loop3A_262] {strides = array<i32>} : memref<2048xf32, #tpu.memory_space<vmem>>, vector<16xf32>,
      tpu.vector_store %arg13[%parallel_loop3A_262], %parallel_loop3A_261 {strides = array<i32>} : memref<2048xf32, #tpu.memory_space<vmem>>, vector<16xf32>,
      %parallel_loop3A_264 = arith.constant 0.000000e+00 : f32
      %parallel_loop3A_265 = vector.broadcast %parallel_loop3A_264 : f32 to vector<16xf32>
      %parallel_loop3A_266 = arith.select %parallel_loop3A_252, %parallel_loop3A_265, %parallel_loop3A_258 : vector<16xi1>, vector<16xf32>
      %parallel_loop3A_267 = arith.index_cast %parallel_loop3A_211 : i32 to index
      %parallel_loop3A_268 = tpu.vector_load %arg15[%parallel_loop3A_267] {strides = array<i32>} : memref<2048xf32, #tpu.memory_space<vmem>>, vector<16xf32>,
      tpu.vector_store %arg15[%parallel_loop3A_267], %parallel_loop3A_266 {strides = array<i32>} : memref<2048xf32, #tpu.memory_space<vmem>>, vector<16xf32>,
    } {sc.loop_unroll_factor = 8 : i64, sc.parallel_access}
    %dma_start3A_153 = arith.constant 0 : i32
    %dma_start3A_154 = tpu.memref_slice %arg18[%dma_start3A_153] : memref<100352xf32, #tpu.memory_space<vmem_shared>> -> memref<100352xf32, #tpu.memory_space<vmem_shared>>
    tpu.enqueue_indirect_dma source(%arg13 : memref<2048xf32, #tpu.memory_space<vmem>>) target(%dma_start3A_154 : memref<100352xf32, #tpu.memory_space<vmem_shared>>) offsets(%arg11 : memref<2048xi32, #tpu.memory_space<vmem>>) semaphore(%arg22 : memref<!tpu.dma_semaphore, #tpu.memory_space<semaphore_mem>>) {add = true}
    %dma_start3A_155 = arith.constant 0 : i32
    %dma_start3A_156 = tpu.memref_slice %arg19[%dma_start3A_155] : memref<100352xf32, #tpu.memory_space<vmem_shared>> -> memref<100352xf32, #tpu.memory_space<vmem_shared>>
    tpu.enqueue_indirect_dma source(%arg15 : memref<2048xf32, #tpu.memory_space<vmem>>) target(%dma_start3A_156 : memref<100352xf32, #tpu.memory_space<vmem_shared>>) offsets(%arg11 : memref<2048xi32, #tpu.memory_space<vmem>>) semaphore(%arg22 : memref<!tpu.dma_semaphore, #tpu.memory_space<semaphore_mem>>) {add = true}
    %add3A_157 = arith.constant 3104 : i32
    %add3A_158 = arith.addi %add3A, %add3A_157 : i32
    %min3A_159 = arith.constant 3124 : i32
    %min3A_160 = arith.minsi %add3A_158, %min3A_159 : i32
    %lt3A_161 = arith.constant 3125 : i32
    %lt3A_162 = arith.cmpi slt, %add3A_158, %lt3A_161 : i32
    %mul3A_163 = arith.constant 2048 : i32
    %mul3A_164 = arith.muli %min3A_160, %mul3A_163 : i32
    %dma_wait3A_165 = arith.constant 0 : i32
    %dma_wait3A_166 = tpu.memref_slice %arg2[%dma_wait3A_165, %mul3A_164] : memref<2x6400000xi32, #tpu.memory_space<hbm>> -> memref<2x2048xi32, #tpu.memory_space<hbm>>
    %dma_wait3A_167 = arith.constant 0 : i32
    %dma_wait3A_168 = tpu.memref_slice %arg2[%dma_wait3A_167, %mul3A_164] : memref<2x6400000xi32, #tpu.memory_space<hbm>> -> memref<2x2048xi32, #tpu.memory_space<hbm>>
    tpu.wait_dma2 semaphore(%arg21 : memref<!tpu.dma_semaphore, #tpu.memory_space<semaphore_mem>>) src(%dma_wait3A_168 : memref<2x2048xi32, #tpu.memory_space<hbm>>) dst(%arg8 : memref<2x2048xi32, #tpu.memory_space<vmem>>)
    %dma_wait3A_169 = tpu.memref_slice %arg3[%mul3A_164] : memref<6400000xf32, #tpu.memory_space<hbm>> -> memref<2048xf32, #tpu.memory_space<hbm>>
    %dma_wait3A_170 = tpu.memref_slice %arg3[%mul3A_164] : memref<6400000xf32, #tpu.memory_space<hbm>> -> memref<2048xf32, #tpu.memory_space<hbm>>
    tpu.wait_dma2 semaphore(%arg21 : memref<!tpu.dma_semaphore, #tpu.memory_space<semaphore_mem>>) src(%dma_wait3A_170 : memref<2048xf32, #tpu.memory_space<hbm>>) dst(%arg10 : memref<2048xf32, #tpu.memory_space<vmem>>)
    %dma_wait3A_171 = arith.constant 0 : i32
    %dma_wait3A_172 = tpu.memref_slice %arg18[%dma_wait3A_171] : memref<100352xf32, #tpu.memory_space<vmem_shared>> -> memref<100352xf32, #tpu.memory_space<vmem_shared>>
    tpu.wait_indirect_dma semaphore(%arg23 : memref<!tpu.dma_semaphore, #tpu.memory_space<semaphore_mem>>) src(%arg14 : memref<2048xf32, #tpu.memory_space<vmem>>) dst(%dma_wait3A_172 : memref<100352xf32, #tpu.memory_space<vmem_shared>>)
    %dma_wait3A_173 = arith.constant 0 : i32
    %dma_wait3A_174 = tpu.memref_slice %arg19[%dma_wait3A_173] : memref<100352xf32, #tpu.memory_space<vmem_shared>> -> memref<100352xf32, #tpu.memory_space<vmem_shared>>
    tpu.wait_indirect_dma semaphore(%arg23 : memref<!tpu.dma_semaphore, #tpu.memory_space<semaphore_mem>>) src(%arg16 : memref<2048xf32, #tpu.memory_space<vmem>>) dst(%dma_wait3A_174 : memref<100352xf32, #tpu.memory_space<vmem_shared>>)
    %add3A_175 = arith.constant 3104 : i32
    %add3A_176 = arith.addi %add3A, %add3A_175 : i32
    %min3A_177 = arith.constant 3124 : i32
    %min3A_178 = arith.minsi %add3A_176, %min3A_177 : i32
    %lt3A_179 = arith.constant 3125 : i32
    %lt3A_180 = arith.cmpi slt, %add3A_176, %lt3A_179 : i32
    %jit3A_181 = arith.constant 1.000000e+00 : f32
    %jit3A_182 = arith.constant 0.000000e+00 : f32
    %select_n3A_183 = arith.select %lt3A_180, %jit3A_181, %jit3A_182 : f32
    %parallel_loop3A_184 = arith.constant 0 : i32
    %parallel_loop3A_185 = arith.constant 2048 : i32
    %parallel_loop3A_186 = arith.constant 16 : i32
    scf.for %parallel_loop3A_211 = %parallel_loop3A_184 to %parallel_loop3A_185 step %parallel_loop3A_186  : i32 {
      %parallel_loop3A_212 = arith.constant 0 : i32
      %parallel_loop3A_213 = arith.index_cast %parallel_loop3A_212 : i32 to index
      %parallel_loop3A_214 = arith.index_cast %parallel_loop3A_211 : i32 to index
      %parallel_loop3A_215 = tpu.vector_load %arg8[%parallel_loop3A_213, %parallel_loop3A_214] {strides = array<i32>} : memref<2x2048xi32, #tpu.memory_space<vmem>>, vector<16xi32>,
      %parallel_loop3A_216 = arith.constant 1 : i32
      %parallel_loop3A_217 = arith.index_cast %parallel_loop3A_216 : i32 to index
      %parallel_loop3A_218 = arith.index_cast %parallel_loop3A_211 : i32 to index
      %parallel_loop3A_219 = tpu.vector_load %arg8[%parallel_loop3A_217, %parallel_loop3A_218] {strides = array<i32>} : memref<2x2048xi32, #tpu.memory_space<vmem>>, vector<16xi32>,
      %parallel_loop3A_220 = arith.index_cast %parallel_loop3A_211 : i32 to index
      %parallel_loop3A_221 = tpu.vector_load %arg10[%parallel_loop3A_220] {strides = array<i32>} : memref<2048xf32, #tpu.memory_space<vmem>>, vector<16xf32>,
      %parallel_loop3A_222 = arith.index_cast %parallel_loop3A_211 : i32 to index
      %parallel_loop3A_223 = tpu.vector_load %arg12[%parallel_loop3A_222] {strides = array<i32>} : memref<2048xi32, #tpu.memory_space<vmem>>, vector<16xi32>,
      tpu.vector_store %arg12[%parallel_loop3A_222], %parallel_loop3A_215 {strides = array<i32>} : memref<2048xi32, #tpu.memory_space<vmem>>, vector<16xi32>,
      %parallel_loop3A_224 = arith.constant 2 : i32
      %parallel_loop3A_225 = vector.broadcast %parallel_loop3A_224 : i32 to vector<16xi32>
      %parallel_loop3A_226 = arith.shrsi %parallel_loop3A_215, %parallel_loop3A_225 : vector<16xi32>
      %parallel_loop3A_227 = tpu.vector_load_idx %arg6[%parallel_loop3A_226] : memref<25000xi32, #tpu.memory_space<vmem>>[vector<16xi32>], vector<16xi32>,
      %parallel_loop3A_228 = arith.constant 2 : i32
      %parallel_loop3A_229 = vector.broadcast %parallel_loop3A_228 : i32 to vector<16xi32>
      %parallel_loop3A_230 = arith.shrsi %parallel_loop3A_219, %parallel_loop3A_229 : vector<16xi32>
      %parallel_loop3A_231 = tpu.vector_load_idx %arg6[%parallel_loop3A_230] : memref<25000xi32, #tpu.memory_space<vmem>>[vector<16xi32>], vector<16xi32>,
      %parallel_loop3A_232 = arith.constant 3 : i32
      %parallel_loop3A_233 = vector.broadcast %parallel_loop3A_232 : i32 to vector<16xi32>
      %parallel_loop3A_234 = arith.andi %parallel_loop3A_215, %parallel_loop3A_233 : vector<16xi32>
      %parallel_loop3A_235 = arith.constant 3 : i32
      %parallel_loop3A_236 = vector.broadcast %parallel_loop3A_235 : i32 to vector<16xi32>
      %parallel_loop3A_237 = arith.shli %parallel_loop3A_234, %parallel_loop3A_236 : vector<16xi32>
      %parallel_loop3A_238 = arith.shrsi %parallel_loop3A_227, %parallel_loop3A_237 : vector<16xi32>
      %parallel_loop3A_239 = arith.constant 3 : i32
      %parallel_loop3A_240 = vector.broadcast %parallel_loop3A_239 : i32 to vector<16xi32>
      %parallel_loop3A_241 = arith.andi %parallel_loop3A_219, %parallel_loop3A_240 : vector<16xi32>
      %parallel_loop3A_242 = arith.constant 3 : i32
      %parallel_loop3A_243 = vector.broadcast %parallel_loop3A_242 : i32 to vector<16xi32>
      %parallel_loop3A_244 = arith.shli %parallel_loop3A_241, %parallel_loop3A_243 : vector<16xi32>
      %parallel_loop3A_245 = arith.shrsi %parallel_loop3A_231, %parallel_loop3A_244 : vector<16xi32>
      %parallel_loop3A_246 = arith.xori %parallel_loop3A_238, %parallel_loop3A_245 : vector<16xi32>
      %parallel_loop3A_247 = arith.constant 255 : i32
      %parallel_loop3A_248 = vector.broadcast %parallel_loop3A_247 : i32 to vector<16xi32>
      %parallel_loop3A_249 = arith.andi %parallel_loop3A_246, %parallel_loop3A_248 : vector<16xi32>
      %parallel_loop3A_250 = arith.constant 0 : i32
      %parallel_loop3A_251 = vector.broadcast %parallel_loop3A_250 : i32 to vector<16xi32>
      %parallel_loop3A_252 = arith.cmpi eq, %parallel_loop3A_249, %parallel_loop3A_251 : vector<16xi32>
      %parallel_loop3A_253 = arith.constant 14.2857141 : f32
      %parallel_loop3A_254 = vector.broadcast %parallel_loop3A_253 : f32 to vector<16xf32>
      %parallel_loop3A_255 = arith.mulf %parallel_loop3A_221, %parallel_loop3A_254 : vector<16xf32>
      %parallel_loop3A_256 = math.exp %parallel_loop3A_255 : vector<16xf32>
      %parallel_loop3A_257 = vector.broadcast %select_n3A_183 : f32 to vector<16xf32>
      %parallel_loop3A_258 = arith.mulf %parallel_loop3A_256, %parallel_loop3A_257 : vector<16xf32>
      %parallel_loop3A_259 = arith.constant 0.000000e+00 : f32
      %parallel_loop3A_260 = vector.broadcast %parallel_loop3A_259 : f32 to vector<16xf32>
      %parallel_loop3A_261 = arith.select %parallel_loop3A_252, %parallel_loop3A_258, %parallel_loop3A_260 : vector<16xi1>, vector<16xf32>
      %parallel_loop3A_262 = arith.index_cast %parallel_loop3A_211 : i32 to index
      %parallel_loop3A_263 = tpu.vector_load %arg14[%parallel_loop3A_262] {strides = array<i32>} : memref<2048xf32, #tpu.memory_space<vmem>>, vector<16xf32>,
      tpu.vector_store %arg14[%parallel_loop3A_262], %parallel_loop3A_261 {strides = array<i32>} : memref<2048xf32, #tpu.memory_space<vmem>>, vector<16xf32>,
      %parallel_loop3A_264 = arith.constant 0.000000e+00 : f32
      %parallel_loop3A_265 = vector.broadcast %parallel_loop3A_264 : f32 to vector<16xf32>
      %parallel_loop3A_266 = arith.select %parallel_loop3A_252, %parallel_loop3A_265, %parallel_loop3A_258 : vector<16xi1>, vector<16xf32>
      %parallel_loop3A_267 = arith.index_cast %parallel_loop3A_211 : i32 to index
      %parallel_loop3A_268 = tpu.vector_load %arg16[%parallel_loop3A_267] {strides = array<i32>} : memref<2048xf32, #tpu.memory_space<vmem>>, vector<16xf32>,
      tpu.vector_store %arg16[%parallel_loop3A_267], %parallel_loop3A_266 {strides = array<i32>} : memref<2048xf32, #tpu.memory_space<vmem>>, vector<16xf32>,
    } {sc.loop_unroll_factor = 8 : i64, sc.parallel_access}
    %dma_start3A_187 = arith.constant 0 : i32
    %dma_start3A_188 = tpu.memref_slice %arg18[%dma_start3A_187] : memref<100352xf32, #tpu.memory_space<vmem_shared>> -> memref<100352xf32, #tpu.memory_space<vmem_shared>>
    tpu.enqueue_indirect_dma source(%arg14 : memref<2048xf32, #tpu.memory_space<vmem>>) target(%dma_start3A_188 : memref<100352xf32, #tpu.memory_space<vmem_shared>>) offsets(%arg12 : memref<2048xi32, #tpu.memory_space<vmem>>) semaphore(%arg23 : memref<!tpu.dma_semaphore, #tpu.memory_space<semaphore_mem>>) {add = true}
    %dma_start3A_189 = arith.constant 0 : i32
    %dma_start3A_190 = tpu.memref_slice %arg19[%dma_start3A_189] : memref<100352xf32, #tpu.memory_space<vmem_shared>> -> memref<100352xf32, #tpu.memory_space<vmem_shared>>
    tpu.enqueue_indirect_dma source(%arg16 : memref<2048xf32, #tpu.memory_space<vmem>>) target(%dma_start3A_190 : memref<100352xf32, #tpu.memory_space<vmem_shared>>) offsets(%arg12 : memref<2048xi32, #tpu.memory_space<vmem>>) semaphore(%arg23 : memref<!tpu.dma_semaphore, #tpu.memory_space<semaphore_mem>>) {add = true}
    %dma_wait3A_191 = arith.constant 0 : i32
    %dma_wait3A_192 = tpu.memref_slice %arg18[%dma_wait3A_191] : memref<100352xf32, #tpu.memory_space<vmem_shared>> -> memref<100352xf32, #tpu.memory_space<vmem_shared>>
    tpu.wait_indirect_dma semaphore(%arg22 : memref<!tpu.dma_semaphore, #tpu.memory_space<semaphore_mem>>) src(%arg13 : memref<2048xf32, #tpu.memory_space<vmem>>) dst(%dma_wait3A_192 : memref<100352xf32, #tpu.memory_space<vmem_shared>>)
    %dma_wait3A_193 = arith.constant 0 : i32
    %dma_wait3A_194 = tpu.memref_slice %arg19[%dma_wait3A_193] : memref<100352xf32, #tpu.memory_space<vmem_shared>> -> memref<100352xf32, #tpu.memory_space<vmem_shared>>
    tpu.wait_indirect_dma semaphore(%arg22 : memref<!tpu.dma_semaphore, #tpu.memory_space<semaphore_mem>>) src(%arg15 : memref<2048xf32, #tpu.memory_space<vmem>>) dst(%dma_wait3A_194 : memref<100352xf32, #tpu.memory_space<vmem_shared>>)
    %dma_wait3A_195 = arith.constant 0 : i32
    %dma_wait3A_196 = tpu.memref_slice %arg18[%dma_wait3A_195] : memref<100352xf32, #tpu.memory_space<vmem_shared>> -> memref<100352xf32, #tpu.memory_space<vmem_shared>>
    tpu.wait_indirect_dma semaphore(%arg23 : memref<!tpu.dma_semaphore, #tpu.memory_space<semaphore_mem>>) src(%arg14 : memref<2048xf32, #tpu.memory_space<vmem>>) dst(%dma_wait3A_196 : memref<100352xf32, #tpu.memory_space<vmem_shared>>)
    %dma_wait3A_197 = arith.constant 0 : i32
    %dma_wait3A_198 = tpu.memref_slice %arg19[%dma_wait3A_197] : memref<100352xf32, #tpu.memory_space<vmem_shared>> -> memref<100352xf32, #tpu.memory_space<vmem_shared>>
    tpu.wait_indirect_dma semaphore(%arg23 : memref<!tpu.dma_semaphore, #tpu.memory_space<semaphore_mem>>) src(%arg16 : memref<2048xf32, #tpu.memory_space<vmem>>) dst(%dma_wait3A_198 : memref<100352xf32, #tpu.memory_space<vmem_shared>>)
    %barrier3A_199 = arith.constant 0 : index
    tpu.barrier barrier_id(%barrier3A_199)
    %mul3A_200 = arith.constant 6272 : i32
    %mul3A_201 = arith.muli %arg1, %mul3A_200 : i32
    %mul3A_202 = arith.constant 2 : i32
    %mul3A_203 = arith.muli %arg0, %mul3A_202 : i32
    %mul3A_204 = arith.constant 100352 : i32
    %mul3A_205 = arith.muli %mul3A_203, %mul3A_204 : i32
    %mul3A_206 = arith.constant 6272 : i32
    %mul3A_207 = arith.muli %arg1, %mul3A_206 : i32
    %add3A_208 = arith.addi %mul3A_205, %mul3A_207 : i32
    "tpu.region"() ({
      %run_scoped3A = tpu.sem_alloc : memref<!tpu.dma_semaphore, #tpu.memory_space<semaphore_mem>>
      %dma_start3A_211 = tpu.memref_slice %arg5[%add3A_208] : memref<401408xf32, #tpu.memory_space<hbm>> -> memref<6272xf32, #tpu.memory_space<hbm>>
      %dma_start3A_212 = tpu.memref_slice %arg18[%mul3A_201] : memref<100352xf32, #tpu.memory_space<vmem_shared>> -> memref<6272xf32, #tpu.memory_space<vmem_shared>>
      tpu.enqueue_dma source(%dma_start3A_212 : memref<6272xf32, #tpu.memory_space<vmem_shared>>) target(%dma_start3A_211 : memref<6272xf32, #tpu.memory_space<hbm>>) target_semaphore(%run_scoped3A : memref<!tpu.dma_semaphore, #tpu.memory_space<semaphore_mem>>)
      %dma_wait3A_213 = tpu.memref_slice %arg5[%add3A_208] : memref<401408xf32, #tpu.memory_space<hbm>> -> memref<6272xf32, #tpu.memory_space<hbm>>
      %dma_wait3A_214 = tpu.memref_slice %arg18[%mul3A_201] : memref<100352xf32, #tpu.memory_space<vmem_shared>> -> memref<6272xf32, #tpu.memory_space<vmem_shared>>
      tpu.wait_dma2 semaphore(%run_scoped3A : memref<!tpu.dma_semaphore, #tpu.memory_space<semaphore_mem>>) src(%dma_wait3A_214 : memref<6272xf32, #tpu.memory_space<vmem_shared>>) dst(%dma_wait3A_213 : memref<6272xf32, #tpu.memory_space<hbm>>)
      tpu.yield
    }) : () -> ()
    %add3A_209 = arith.constant 100352 : i32
    %add3A_210 = arith.addi %add3A_208, %add3A_209 : i32
    "tpu.region"() ({
      %run_scoped3A = tpu.sem_alloc : memref<!tpu.dma_semaphore, #tpu.memory_space<semaphore_mem>>
      %dma_start3A_211 = tpu.memref_slice %arg5[%add3A_210] : memref<401408xf32, #tpu.memory_space<hbm>> -> memref<6272xf32, #tpu.memory_space<hbm>>
      %dma_start3A_212 = tpu.memref_slice %arg19[%mul3A_201] : memref<100352xf32, #tpu.memory_space<vmem_shared>> -> memref<6272xf32, #tpu.memory_space<vmem_shared>>
      tpu.enqueue_dma source(%dma_start3A_212 : memref<6272xf32, #tpu.memory_space<vmem_shared>>) target(%dma_start3A_211 : memref<6272xf32, #tpu.memory_space<hbm>>) target_semaphore(%run_scoped3A : memref<!tpu.dma_semaphore, #tpu.memory_space<semaphore_mem>>)
      %dma_wait3A_213 = tpu.memref_slice %arg5[%add3A_210] : memref<401408xf32, #tpu.memory_space<hbm>> -> memref<6272xf32, #tpu.memory_space<hbm>>
      %dma_wait3A_214 = tpu.memref_slice %arg19[%mul3A_201] : memref<100352xf32, #tpu.memory_space<vmem_shared>> -> memref<6272xf32, #tpu.memory_space<vmem_shared>>
      tpu.wait_dma2 semaphore(%run_scoped3A : memref<!tpu.dma_semaphore, #tpu.memory_space<semaphore_mem>>) src(%dma_wait3A_214 : memref<6272xf32, #tpu.memory_space<vmem_shared>>) dst(%dma_wait3A_213 : memref<6272xf32, #tpu.memory_space<hbm>>)
      tpu.yield
    }) : () -> ()
    return
  }
}

module attributes {stable_mosaic.version = 14 : i64} {
  func.func @_finalize_body(%arg0: memref<4x784x128xf32, #tpu.memory_space<vmem>>, %arg1: memref<784x128xi32, #tpu.memory_space<vmem>>, %arg2: memref<1x1xf32, #tpu.memory_space<vmem>>) attributes {dimension_semantics = [], scalar_prefetch = 0 : i64, scratch_operands = 0 : i64, tpu.core_type = #tpu.core_type<tc>} {
    %get3A = arith.constant 0 : index
    %get3A_0 = arith.constant 0 : index
    %get3A_1 = arith.constant 0 : index
    %get3A_2 = vector.load %arg0[%get3A, %get3A_0, %get3A_1] : memref<4x784x128xf32, #tpu.memory_space<vmem>>, vector<4x784x128xf32>
    %slice3A = vector.extract_strided_slice %get3A_2 {offsets = [0, 0, 0], sizes = [1, 784, 128], strides = [1, 1, 1]} : vector<4x784x128xf32> to vector<1x784x128xf32>
    %squeeze3A = vector.shape_cast %slice3A : vector<1x784x128xf32> to vector<784x128xf32>
    %slice3A_3 = vector.extract_strided_slice %get3A_2 {offsets = [2, 0, 0], sizes = [1, 784, 128], strides = [1, 1, 1]} : vector<4x784x128xf32> to vector<1x784x128xf32>
    %squeeze3A_4 = vector.shape_cast %slice3A_3 : vector<1x784x128xf32> to vector<784x128xf32>
    %add3A = arith.addf %squeeze3A, %squeeze3A_4 : vector<784x128xf32>
    %slice3A_5 = vector.extract_strided_slice %get3A_2 {offsets = [1, 0, 0], sizes = [1, 784, 128], strides = [1, 1, 1]} : vector<4x784x128xf32> to vector<1x784x128xf32>
    %squeeze3A_6 = vector.shape_cast %slice3A_5 : vector<1x784x128xf32> to vector<784x128xf32>
    %slice3A_7 = vector.extract_strided_slice %get3A_2 {offsets = [3, 0, 0], sizes = [1, 784, 128], strides = [1, 1, 1]} : vector<4x784x128xf32> to vector<1x784x128xf32>
    %squeeze3A_8 = vector.shape_cast %slice3A_7 : vector<1x784x128xf32> to vector<784x128xf32>
    %add3A_9 = arith.addf %squeeze3A_6, %squeeze3A_8 : vector<784x128xf32>
    %add3A_10 = arith.addf %add3A, %add3A_9 : vector<784x128xf32>
    %get3A_11 = arith.constant 0 : index
    %get3A_12 = arith.constant 0 : index
    %get3A_13 = vector.load %arg1[%get3A_11, %get3A_12] : memref<784x128xi32, #tpu.memory_space<vmem>>, vector<784x128xi32>
    %gt3A = arith.constant 0.000000e+00 : f32
    %gt3A_14 = vector.broadcast %gt3A : f32 to vector<784x128xf32>
    %gt3A_15 = arith.cmpf ogt, %add3A_9, %gt3A_14 : vector<784x128xf32>
    %ne3A = arith.constant -1 : i32
    %ne3A_16 = vector.broadcast %ne3A : i32 to vector<784x128xi32>
    %ne3A_17 = arith.cmpi ne, %get3A_13, %ne3A_16 : vector<784x128xi32>
    %and3A = arith.andi %gt3A_15, %ne3A_17 : vector<784x128xi1>
    %gt3A_18 = arith.constant 0.000000e+00 : f32
    %gt3A_19 = vector.broadcast %gt3A_18 : f32 to vector<784x128xf32>
    %gt3A_20 = arith.cmpf ogt, %add3A_10, %gt3A_19 : vector<784x128xf32>
    %and3A_21 = arith.andi %and3A, %gt3A_20 : vector<784x128xi1>
    %add3A_22 = arith.constant 9.99999993E-9 : f32
    %add3A_23 = vector.broadcast %add3A_22 : f32 to vector<784x128xf32>
    %add3A_24 = arith.addf %add3A_10, %add3A_23 : vector<784x128xf32>
    %log3A = math.log %add3A_24 : vector<784x128xf32>
    %add3A_25 = arith.constant 9.99999993E-9 : f32
    %add3A_26 = vector.broadcast %add3A_25 : f32 to vector<784x128xf32>
    %add3A_27 = arith.addf %add3A, %add3A_26 : vector<784x128xf32>
    %log3A_28 = math.log %add3A_27 : vector<784x128xf32>
    %sub3A = arith.subf %log3A, %log3A_28 : vector<784x128xf32>
    %jit3A = arith.constant 0.000000e+00 : f32
    %broadcast_in_dim3A = vector.broadcast %jit3A : f32 to vector<784x128xf32>
    %select_n3A = arith.select %and3A_21, %sub3A, %broadcast_in_dim3A : vector<784x128xi1>, vector<784x128xf32>
    %convert_element_type3A = arith.extui %and3A_21 : vector<784x128xi1> to vector<784x128xi32>
    %convert_element_type3A_29 = arith.sitofp %convert_element_type3A : vector<784x128xi32> to vector<784x128xf32>
    %reduce_sum3A = vector.shape_cast %convert_element_type3A_29 : vector<784x128xf32> to vector<1x784x128xf32>
    %reduce_sum3A_30 = arith.constant dense<0.000000e+00> : vector<1xf32>
    %reduce_sum3A_31 = vector.multi_reduction <add>, %reduce_sum3A, %reduce_sum3A_30 [1, 2] : vector<1x784x128xf32> to vector<1xf32>
    %reduce_sum3A_32 = vector.shape_cast %reduce_sum3A_31 : vector<1xf32> to vector<1x1x1xf32>
    %reduce_sum3A_33 = vector.extract %reduce_sum3A_32[0, 0, 0] : f32 from vector<1x1x1xf32>
    %max3A = arith.constant 1.000000e+00 : f32
    %max3A_34 = arith.maximumf %reduce_sum3A_33, %max3A : f32
    %reduce_sum3A_35 = vector.shape_cast %select_n3A : vector<784x128xf32> to vector<1x784x128xf32>
    %reduce_sum3A_36 = arith.constant dense<0.000000e+00> : vector<1xf32>
    %reduce_sum3A_37 = vector.multi_reduction <add>, %reduce_sum3A_35, %reduce_sum3A_36 [1, 2] : vector<1x784x128xf32> to vector<1xf32>
    %reduce_sum3A_38 = vector.shape_cast %reduce_sum3A_37 : vector<1xf32> to vector<1x1x1xf32>
    %reduce_sum3A_39 = vector.extract %reduce_sum3A_38[0, 0, 0] : f32 from vector<1x1x1xf32>
    %div3A = arith.divf %reduce_sum3A_39, %max3A_34 : f32
    %broadcast_in_dim3A_40 = vector.broadcast %div3A : f32 to vector<1x1xf32>
    %swap3A = arith.constant 0 : index
    %swap3A_41 = arith.constant 0 : index
    %swap3A_42 = vector.load %arg2[%swap3A, %swap3A_41] : memref<1x1xf32, #tpu.memory_space<vmem>>, vector<1x1xf32>
    tpu.vector_store %arg2[%swap3A, %swap3A_41], %broadcast_in_dim3A_40 {strides = array<i32>} : memref<1x1xf32, #tpu.memory_space<vmem>>, vector<1x1xf32>,
    return
  }
}

</mosaic_0001>

<sc_bundles>
// kernel: kernel.4.cloned.1.call-start
scs
__scs_entry_jumppad:
0x0: {  	(pc) =	sbr.rel $0x88, $3  }
0x1: {  	(tag) =	ssettag $0x0;
	lr =	simm.s32 $0x1  }
0x2: {  	[smem:$0x3F9E] =	sst lr;
	_ =	strace $0xD0000000  }
0x3: {  	_ = 	snop  }
0x4: {  	_ = 	snop  }
0x5: {  	_ = 	snop  }
0x6: {  	_ = 	snop  }
0x7: {  	_ = 	snop  }
__scs_overlays_trampoline_lowered:
0x8: {  	[smem:$0x3FAD] =	sst s0  }
0x9: {  	[smem:$0x3FAE] =	sst s1  }
0xa: {  	[smem:$0x3FAF] =	sst s2  }
0xb: {  	[smem:$0x3FB0] =	sst s3  }
0xc: {  	[smem:$0x3FB1] =	sst s4  }
0xd: {  	[smem:$0x3FB2] =	sst s5  }
0xe: {  	[smem:$0x3FB3] =	sst s6  }
0xf: {  	[smem:$0x3FB4] =	sst s7  }
0x10: {  	[smem:$0x3FB5] =	sst s8  }
0x11: {  	[smem:$0x3FB6] =	sst s9;
	s0 =	simm.s32 @!p0 $0x0  }
0x12: {  	s1 =	sld [smem:$0x3F9C];
	s0 =	simm.s32 @p0 $0x1  }
0x13: {  	[smem:$0x3FB7] =	sst s0;
	s0 =	simm.s32 @!p1 $0x0  }
0x14: {  	s2 =	sld [smem:$0x3F9B];
	s0 =	simm.s32 @p1 $0x1  }
0x15: {  	[smem:$0x3FB8] =	sst s0;
	s0 =	simm.s32 @!p2 $0x0  }
0x16: {  	s3 =	sld [smem:$0x3FDB];
	s0 =	simm.s32 @p2 $0x1  }
0x17: {  	s4 =	simm.s32 $0x1BF5;
	[smem:$0x3FBA] =	sst s0  }
0x18: {  	s0 =	sld [smem:$0x3F9D];
	_ =	swait.ge [sflag:s4], $0x0  }
0x19: {  	s7 =	sld [smem:$0x3F9E]  }
0x1a: {  	s8 =	sadd.s32 $0xFFFFE003, lr  }
0x1b: {  	s9 =	sadd.s32 $0xFFFFFEF7, lr;
	s5 =	simm.s32 $0xFFFFFFFF;
	p2 =	slt.u32 s8, $0xFFFFF086  }
0x1c: {  	p1 =	slt.u32 s9, $0xF7A;
	s5 =	simm.s32 @!p2 $0x0  }
0x1d: {  	s5 =	simm.s32 @p1 $0x1;
	p0 =	seq.s32 s7, s2  }
0x1e: {  	s7 =	smul.u32 @!p0 $0xF7A, s2;
	p2 =	seq.s32 @!p0 s5, $0x0  }
0x1f: {  	s9 =	smul.u32 $0xF7A, s1;
	s8 =	simm.s32 @!p0 $0x1BF5;
	p2 =	por !p2, p0  }
0x20: {  	[sflag:s8] =	ssyncset.s32 @!p0 $0xFFFFF086;
	s6 =	sadd.s32 @!p0 s3, s7;
	s7 =	simm.s32 @!p0 $0x108  }
0x21: {  	s3 =	sadd.s32 s3, s9;
	s6 =	sadd.s32 @!p0 $0x88, s6;
	s7 =	simm.s32 @p2 $0x1082  }
0x22: {  	[simem:s7], [sflag:s8] =	dma.local @!p0 [hbm:s6], $0xF7A  }
0x23: {  	s9 =	sor.u32 $0xD0000000, s2;
	s6 =	simm.s32 $0x108;
	_ =	swait.ge @!p0 [sflag:s8], $0x0  }
0x24: {  	s3 =	sadd.s32 $0x88, s3;
	s6 =	simm.s32 @!p1 $0x1082;
	[sflag:s4] =	ssyncset.s32 $0xFFFFF086  }
0x25: {  	[simem:s6], [sflag:s4] =	dma.local [hbm:s3], $0xF7A  }
0x26: {  	[smem:$0x3F9E] =	sst s1;
	(tag) =	ssettag s2;
	_ =	strace s9  }
0x27: {  	s1 =	sld [smem:$0x3FAE]  }
0x28: {  	s2 =	sld [smem:$0x3FAF]  }
0x29: {  	s4 =	sld [smem:$0x3FB1]  }
0x2a: {  	p0 =	seq.s32 s5, $0x0;
	s5 =	sld [smem:$0x3FB2]  }
0x2b: {  	s6 =	sld [smem:$0x3FB3]  }
0x2c: {  	s7 =	sld [smem:$0x3FB4]  }
0x2d: {  	s3 =	simm.s32 $0x108;
	s8 =	sld [smem:$0x3FB5]  }
0x2e: {  	s3 =	simm.s32 @!p0 $0x1082;
	s9 =	sld [smem:$0x3FB6]  }
0x2f: {  	lr =	sadd.s32 s0, s3;
	s0 =	sld [smem:$0x3FAD]  }
0x30: {  	s3 =	sld [smem:$0x3FB0]  }
0x31: {  	[smem:$0x3FB9] =	sst s10  }
0x32: {  	s10 =	sld [smem:$0x3FB7];
	_ =	sdelay $0x3  }
0x33: {  	p0 =	seq.s32 s10, $0x1;
	s10 =	sld [smem:$0x3FB9];
	_ =	sdelay $0x3  }
0x34: {  	[smem:$0x3FB9] =	sst s10  }
0x35: {  	s10 =	sld [smem:$0x3FB8];
	_ =	sdelay $0x3  }
0x36: {  	p1 =	seq.s32 s10, $0x1;
	s10 =	sld [smem:$0x3FB9];
	_ =	sdelay $0x3  }
0x37: {  	[smem:$0x3FB9] =	sst s10  }
0x38: {  	s10 =	sld [smem:$0x3FBA]  }
0x39: {  	_ = 	snop;
	(pc) =	sbr.ind lr, $3  }
0x3a: {  	_ = 	snop  }
0x3b: {  	_ = 	snop  }
0x3c: {  	p2 =	seq.s32 s10, $0x1;
	s10 =	sld [smem:$0x3FB9]  }
0x3d: {  	_ =	shalt  }
0x3e: {  	_ =	shalt  }
0x3f: {  	_ =	shalt  }
0x40: {  	_ =	shalt  }
0x41: {  	_ =	shalt  }
0x42: {  	_ =	shalt  }
0x43: {  	_ =	shalt  }
0x44: {  	_ =	shalt  }
0x45: {  	_ =	shalt  }
0x46: {  	_ =	shalt  }
0x47: {  	_ =	shalt  }
0x48: {  	_ =	shalt  }
0x49: {  	_ =	shalt  }
0x4a: {  	_ =	shalt  }
0x4b: {  	_ =	shalt  }
0x4c: {  	_ =	shalt  }
0x4d: {  	_ =	shalt  }
0x4e: {  	_ =	shalt  }
0x4f: {  	_ =	shalt  }
0x50: {  	_ =	shalt  }
0x51: {  	_ =	shalt  }
0x52: {  	_ =	shalt  }
0x53: {  	_ =	shalt  }
0x54: {  	_ =	shalt  }
0x55: {  	_ =	shalt  }
0x56: {  	_ =	shalt  }
0x57: {  	_ =	shalt  }
0x58: {  	_ =	shalt  }
0x59: {  	_ =	shalt  }
0x5a: {  	_ =	shalt  }
0x5b: {  	_ =	shalt  }
0x5c: {  	_ =	shalt  }
0x5d: {  	_ =	shalt  }
0x5e: {  	_ =	shalt  }
0x5f: {  	_ =	shalt  }
0x60: {  	_ =	shalt  }
0x61: {  	_ =	shalt  }
0x62: {  	_ =	shalt  }
0x63: {  	_ =	shalt  }
0x64: {  	_ =	shalt  }
0x65: {  	_ =	shalt  }
0x66: {  	_ =	shalt  }
0x67: {  	_ =	shalt  }
0x68: {  	_ =	shalt  }
0x69: {  	_ =	shalt  }
0x6a: {  	_ =	shalt  }
0x6b: {  	_ =	shalt  }
0x6c: {  	_ =	shalt  }
0x6d: {  	_ =	shalt  }
0x6e: {  	_ =	shalt  }
0x6f: {  	_ =	shalt  }
0x70: {  	_ =	shalt  }
0x71: {  	_ =	shalt  }
0x72: {  	_ =	shalt  }
0x73: {  	_ =	shalt  }
0x74: {  	_ =	shalt  }
0x75: {  	_ =	shalt  }
0x76: {  	_ =	shalt  }
0x77: {  	_ =	shalt  }
0x78: {  	_ =	shalt  }
0x79: {  	_ =	shalt  }
0x7a: {  	_ =	shalt  }
0x7b: {  	_ =	shalt  }
0x7c: {  	_ =	shalt  }
0x7d: {  	_ =	shalt  }
0x7e: {  	_ =	shalt  }
0x7f: {  	_ =	shalt  }
0x80: {  	_ =	shalt  }
0x81: {  	_ =	shalt  }
0x82: {  	_ =	shalt  }
0x83: {  	_ =	shalt  }
0x84: {  	_ =	shalt  }
0x85: {  	_ =	shalt  }
0x86: {  	_ =	shalt  }
0x87: {  	_ =	shalt  }
.Lfunc_end0:
.L_simem_size_0:
called_computation_lowered:
.L_overlay_start_0:
0x88: {  	s2 =	sld [smem:$0x3FD9]  }
0x89: {  	s3 =	sld [smem:$0x3FFE];
	_ =	sdelay $0x1  }
0x8a: {  	s1 =	srdreg.scid  }
0x8b: {  	s0 =	sand.u32 $0x1, s1  }
0x8c: {  	s17 =	sshll.u32 s0, $0xA;
	s2 =	sadd.s32 s3, s2  }
0x8d: {  	s2 =	sadd.s32 s2, s17  }
0x8e: {  	[smem:$0x3FC5] =	sst s2  }
0x8f: {  	_ = 	snop  }
0x90: {  	s2 =	sld [smem:$0x3FC9]  }
0x91: {  	s18 =	sld [smem:$0x3FC8];
	(tm) =	ssettm $0x1  }
0x92: {  	s4 =	sld [smem:$0x3FFB];
	_ =	sdelay $0x3  }
0x93: {  	_ =	strace s4  }
0x94: {  	s4 =	sld [smem:$0x3FFC];
	_ =	sdelay $0x3  }
0x95: {  	_ =	strace s4  }
0x96: {  	s4 =	sld [smem:$0x3FFD];
	_ =	sdelay $0x3  }
0x97: {  	_ =	strace s4  }
0x98: {  	_ =	strace $0x8FFFFFFF  }
0x99: {  	s19 =	sld [smem:$0x3FDB];
	_ =	sdelay $0x1  }
0x9a: {  	s5 =	simm.s32 $_scs_section_size  }
0x9b: {  	s6 =	simm.s32 $_size__tile_overlayer_lowered;
	s7 =	simm.s32 $_tile_overlayer_lowered  }
0x9c: {  	s22 =	simm.s32 $0x1BFF;
	s21 =	sshll.u32 s7, $0x1;
	s4 =	sadd.s32 s5, s19  }
0x9d: {  	s8 =	simm.s32 $0x0;
	s20 =	sshll.u32 s6, $0x1;
	s6 =	sadd.s32 s21, s4  }
0x9e: {  	[timem:s8], [sflag:s22] =	dma.local [hbm:s6], s20  }
0x9f: {  	_ =	swait.ge [sflag:s22], s20  }
0xa0: {  	s5 =	ssub.s32 $0x0, s20;
	[sflag:s22] =	ssyncset.done $0x0  }
0xa1: {  	[sflag:s22] =	ssyncadd.s32 s5;
	_ =	sdelay $0x1  }
0xa2: {  	s23 =	simm.s32 $0x1B8B  }
0xa3: {  	_ =	swait.ge [sflag:s23], $0x1  }
0xa4: {  	[sflag:s23] =	ssyncset.done $0x0  }
0xa5: {  	s25 =	simm.s32 $0x1B8E;
	s24 =	sld [smem:$0x3FFE];
	[sflag:s23] =	ssyncadd.s32 $0xFFFFFFFF  }
0xa6: {  	s26 =	simm.s32 $execute0_lowered;
	[smem:$0x3FD2] =	sst s25  }
0xa7: {  	s6 =	sshll.u32 s26, $0x1;
	_ =	strace $0x80000046;
	[dreg:$0x1] =	wrdreg $0xFFFFFFFF  }
0xa8: {  	s28 =	simm.s32 $_size_execute0_lowered;
	s4 =	sadd.s32 s4, s6;
	[dreg:$0x0] =	wrdreg $0x0  }
0xa9: {  	s6 =	sshll.u32 s28, $0x1;
	[dreg:$0x2] =	wrdreg s4  }
0xaa: {  	[dreg:$0x3] =	wrdreg s6  }
0xab: {  	[dreg:$0x4] =	wrdreg $0xC0  }
0xac: {  	_ =	task [dreg:s8], $0x5FFFF  }
0xad: {  	[dreg:$0x1] =	wrdreg $0xFFFFFFFF  }
0xae: {  	[dreg:$0x0] =	wrdreg $0x60  }
0xaf: {  	[dreg:$0x2] =	wrdreg s2  }
0xb0: {  	[dreg:$0x3] =	wrdreg s18  }
0xb1: {  	[dreg:$0x4] =	wrdreg s24  }
0xb2: {  	[dreg:$0x5] =	wrdreg $0xDA800  }
0xb3: {  	[dreg:$0x6] =	wrdreg $0xF3000  }
0xb4: {  	[dreg:$0x7] =	wrdreg $0x9  }
0xb5: {  	_ =	task.clear_ibuf [dreg:s8], $0x8FFFF;
	_ =	strace $0x90000046  }
0xb6: {  	s29 =	simm.s32 $0x9;
	_ =	strace $0x80000048  }
0xb7: {  	_ =	swait.ge [sflag:s29], $0x1  }
0xb8: {  	[sflag:s29] =	ssyncadd.s32 $0xFFFFFFFF  }
0xb9: {  	_ =	strace $0x90000048  }
0xba: {  	_ =	sfence  }
0xbb: {  	s30 =	sld [smem:$0x0];
	_ =	sdelay $0x2  }
0xbc: {  	s31 =	sshll.u32 s1, $0xD;
	s1 =	sshrl.u32 s1, $0x2  }
0xbd: {  	s3 =	sand.u32 $0x4000, s31;
	s1 =	sadd.s32 s1, s30  }
0xbe: {  	s0 =	sor.u32 s3, s0;
	s1 =	sshll.u32 s1, $0x11  }
0xbf: {  	s0 =	sor.u32 s1, s0  }
0xc0: {  	s0 =	sadd.s32 $0x8F2B, s0  }
0xc1: {  	[sflag:s0] =	ssyncadd.remote.s32 $0x1  }
0xc2: {  	_ =	sfence.sel $0xFFFF  }
0xc3: {  	[dreg:$0x0] =	wrdreg $0xFFFFFFFF;
	(pc) =	sbr.abs _section_cstart, $3  }
0xc4: {  	[dreg:$0x1] =	wrdreg $0xFFFFFFFF  }
0xc5: {  	_ =	task.clear_ibuf [dreg:s8], $0x2FFFF;
	_ =	strace $0x9FFFFFFF  }
0xc6: {  	(tm) =	ssettm $0x7FFFFFFF  }
0xc7: {  	_ =	shalt  }
tec
execute0_lowered:
.L_overlay_start_1:
0x0: {  	(tag) =	ssettag $0x1  }
0x1: {  	s1 =	rddreg [dreg:$0x0]  }
0x2: {  	s2 =	rddreg [dreg:$0x1]  }
0x3: {  	s0 =	rddreg [dreg:$0x2]  }
0x4: {  	s4 =	rddreg [dreg:$0x3]  }
0x5: {  	s5 =	rddreg [dreg:$0x4]  }
0x6: {  	s3 =	srdreg.scid;
	s11 =	stileid.u32;
	s6 =	simm.s32 $0x0  }
0x7: {  	s28 =	simm.s32 $0x7200;
	s29 =	simm.s32 $0x8A00;
	s30 =	simm.s32 $0x1  }
0x8: {  	s31 =	simm.s32 $0x800;
	s3 =	sand.u32 $0x1, s3;
	s7 =	smul.u32 $0x1880, s11  }
0x9: {  	[smem:$0x7FF] =	sst s6;
	s9 =	sadd.s32 $0x400, s0;
	s8 =	smul.u32 $0x31000, s3  }
0xa: {  	_ =	strace $0x80000047;
	s25 =	ssub.s32 $0x2, s3;
	s3 =	sshll.u32 s3, $0x4  }
0xb: {  	[dreg:$0x6] =	wrdreg s9;
	s10 =	sshrl.u32 s25, $0x1;
	s3 =	sor.u32 s11, s3  }
0xc: {  	s15 =	sadd.s32 s7, s4;
	s16 =	sadd.s32 s7, s5;
	s11 =	simm.s32 $0xAA00  }
0xd: {  	s8 =	sadd.s32 s7, s8;
	s26 =	ssub.s32 s25, s10;
	s12 =	sshll.u32 s3, $0x4  }
0xe: {  	s13 =	sshll.u32 s3, $0x8;
	s14 =	sshll.u32 s3, $0x9;
	[dreg:$0x7] =	wrdreg s15  }
0xf: {  	p0 =	slt.u32 s3, $0x15;
	[dreg:$0x8] =	wrdreg s16;
	s8 =	sshrl.u32 s8, $0x3  }
0x10: {  	s17 =	sor.u32 $0x200, s12;
	s10 =	sadd.s32 s1, s14;
	s9 =	sadd.s32 s2, s13  }
0x11: {  	s20 =	sor.u32 $0x400, s12;
	s7 =	sor.u32 $0x600, s12;
	s26 =	smax.u32 s26, $0x1  }
0x12: {  	s12 =	simm.s32 $0xBA00;
	s13 =	simm.s32 $0x3;
	[dreg:$0x9] =	wrdreg s10  }
0x13: {  	s14 =	simm.s32 $0x4;
	s0 =	sadd.s32 s8, s0;
	[dreg:$0xa] =	wrdreg s9  }
0x14: {  	s18 =	sshll.u32 s17, $0x5;
	s19 =	sshll.u32 s17, $0x4;
	s21 =	sshll.u32 s20, $0x5  }
0x15: {  	s23 =	sshll.u32 s7, $0x5;
	[dreg:$0x13] =	wrdreg s26;
	s9 =	sadd.s32 s1, s18  }
0x16: {  	s7 =	sshll.u32 s7, $0x4;
	s24 =	sadd.s32 s1, s23;
	[dreg:$0xb] =	wrdreg s9  }
0x17: {  	s22 =	sshll.u32 s20, $0x4;
	s7 =	sadd.s32 s2, s7;
	[dreg:$0xf] =	wrdreg s24  }
0x18: {  	s26 =	simm.s32 $0x8200;
	s25 =	sadd.s32 $0x1200, s0;
	[dreg:$0x10] =	wrdreg s7  }
0x19: {  	s10 =	simm.s32 $0x9A00;
	s0 =	sadd.s32 $0x4300, s0;
	[dreg:$0x11] =	wrdreg s25  }
0x1a: {  	s18 =	sor.u32 $0x80, s3;
	s9 =	sadd.s32 s2, s19;
	[dreg:$0x12] =	wrdreg s0  }
0x1b: {  	s23 =	simm.s32 $0xB200;
	[dreg:$0xc] =	wrdreg s9;
	s9 =	sadd.s32 s1, s21  }
0x1c: {  	s19 =	sor.u32 $0xA0, s3;
	[dreg:$0xd] =	wrdreg s9;
	s9 =	sadd.s32 s2, s22  }
0x1d: {  	s24 =	simm.s32 $0x5;
	[dreg:$0xe] =	wrdreg s9;
	s9 =	simm.f32 $1.000000000e+00  }
0x1e: {  	s25 =	simm.s32 $0x6200;
	s0 =	simm.s32 $0x9200;
	s9 =	simm.s32 @!p0 $0x0  }
0x1f: {  	v1 =	vimm.f32 $0.0e+00;
	s3 =	simm.s32 $0xA200;
	s7 =	simm.s32 $0x2;
	v0 =	vmov s9;
	s9 =	simm.s32 $0x0  }
.LBB2_1:
0x20: {  	[dreg:$0x14] =	wrdreg s9;
	s8 =	simm.s32 $0x40;
	s9 =	simm.s32 $0x0  }
.LBB2_2:
0x21: {  	p0 =	sne.s32 s8, $0x61C0;
	[tilespmem:s9+$0xC200] =	vst v1;
	s9 =	smov.u32 s8;
	s8 =	sadd.s32 $0x40, s8  }
.Ltmp0:
0x22: {  	(pc) =	sbr.rel @p0 .LBB2_2-.Ltmp0, $2  }
0x23: {  	_ =	sdelay $0x2  }
0x24: {  	s9 =	sshra.s32 s9, $0x2  }
0x25: {  	[tilespmem:s9+$0xC200] =	vst v1;
	s8 =	simm.s32 $0xC200  }
0x26: {  	[spmem:s15] =	stream.linear.scatter [tilespmem:s8], [sflag:$0x5], $0x1880, $0x38;
	[tilespmem:$0x10B80] =	vst v63  }
0x27: {  	_ =	swait.ge [sflag:s24], $0x1880  }
0x28: {  	[sflag:s24] =	ssyncset.done $0x0  }
0x29: {  	[sflag:s24] =	ssyncadd.s32 $0xFFFFE780  }
0x2a: {  	[spmem:s16] =	stream.linear.scatter [tilespmem:s8], [sflag:$0x5], $0x1880, $0x38;
	[tilespmem:$0x10B80] =	vst v63  }
0x2b: {  	_ =	swait.ge [sflag:s24], $0x1880  }
0x2c: {  	[sflag:s24] =	ssyncset.done $0x0  }
0x2d: {  	s15 =	rddreg [dreg:$0x6];
	[sflag:s24] =	ssyncadd.s32 $0xFFFFE780  }
0x2e: {  	[tilespmem:s6], [sflag:$0x5] =	stream.linear.gather [hbm4b:s15+s6], $0x6200, $0x38;
	[tilespmem:$0x10B80] =	vst v63  }
0x2f: {  	_ =	swait.ge [sflag:s24], $0x6200  }
0x30: {  	[sflag:s24] =	ssyncset.done $0x0  }
0x31: {  	[sflag:s24] =	ssyncadd.s32 $0xFFFF9E00  }
0x32: {  	[bflag:$0x0] =	sbarrier.arrive $0xFFFF  }
0x33: {  	s16 =	rddreg [dreg:$0x9]  }
0x34: {  	[tilespmem:s25], [sflag:$0x1] =	stream.linear.gather [hbm4b:s16+s6], $0x1000, $0x38;
	[tilespmem:$0x10B80] =	vst v63  }
0x35: {  	s17 =	rddreg [dreg:$0xa]  }
0x36: {  	[tilespmem:s26], [sflag:$0x1] =	stream.linear.gather [hbm4b:s17+s6], $0x800, $0x38;
	[tilespmem:$0x10B80] =	vst v63  }
0x37: {  	s20 =	rddreg [dreg:$0xb]  }
0x38: {  	[tilespmem:s28], [sflag:$0x2] =	stream.linear.gather [hbm4b:s20+s6], $0x1000, $0x38;
	[tilespmem:$0x10B80] =	vst v63  }
0x39: {  	s21 =	rddreg [dreg:$0xc]  }
0x3a: {  	[tilespmem:s29], [sflag:$0x2] =	stream.linear.gather [hbm4b:s21+s6], $0x800, $0x38;
	[tilespmem:$0x10B80] =	vst v63  }
0x3b: {  	_ =	swait.ge [sflag:s30], $0x1000  }
0x3c: {  	[sflag:s30] =	ssyncset.done $0x0  }
0x3d: {  	[sflag:s30] =	ssyncadd.s32 $0xFFFFF000  }
0x3e: {  	_ =	swait.ge [sflag:s30], $0x800  }
0x3f: {  	[sflag:s30] =	ssyncset.done $0x0  }
0x40: {  	s22 =	simm.s32 $0x6280;
	[sflag:s30] =	ssyncadd.s32 $0xFFFFF800  }
0x41: {  	v2 =	vld [tilespmem:s22+$0xFFFFFFF0]  }
0x42: {  	s16 =	simm.s32 $0x8240;
	v3 =	vld [tilespmem:s22+$0x70]  }
0x43: {  	v4 =	vld [tilespmem:s16+$0x30]  }
0x44: {  	v5 =	vld [tilespmem:s16+$0xFFFFFFC0]  }
0x45: {  	v6 =	vld [tilespmem:s16+$0xFFFFFFD0]  }
0x46: {  	v7 =	vld [tilespmem:s16+$0xFFFFFFE0]  }
0x47: {  	v9 =	vld [tilespmem:s16+$0xFFFFFFF0]  }
0x48: {  	v11 =	vld [tilespmem:s16+$0x0]  }
0x49: {  	v12 =	vld [tilespmem:s16+$0x10]  }
0x4a: {  	v13 =	vld [tilespmem:s16+$0x20]  }
0x4b: {  	v20 =	vld [tilespmem:s22+$0xFFFFFFC0]  }
0x4c: {  	v21 =	vld [tilespmem:s22+$0x40]  }
0x4d: {  	v22 =	vld [tilespmem:s22+$0xFFFFFFD0]  }
0x4e: {  	v24 =	vld [tilespmem:s22+$0x50];
	v4 =	vmul.f32 $1.428571410e+01, v4;
	v5 =	vmul.f32 $1.428571410e+01, v5  }
0x4f: {  	v25 =	vld [tilespmem:s22+$0xFFFFFFE0];
	v6 =	vmul.f32 $1.428571410e+01, v6;
	v7 =	vmul.f32 $1.428571410e+01, v7  }
0x50: {  	v27 =	vld [tilespmem:s22+$0x60];
	v8 =	vshra.s32 v2, $0x2;
	v9 =	vmul.f32 $1.428571410e+01, v9;
	v11 =	vmul.f32 $1.428571410e+01, v11  }
0x51: {  	s17 =	simm.s32 $0x9240;
	v10 =	vshra.s32 v3, $0x2;
	v12 =	vmul.f32 $1.428571410e+01, v12;
	v13 =	vmul.f32 $1.428571410e+01, v13  }
0x52: {  	v14 =	vld [tilespmem:s22+$0xFFFFFF90];
	[tilespmem:s17+$0x30] =	vst v2;
	v2 =	vshll.u32 v2, $0x3;
	v3 =	vshll.u32 v3, $0x3;
	v26 =	vshra.s32 v20, $0x2  }
0x53: {  	v16 =	vld [tilespmem:s22+$0xFFFFFFA0];
	v28 =	vshra.s32 v21, $0x2;
	v30 =	vshra.s32 v24, $0x2;
	v21 =	vshll.u32 v21, $0x3  }
0x54: {  	v17 =	vld [tilespmem:s22+$0x20];
	v31 =	vshra.s32 v25, $0x2;
	v32 =	vshll.u32 v22, $0x3;
	v24 =	vshll.u32 v24, $0x3  }
0x55: {  	v18 =	vld [tilespmem:s22+$0xFFFFFFB0];
	v33 =	vshra.s32 v27, $0x2;
	v35 =	vshll.u32 v25, $0x3;
	v4 =	vmul.f32 $1.442695020e+00, v4  }
0x56: {  	v19 =	vld [tilespmem:s22+$0x30];
	v2 =	vand.u32 $0x18, v2;
	v5 =	vmul.f32 $1.442695020e+00, v5;
	v6 =	vmul.f32 $1.442695020e+00, v6  }
0x57: {  	v3 =	vand.u32 $0x18, v3;
	v7 =	vmul.f32 $1.442695020e+00, v7;
	v9 =	vmul.f32 $1.442695020e+00, v9;
	v10 =	vld.idx.msk [tilespmem:v10+s6+$0x0], $0xffff  }
0x58: {  	v21 =	vand.u32 $0x18, v21;
	v11 =	vmul.f32 $1.442695020e+00, v11;
	(erf) = vpow2.f32 v4;
	v8 =	vld.idx.msk [tilespmem:v8+s6+$0x0], $0xffff  }
0x59: {  	v15 =	vld [tilespmem:s22+$0x10];
	v32 =	vand.u32 $0x18, v32;
	v12 =	vmul.f32 $1.442695020e+00, v12;
	(erf) = vpow2.f32 v5  }
0x5a: {  	v13 =	vmul.f32 $1.442695020e+00, v13;
	v4 =	vld [tilespmem:s22+$0x0];
	v5 =	vshra.s32 v16, $0x2;
	(erf) = vpow2.f32 v6  }
0x5b: {  	v6 =	vshra.s32 v17, $0x2;
	(erf) = vpow2.f32 v7;
	v7 =	vshra.s32 v18, $0x2  }
0x5c: {  	(erf) = vpow2.f32 v9;
	v3 =	vshra.s32 v10, v3;
	v10 =	vshra.s32 v14, $0x2  }
0x5d: {  	v9 =	vshra.s32 v19, $0x2;
	(erf) = vpow2.f32 v11;
	v2 =	vshra.s32 v8, v2  }
0x5e: {  	[tilespmem:s17+$0xFFFFFFE0] =	vst v16;
	(erf) = vpow2.f32 v12;
	v12 =	vld [tilespmem:s22+$0xFFFFFF80];
	v2 =	vxor.u32 v2, v3;
	v3 =	vshra.s32 v15, $0x2  }
0x5f: {  	[tilespmem:s17+$0xFFFFFFF0] =	vst v18;
	v19 =	vshll.u32 v19, $0x3;
	v11 =	vshll.u32 v14, $0x3;
	v8 =	vshra.s32 v4, $0x2;
	v5 =	vld.idx.msk [tilespmem:v5+s6+$0x0], $0xffff  }
0x60: {  	[tilespmem:s17+$0xFFFFFFD0] =	vst v14;
	v19 =	vand.u32 $0x18, v19;
	v4 =	vshll.u32 v4, $0x3;
	v14 =	vshll.u32 v17, $0x3;
	v7 =	vld.idx.msk [tilespmem:v7+s6+$0x0], $0xffff  }
0x61: {  	v17 =	vshra.s32 v22, $0x2;
	v36 =	vand.u32 $0x18, v11;
	v2 =	vand.u32 $0xFF, v2;
	v29 =	vld.idx.msk [tilespmem:v10+s6+$0x0], $0xffff  }
0x62: {  	v11 =	vand.u32 $0x18, v24;
	v15 =	vshll.u32 v15, $0x3;
	v10 =	vshll.u32 v18, $0x3;
	v18 =	vld.idx.msk [tilespmem:v6+s6+$0x0], $0xffff  }
0x63: {  	v4 =	vand.u32 $0x18, v4;
	v14 =	vand.u32 $0x18, v14;
	v15 =	vand.u32 $0x18, v15;
	[tilespmem:s17+$0xFFFFFFC0] =	vst v12;
	v3 =	vld.idx.msk [tilespmem:v3+s6+$0x0], $0xffff  }
0x64: {  	vm0 =	veq.s32 v2, $0x0;
	v2 =	vpop (erf);
	(erf) = vpow2.f32 v13;
	v6 =	vshra.s32 v12, $0x2;
	v60 =	vld.idx.msk [tilespmem:v8+s6+$0x0], $0xffff  }
0x65: {  	[tilespmem:s17+$0x0] =	vst v20;
	v13 =	vshll.u32 v16, $0x3;
	v16 =	vshll.u32 v20, $0x3;
	v34 =	vshll.u32 v12, $0x3;
	v20 =	vld.idx.msk [tilespmem:v9+s6+$0x0], $0xffff  }
0x66: {  	v26 =	vld.idx.msk [tilespmem:v26+s6+$0x0], $0xffff;
	v12 =	vshll.u32 v27, $0x3;
	v23 =	vnsel vm0, $0x0, v2;
	v2 =	vsel vm0, $0x0, v2  }
0x67: {  	v61 =	vld.idx.msk [tilespmem:v28+s6+$0x0], $0xffff;
	v13 =	vand.u32 $0x18, v13;
	v37 =	vand.u32 $0x18, v10;
	v9 =	vand.u32 $0x18, v12  }
0x68: {  	[tilespmem:s17+$0x10] =	vst v22;
	v5 =	vshra.s32 v5, v13;
	v13 =	vshra.s32 v7, v37;
	v12 =	vshra.s32 v29, v36  }
0x69: {  	v8 =	vpop (erf);
	v62 =	vld.idx.msk [tilespmem:v6+s6+$0x0], $0xffff;
	v3 =	vshra.s32 v3, v15;
	v27 =	vshra.s32 v60, v4;
	v4 =	vshra.s32 v18, v14  }
0x6a: {  	v63 =	vld.idx.msk [tilespmem:v17+s6+$0x0], $0xffff;
	v6 =	vpop (erf);
	v3 =	vxor.u32 v12, v3;
	v14 =	vxor.u32 v5, v4;
	v4 =	vshra.s32 v20, v19  }
0x6b: {  	[tilespmem:s17+$0x20] =	vst v25;
	v16 =	vand.u32 $0x18, v16;
	v7 =	vpop (erf);
	v12 =	vld.idx.msk [tilespmem:v30+s6+$0x0], $0xffff;
	v18 =	vand.u32 $0xFF, v3;
	v3 =	vxor.u32 v13, v4  }
0x6c: {  	v16 =	vshra.s32 v26, v16;
	v5 =	vpop (erf);
	v17 =	vand.u32 $0xFF, v14;
	v14 =	vshra.s32 v61, v21;
	v13 =	vld.idx.msk [tilespmem:v31+s6+$0x0], $0xffff  }
0x6d: {  	s20 =	simm.s32 $0xA240;
	v34 =	vand.u32 $0x18, v34;
	v10 =	vand.u32 $0x18, v35;
	v16 =	vxor.u32 v16, v14;
	v14 =	vld.idx.msk [tilespmem:v33+s6+$0x0], $0xffff;
	v4 =	vpop (erf)  }
0x6e: {  	s8 =	simm.s32 $0xB240;
	[tilespmem:s20+$0x30] =	vst v23;
	v15 =	vand.u32 $0xFF, v3;
	vm0 =	veq.s32 v18, $0x0;
	v19 =	vshra.s32 v62, v34;
	v3 =	vpop (erf)  }
0x6f: {  	s9 =	simm.s32 $0x6380;
	s21 =	simm.s32 $0x0;
	[tilespmem:s8+$0x30] =	vst v2;
	v18 =	vshra.s32 v63, v32;
	v16 =	vand.u32 $0xFF, v16;
	v19 =	vxor.u32 v19, v27;
	v2 =	vpop (erf)  }
.LBB2_4:
0x70: {  	v20 =	vld [tilespmem:s9+$0xFFFFFFF0];
	v19 =	vand.u32 $0xFF, v19;
	vm3 =	veq.s32 v17, $0x0;
	v11 =	vshra.s32 v12, v11  }
0x71: {  	v10 =	vshra.s32 v13, v10;
	s16 =	sadd.s32 $0x80, s16;
	v12 =	vld [tilespmem:s9+$0x70];
	vm2 =	veq.s32 v19, $0x0;
	v11 =	vxor.u32 v18, v11  }
0x72: {  	s21 =	sadd.s32 $0x80, s21;
	vm5 =	veq.s32 v15, $0x0;
	v9 =	vshra.s32 v14, v9;
	v13 =	vld [tilespmem:s16+$0x30];
	v11 =	vand.u32 $0xFF, v11  }
0x73: {  	vm4 =	veq.s32 v16, $0x0;
	p0 =	slt.u32 s21, $0x780;
	v9 =	vxor.u32 v10, v9;
	v14 =	vld [tilespmem:s16+$0xFFFFFFC0];
	vm1 =	veq.s32 v11, $0x0  }
0x74: {  	v11 =	vnsel vm2, $0x0, v8;
	v8 =	vsel vm2, $0x0, v8;
	v9 =	vand.u32 $0xFF, v9;
	v10 =	vld [tilespmem:s16+$0xFFFFFFD0]  }
0x75: {  	vm2 =	veq.s32 v9, $0x0;
	v15 =	vld [tilespmem:s16+$0xFFFFFFE0];
	v16 =	vshra.s32 v20, $0x2;
	[tilespmem:s20+$0xFFFFFFC0] =	vst v11;
	v11 =	vnsel vm0, $0x0, v6  }
0x76: {  	v6 =	vsel vm0, $0x0, v6;
	v9 =	vld [tilespmem:s16+$0xFFFFFFF0];
	v17 =	vshra.s32 v12, $0x2;
	[tilespmem:s8+$0xFFFFFFC0] =	vst v8;
	v8 =	vnsel vm3, $0x0, v7  }
0x77: {  	v7 =	vsel vm3, $0x0, v7;
	v18 =	vld [tilespmem:s16+$0x0];
	v13 =	vmul.f32 $1.428571410e+01, v13;
	[tilespmem:s20+$0xFFFFFFD0] =	vst v11;
	v11 =	vnsel vm5, $0x0, v5  }
0x78: {  	s17 =	sadd.s32 $0x80, s17;
	v5 =	vsel vm5, $0x0, v5;
	v14 =	vmul.f32 $1.428571410e+01, v14;
	v19 =	vld [tilespmem:s16+$0x10];
	[tilespmem:s8+$0xFFFFFFD0] =	vst v6;
	v6 =	vnsel vm4, $0x0, v4  }
0x79: {  	v4 =	vsel vm4, $0x0, v4;
	v10 =	vmul.f32 $1.428571410e+01, v10;
	v21 =	vld [tilespmem:s16+$0x20];
	[tilespmem:s17+$0x30] =	vst v20;
	v13 =	vmul.f32 $1.442695020e+00, v13  }
0x7a: {  	v14 =	vmul.f32 $1.442695020e+00, v14;
	v15 =	vmul.f32 $1.428571410e+01, v15;
	v16 =	vld.idx.msk [tilespmem:v16+s6+$0x0], $0xffff;
	[tilespmem:s20+$0xFFFFFFE0] =	vst v8;
	v8 =	vnsel vm1, $0x0, v3  }
0x7b: {  	v3 =	vsel vm1, $0x0, v3;
	v9 =	vmul.f32 $1.428571410e+01, v9;
	v17 =	vld.idx.msk [tilespmem:v17+s6+$0x0], $0xffff;
	(erf) = vpow2.f32 v13;
	[tilespmem:s8+$0xFFFFFFE0] =	vst v7  }
0x7c: {  	v10 =	vmul.f32 $1.442695020e+00, v10;
	v7 =	vld [tilespmem:s9+$0x0];
	v13 =	vmul.f32 $1.428571410e+01, v18;
	[tilespmem:s20+$0xFFFFFFF0] =	vst v11;
	v11 =	vnsel vm2, $0x0, v2  }
0x7d: {  	v15 =	vmul.f32 $1.442695020e+00, v15;
	v2 =	vsel vm2, $0x0, v2;
	v18 =	vld [tilespmem:s9+$0xFFFFFF90];
	v19 =	vmul.f32 $1.428571410e+01, v19;
	[tilespmem:s8+$0xFFFFFFF0] =	vst v5  }
0x7e: {  	v9 =	vmul.f32 $1.442695020e+00, v9;
	v5 =	vld [tilespmem:s9+$0x10];
	v21 =	vmul.f32 $1.428571410e+01, v21;
	[tilespmem:s20+$0x0] =	vst v6  }
0x7f: {  	v12 =	vshll.u32 v12, $0x3;
	v20 =	vshll.u32 v20, $0x3;
	v13 =	vmul.f32 $1.442695020e+00, v13;
	v6 =	vld [tilespmem:s9+$0xFFFFFFA0];
	[tilespmem:s8+$0x0] =	vst v4  }
0x80: {  	v12 =	vand.u32 $0x18, v12;
	v20 =	vand.u32 $0x18, v20;
	v19 =	vmul.f32 $1.442695020e+00, v19;
	v4 =	vld [tilespmem:s9+$0x20];
	[tilespmem:s20+$0x10] =	vst v8  }
0x81: {  	v16 =	vshra.s32 v16, v20;
	v21 =	vmul.f32 $1.442695020e+00, v21;
	v12 =	vshra.s32 v17, v12;
	v8 =	vld [tilespmem:s9+$0xFFFFFFB0];
	[tilespmem:s8+$0x10] =	vst v3  }
0x82: {  	v3 =	vshra.s32 v7, $0x2;
	v12 =	vxor.u32 v16, v12;
	[tilespmem:s17+$0xFFFFFFD0] =	vst v18;
	v17 =	vshra.s32 v18, $0x2;
	v20 =	vld [tilespmem:s9+$0x30]  }
0x83: {  	v12 =	vand.u32 $0xFF, v12;
	v16 =	vshra.s32 v5, $0x2;
	v22 =	vld [tilespmem:s9+$0xFFFFFFC0];
	(erf) = vpow2.f32 v14;
	[tilespmem:s20+$0x20] =	vst v11  }
0x84: {  	vm0 =	veq.s32 v12, $0x0;
	[tilespmem:s17+$0xFFFFFFE0] =	vst v6;
	v11 =	vshra.s32 v6, $0x2;
	v14 =	vld [tilespmem:s9+$0x40];
	(erf) = vpow2.f32 v10;
	v10 =	vpop (erf)  }
0x85: {  	s20 =	sadd.s32 $0x80, s20;
	v12 =	vshra.s32 v4, $0x2;
	v23 =	vld [tilespmem:s9+$0xFFFFFFD0];
	v24 =	vnsel vm0, $0x0, v10;
	(erf) = vpow2.f32 v15;
	[tilespmem:s8+$0x20] =	vst v2  }
0x86: {  	v10 =	vsel vm0, $0x0, v10;
	s8 =	sadd.s32 $0x80, s8;
	v2 =	vshra.s32 v8, $0x2;
	v15 =	vld [tilespmem:s9+$0x50];
	[tilespmem:s20+$0x30] =	vst v24;
	(erf) = vpow2.f32 v9  }
0x87: {  	v9 =	vshll.u32 v7, $0x3;
	v24 =	vshra.s32 v20, $0x2;
	v7 =	vld [tilespmem:s9+$0xFFFFFFE0];
	[tilespmem:s8+$0x30] =	vst v10;
	(erf) = vpow2.f32 v13  }
0x88: {  	v10 =	vshll.u32 v18, $0x3;
	[tilespmem:s17+$0xFFFFFFF0] =	vst v8;
	v13 =	vshra.s32 v22, $0x2;
	v18 =	vld [tilespmem:s9+$0x60];
	(erf) = vpow2.f32 v19  }
0x89: {  	v25 =	vshll.u32 v5, $0x3;
	v19 =	vld [tilespmem:s9+$0xFFFFFF80];
	[tilespmem:s17+$0x0] =	vst v22;
	v26 =	vshra.s32 v14, $0x2;
	(erf) = vpow2.f32 v21  }
0x8a: {  	v27 =	vshll.u32 v4, $0x3;
	v21 =	vshll.u32 v6, $0x3;
	v17 =	vld.idx.msk [tilespmem:v17+s6+$0x0], $0xffff;
	[tilespmem:s17+$0x10] =	vst v23;
	v28 =	vshra.s32 v23, $0x2  }
0x8b: {  	v29 =	vshll.u32 v8, $0x3;
	v20 =	vshll.u32 v20, $0x3;
	v16 =	vld.idx.msk [tilespmem:v16+s6+$0x0], $0xffff;
	v30 =	vshra.s32 v15, $0x2  }
0x8c: {  	v14 =	vshll.u32 v14, $0x3;
	v31 =	vld.idx.msk [tilespmem:v11+s6+$0x0], $0xffff;
	v11 =	vshll.u32 v22, $0x3;
	[tilespmem:s17+$0x20] =	vst v7;
	v22 =	vshra.s32 v7, $0x2;
	v8 =	vpop (erf)  }
0x8d: {  	v23 =	vshll.u32 v23, $0x3;
	v15 =	vshll.u32 v15, $0x3;
	v12 =	vld.idx.msk [tilespmem:v12+s6+$0x0], $0xffff;
	v32 =	vshra.s32 v18, $0x2;
	v6 =	vpop (erf)  }
0x8e: {  	v34 =	vshll.u32 v7, $0x3;
	[tilespmem:s17+$0xFFFFFFC0] =	vst v19;
	v33 =	vshra.s32 v19, $0x2;
	v38 =	vshll.u32 v19, $0x3;
	v19 =	vld.idx.msk [tilespmem:v2+s6+$0x0], $0xffff;
	v7 =	vpop (erf)  }
0x8f: {  	v37 =	vand.u32 $0x18, v9;
	v9 =	vshll.u32 v18, $0x3;
	v35 =	vld.idx.msk [tilespmem:v3+s6+$0x0], $0xffff;
	v36 =	vand.u32 $0x18, v38;
	v5 =	vpop (erf)  }
0x90: {  	v25 =	vand.u32 $0x18, v25;
	v21 =	vand.u32 $0x18, v21;
	v18 =	vand.u32 $0x18, v10;
	v24 =	vld.idx.msk [tilespmem:v24+s6+$0x0], $0xffff;
	v4 =	vpop (erf)  }
0x91: {  	v27 =	vand.u32 $0x18, v27;
	v29 =	vand.u32 $0x18, v29;
	v20 =	vand.u32 $0x18, v20;
	v38 =	vld.idx.msk [tilespmem:v13+s6+$0x0], $0xffff;
	v3 =	vpop (erf)  }
0x92: {  	v40 =	vand.u32 $0x18, v14;
	v23 =	vand.u32 $0x18, v23;
	v39 =	vand.u32 $0x18, v11;
	v26 =	vld.idx.msk [tilespmem:v26+s6+$0x0], $0xffff;
	v2 =	vpop (erf)  }
0x93: {  	v11 =	vand.u32 $0x18, v15;
	v10 =	vand.u32 $0x18, v34;
	v9 =	vand.u32 $0x18, v9;
	v33 =	vld.idx.msk [tilespmem:v33+s6+$0x0], $0xffff  }
0x94: {  	v14 =	vshra.s32 v16, v25;
	v13 =	vshra.s32 v17, v18;
	v15 =	vshra.s32 v31, v21;
	v18 =	vld.idx.msk [tilespmem:v28+s6+$0x0], $0xffff  }
0x95: {  	v17 =	vshra.s32 v12, v27;
	v19 =	vshra.s32 v19, v29;
	v16 =	vshra.s32 v35, v37;
	v12 =	vld.idx.msk [tilespmem:v30+s6+$0x0], $0xffff  }
.Ltmp1:
0x96: {  	v14 =	vxor.u32 v13, v14;
	v15 =	vxor.u32 v15, v17;
	v17 =	vshra.s32 v24, v20;
	v13 =	vld.idx.msk [tilespmem:v22+s6+$0x0], $0xffff;
	(pc) =	sbr.rel @p0 .LBB2_4-.Ltmp1, $4  }
0x97: {  	v20 =	vand.u32 $0xFF, v14;
	v19 =	vxor.u32 v19, v17;
	v21 =	vshra.s32 v38, v39;
	v14 =	vld.idx.msk [tilespmem:v32+s6+$0x0], $0xffff  }
0x98: {  	v17 =	vand.u32 $0xFF, v15;
	v15 =	vand.u32 $0xFF, v19;
	v19 =	vshra.s32 v26, v40  }
0x99: {  	vm0 =	veq.s32 v20, $0x0;
	v22 =	vshra.s32 v33, v36;
	v20 =	vxor.u32 v21, v19  }
0x9a: {  	s9 =	sadd.s32 $0x100, s9;
	v19 =	vxor.u32 v22, v16;
	v16 =	vand.u32 $0xFF, v20;
	v18 =	vshra.s32 v18, v23  }
0x9b: {  	v19 =	vand.u32 $0xFF, v19  }
0x9c: {  	vm1 =	veq.s32 v19, $0x0  }
0x9d: {  	v19 =	vnsel vm1, $0x0, v8  }
0x9e: {  	v8 =	vsel vm1, $0x0, v8;
	[tilespmem:s20+$0xFFFFFFC0] =	vst v19  }
0x9f: {  	v19 =	vnsel vm0, $0x0, v6;
	[tilespmem:s8+$0xFFFFFFC0] =	vst v8  }
0xa0: {  	vm1 =	veq.s32 v17, $0x0;
	v6 =	vsel vm0, $0x0, v6;
	[tilespmem:s20+$0xFFFFFFD0] =	vst v19  }
0xa1: {  	v8 =	vnsel vm1, $0x0, v7;
	[tilespmem:s8+$0xFFFFFFD0] =	vst v6  }
0xa2: {  	vm0 =	veq.s32 v15, $0x0;
	v7 =	vsel vm1, $0x0, v7;
	[tilespmem:s20+$0xFFFFFFE0] =	vst v8  }
0xa3: {  	vm1 =	veq.s32 v16, $0x0;
	v6 =	vshra.s32 v12, v11;
	v8 =	vnsel vm0, $0x0, v5;
	[tilespmem:s8+$0xFFFFFFE0] =	vst v7  }
0xa4: {  	v5 =	vsel vm0, $0x0, v5;
	v6 =	vxor.u32 v18, v6;
	v7 =	vshra.s32 v13, v10;
	[tilespmem:s20+$0xFFFFFFF0] =	vst v8  }
0xa5: {  	v8 =	vshra.s32 v14, v9;
	v9 =	vnsel vm1, $0x0, v4;
	v6 =	vand.u32 $0xFF, v6;
	[tilespmem:s8+$0xFFFFFFF0] =	vst v5  }
0xa6: {  	v4 =	vsel vm1, $0x0, v4;
	v5 =	vxor.u32 v7, v8;
	[tilespmem:s20+$0x0] =	vst v9;
	vm0 =	veq.s32 v6, $0x0  }
0xa7: {  	v5 =	vand.u32 $0xFF, v5;
	[tilespmem:s8+$0x0] =	vst v4;
	v6 =	vnsel vm0, $0x0, v3  }
0xa8: {  	vm1 =	veq.s32 v5, $0x0;
	v3 =	vsel vm0, $0x0, v3;
	[tilespmem:s20+$0x10] =	vst v6  }
0xa9: {  	v4 =	vnsel vm1, $0x0, v2;
	[tilespmem:s8+$0x10] =	vst v3  }
0xaa: {  	v2 =	vsel vm1, $0x0, v2;
	[tilespmem:s20+$0x20] =	vst v4  }
0xab: {  	[tilespmem:s8+$0x20] =	vst v2  }
0xac: {  	[spmem:s4] =	stream.indirect.scatter.add.f32 [tilespmem:s3], [sflag:$0x3], $0x1, s0, s31, $0xb8;
	[tilespmem:$0x10B80] =	vst v63  }
0xad: {  	_ = 	snop  }
0xae: {  	[spmem:s5] =	stream.indirect.scatter.add.f32 [tilespmem:s23], [sflag:$0x3], $0x1, s0, s31, $0xb8;
	[tilespmem:$0x10B80] =	vst v63  }
0xaf: {  	s8 =	rddreg [dreg:$0xd]  }
0xb0: {  	[tilespmem:s25], [sflag:$0x1] =	stream.linear.gather [hbm4b:s8+s6], $0x1000, $0x38;
	[tilespmem:$0x10B80] =	vst v63  }
0xb1: {  	s21 =	rddreg [dreg:$0xe]  }
0xb2: {  	[tilespmem:s26], [sflag:$0x1] =	stream.linear.gather [hbm4b:s21+s6], $0x800, $0x38;
	[tilespmem:$0x10B80] =	vst v63  }
0xb3: {  	_ =	swait.ge [sflag:s7], $0x1000  }
0xb4: {  	[sflag:s7] =	ssyncset.done $0x0  }
0xb5: {  	[sflag:s7] =	ssyncadd.s32 $0xFFFFF000  }
0xb6: {  	_ =	swait.ge [sflag:s7], $0x800  }
0xb7: {  	[sflag:s7] =	ssyncset.done $0x0  }
0xb8: {  	s22 =	simm.s32 $0x7280;
	[sflag:s7] =	ssyncadd.s32 $0xFFFFF800  }
0xb9: {  	v2 =	vld [tilespmem:s22+$0xFFFFFFF0]  }
0xba: {  	s16 =	simm.s32 $0x8A40;
	v3 =	vld [tilespmem:s22+$0x70]  }
0xbb: {  	v4 =	vld [tilespmem:s16+$0x30]  }
0xbc: {  	v5 =	vld [tilespmem:s16+$0xFFFFFFC0]  }
0xbd: {  	v6 =	vld [tilespmem:s16+$0xFFFFFFD0]  }
0xbe: {  	v7 =	vld [tilespmem:s16+$0xFFFFFFE0]  }
0xbf: {  	v9 =	vld [tilespmem:s16+$0xFFFFFFF0]  }
0xc0: {  	v11 =	vld [tilespmem:s16+$0x0]  }
0xc1: {  	v12 =	vld [tilespmem:s16+$0x10]  }
0xc2: {  	v13 =	vld [tilespmem:s16+$0x20]  }
0xc3: {  	v20 =	vld [tilespmem:s22+$0xFFFFFFC0]  }
0xc4: {  	v21 =	vld [tilespmem:s22+$0x40]  }
0xc5: {  	v22 =	vld [tilespmem:s22+$0xFFFFFFD0]  }
0xc6: {  	v24 =	vld [tilespmem:s22+$0x50];
	v4 =	vmul.f32 $1.428571410e+01, v4;
	v5 =	vmul.f32 $1.428571410e+01, v5  }
0xc7: {  	v25 =	vld [tilespmem:s22+$0xFFFFFFE0];
	v6 =	vmul.f32 $1.428571410e+01, v6;
	v7 =	vmul.f32 $1.428571410e+01, v7  }
0xc8: {  	v27 =	vld [tilespmem:s22+$0x60];
	v8 =	vshra.s32 v2, $0x2;
	v9 =	vmul.f32 $1.428571410e+01, v9;
	v11 =	vmul.f32 $1.428571410e+01, v11  }
0xc9: {  	s17 =	simm.s32 $0x9A40;
	v10 =	vshra.s32 v3, $0x2;
	v12 =	vmul.f32 $1.428571410e+01, v12;
	v13 =	vmul.f32 $1.428571410e+01, v13  }
0xca: {  	v14 =	vld [tilespmem:s22+$0xFFFFFF90];
	[tilespmem:s17+$0x30] =	vst v2;
	v2 =	vshll.u32 v2, $0x3;
	v3 =	vshll.u32 v3, $0x3;
	v26 =	vshra.s32 v20, $0x2  }
0xcb: {  	v16 =	vld [tilespmem:s22+$0xFFFFFFA0];
	v28 =	vshra.s32 v21, $0x2;
	v30 =	vshra.s32 v24, $0x2;
	v21 =	vshll.u32 v21, $0x3  }
0xcc: {  	v17 =	vld [tilespmem:s22+$0x20];
	v31 =	vshra.s32 v25, $0x2;
	v32 =	vshll.u32 v22, $0x3;
	v24 =	vshll.u32 v24, $0x3  }
0xcd: {  	v18 =	vld [tilespmem:s22+$0xFFFFFFB0];
	v33 =	vshra.s32 v27, $0x2;
	v35 =	vshll.u32 v25, $0x3;
	v4 =	vmul.f32 $1.442695020e+00, v4  }
0xce: {  	v19 =	vld [tilespmem:s22+$0x30];
	v2 =	vand.u32 $0x18, v2;
	v5 =	vmul.f32 $1.442695020e+00, v5;
	v6 =	vmul.f32 $1.442695020e+00, v6  }
0xcf: {  	v3 =	vand.u32 $0x18, v3;
	v7 =	vmul.f32 $1.442695020e+00, v7;
	v9 =	vmul.f32 $1.442695020e+00, v9;
	v10 =	vld.idx.msk [tilespmem:v10+s6+$0x0], $0xffff  }
0xd0: {  	v21 =	vand.u32 $0x18, v21;
	v11 =	vmul.f32 $1.442695020e+00, v11;
	(erf) = vpow2.f32 v4;
	v8 =	vld.idx.msk [tilespmem:v8+s6+$0x0], $0xffff  }
0xd1: {  	v15 =	vld [tilespmem:s22+$0x10];
	v32 =	vand.u32 $0x18, v32;
	v12 =	vmul.f32 $1.442695020e+00, v12;
	(erf) = vpow2.f32 v5  }
0xd2: {  	v13 =	vmul.f32 $1.442695020e+00, v13;
	v4 =	vld [tilespmem:s22+$0x0];
	v5 =	vshra.s32 v16, $0x2;
	(erf) = vpow2.f32 v6  }
0xd3: {  	v6 =	vshra.s32 v17, $0x2;
	(erf) = vpow2.f32 v7;
	v7 =	vshra.s32 v18, $0x2  }
0xd4: {  	(erf) = vpow2.f32 v9;
	v3 =	vshra.s32 v10, v3;
	v10 =	vshra.s32 v14, $0x2  }
0xd5: {  	v9 =	vshra.s32 v19, $0x2;
	(erf) = vpow2.f32 v11;
	v2 =	vshra.s32 v8, v2  }
0xd6: {  	[tilespmem:s17+$0xFFFFFFE0] =	vst v16;
	(erf) = vpow2.f32 v12;
	v12 =	vld [tilespmem:s22+$0xFFFFFF80];
	v2 =	vxor.u32 v2, v3;
	v3 =	vshra.s32 v15, $0x2  }
0xd7: {  	[tilespmem:s17+$0xFFFFFFF0] =	vst v18;
	v19 =	vshll.u32 v19, $0x3;
	v11 =	vshll.u32 v14, $0x3;
	v8 =	vshra.s32 v4, $0x2;
	v5 =	vld.idx.msk [tilespmem:v5+s6+$0x0], $0xffff  }
0xd8: {  	[tilespmem:s17+$0xFFFFFFD0] =	vst v14;
	v19 =	vand.u32 $0x18, v19;
	v4 =	vshll.u32 v4, $0x3;
	v14 =	vshll.u32 v17, $0x3;
	v7 =	vld.idx.msk [tilespmem:v7+s6+$0x0], $0xffff  }
0xd9: {  	v17 =	vshra.s32 v22, $0x2;
	v36 =	vand.u32 $0x18, v11;
	v2 =	vand.u32 $0xFF, v2;
	v29 =	vld.idx.msk [tilespmem:v10+s6+$0x0], $0xffff  }
0xda: {  	v11 =	vand.u32 $0x18, v24;
	v15 =	vshll.u32 v15, $0x3;
	v10 =	vshll.u32 v18, $0x3;
	v18 =	vld.idx.msk [tilespmem:v6+s6+$0x0], $0xffff  }
0xdb: {  	v4 =	vand.u32 $0x18, v4;
	v14 =	vand.u32 $0x18, v14;
	v15 =	vand.u32 $0x18, v15;
	[tilespmem:s17+$0xFFFFFFC0] =	vst v12;
	v3 =	vld.idx.msk [tilespmem:v3+s6+$0x0], $0xffff  }
0xdc: {  	vm0 =	veq.s32 v2, $0x0;
	v2 =	vpop (erf);
	(erf) = vpow2.f32 v13;
	v6 =	vshra.s32 v12, $0x2;
	v60 =	vld.idx.msk [tilespmem:v8+s6+$0x0], $0xffff  }
0xdd: {  	[tilespmem:s17+$0x0] =	vst v20;
	v13 =	vshll.u32 v16, $0x3;
	v16 =	vshll.u32 v20, $0x3;
	v34 =	vshll.u32 v12, $0x3;
	v20 =	vld.idx.msk [tilespmem:v9+s6+$0x0], $0xffff  }
0xde: {  	v26 =	vld.idx.msk [tilespmem:v26+s6+$0x0], $0xffff;
	v12 =	vshll.u32 v27, $0x3;
	v23 =	vnsel vm0, $0x0, v2;
	v2 =	vsel vm0, $0x0, v2  }
0xdf: {  	v61 =	vld.idx.msk [tilespmem:v28+s6+$0x0], $0xffff;
	v13 =	vand.u32 $0x18, v13;
	v37 =	vand.u32 $0x18, v10;
	v9 =	vand.u32 $0x18, v12  }
0xe0: {  	[tilespmem:s17+$0x10] =	vst v22;
	v5 =	vshra.s32 v5, v13;
	v13 =	vshra.s32 v7, v37;
	v12 =	vshra.s32 v29, v36  }
0xe1: {  	v8 =	vpop (erf);
	v62 =	vld.idx.msk [tilespmem:v6+s6+$0x0], $0xffff;
	v3 =	vshra.s32 v3, v15;
	v27 =	vshra.s32 v60, v4;
	v4 =	vshra.s32 v18, v14  }
0xe2: {  	v63 =	vld.idx.msk [tilespmem:v17+s6+$0x0], $0xffff;
	v6 =	vpop (erf);
	v3 =	vxor.u32 v12, v3;
	v14 =	vxor.u32 v5, v4;
	v4 =	vshra.s32 v20, v19  }
0xe3: {  	[tilespmem:s17+$0x20] =	vst v25;
	v16 =	vand.u32 $0x18, v16;
	v7 =	vpop (erf);
	v12 =	vld.idx.msk [tilespmem:v30+s6+$0x0], $0xffff;
	v18 =	vand.u32 $0xFF, v3;
	v3 =	vxor.u32 v13, v4  }
0xe4: {  	v16 =	vshra.s32 v26, v16;
	v5 =	vpop (erf);
	v17 =	vand.u32 $0xFF, v14;
	v14 =	vshra.s32 v61, v21;
	v13 =	vld.idx.msk [tilespmem:v31+s6+$0x0], $0xffff  }
0xe5: {  	s20 =	simm.s32 $0xAA40;
	v34 =	vand.u32 $0x18, v34;
	v10 =	vand.u32 $0x18, v35;
	v16 =	vxor.u32 v16, v14;
	v14 =	vld.idx.msk [tilespmem:v33+s6+$0x0], $0xffff;
	v4 =	vpop (erf)  }
0xe6: {  	s8 =	simm.s32 $0xBA40;
	[tilespmem:s20+$0x30] =	vst v23;
	v15 =	vand.u32 $0xFF, v3;
	vm0 =	veq.s32 v18, $0x0;
	v19 =	vshra.s32 v62, v34;
	v3 =	vpop (erf)  }
0xe7: {  	s9 =	simm.s32 $0x7380;
	s21 =	simm.s32 $0x0;
	[tilespmem:s8+$0x30] =	vst v2;
	v18 =	vshra.s32 v63, v32;
	v16 =	vand.u32 $0xFF, v16;
	v19 =	vxor.u32 v19, v27;
	v2 =	vpop (erf)  }
.LBB2_6:
0xe8: {  	v20 =	vld [tilespmem:s9+$0xFFFFFFF0];
	v19 =	vand.u32 $0xFF, v19;
	vm3 =	veq.s32 v17, $0x0;
	v11 =	vshra.s32 v12, v11  }
0xe9: {  	v10 =	vshra.s32 v13, v10;
	s16 =	sadd.s32 $0x80, s16;
	v12 =	vld [tilespmem:s9+$0x70];
	vm2 =	veq.s32 v19, $0x0;
	v11 =	vxor.u32 v18, v11  }
0xea: {  	s21 =	sadd.s32 $0x80, s21;
	vm5 =	veq.s32 v15, $0x0;
	v9 =	vshra.s32 v14, v9;
	v13 =	vld [tilespmem:s16+$0x30];
	v11 =	vand.u32 $0xFF, v11  }
0xeb: {  	vm4 =	veq.s32 v16, $0x0;
	p0 =	slt.u32 s21, $0x780;
	v9 =	vxor.u32 v10, v9;
	v14 =	vld [tilespmem:s16+$0xFFFFFFC0];
	vm1 =	veq.s32 v11, $0x0  }
0xec: {  	v11 =	vnsel vm2, $0x0, v8;
	v8 =	vsel vm2, $0x0, v8;
	v9 =	vand.u32 $0xFF, v9;
	v10 =	vld [tilespmem:s16+$0xFFFFFFD0]  }
0xed: {  	vm2 =	veq.s32 v9, $0x0;
	v15 =	vld [tilespmem:s16+$0xFFFFFFE0];
	v16 =	vshra.s32 v20, $0x2;
	[tilespmem:s20+$0xFFFFFFC0] =	vst v11;
	v11 =	vnsel vm0, $0x0, v6  }
0xee: {  	v6 =	vsel vm0, $0x0, v6;
	v9 =	vld [tilespmem:s16+$0xFFFFFFF0];
	v17 =	vshra.s32 v12, $0x2;
	[tilespmem:s8+$0xFFFFFFC0] =	vst v8;
	v8 =	vnsel vm3, $0x0, v7  }
0xef: {  	v7 =	vsel vm3, $0x0, v7;
	v18 =	vld [tilespmem:s16+$0x0];
	v13 =	vmul.f32 $1.428571410e+01, v13;
	[tilespmem:s20+$0xFFFFFFD0] =	vst v11;
	v11 =	vnsel vm5, $0x0, v5  }
0xf0: {  	s17 =	sadd.s32 $0x80, s17;
	v5 =	vsel vm5, $0x0, v5;
	v14 =	vmul.f32 $1.428571410e+01, v14;
	v19 =	vld [tilespmem:s16+$0x10];
	[tilespmem:s8+$0xFFFFFFD0] =	vst v6;
	v6 =	vnsel vm4, $0x0, v4  }
0xf1: {  	v4 =	vsel vm4, $0x0, v4;
	v10 =	vmul.f32 $1.428571410e+01, v10;
	v21 =	vld [tilespmem:s16+$0x20];
	[tilespmem:s17+$0x30] =	vst v20;
	v13 =	vmul.f32 $1.442695020e+00, v13  }
0xf2: {  	v14 =	vmul.f32 $1.442695020e+00, v14;
	v15 =	vmul.f32 $1.428571410e+01, v15;
	v16 =	vld.idx.msk [tilespmem:v16+s6+$0x0], $0xffff;
	[tilespmem:s20+$0xFFFFFFE0] =	vst v8;
	v8 =	vnsel vm1, $0x0, v3  }
0xf3: {  	v3 =	vsel vm1, $0x0, v3;
	v9 =	vmul.f32 $1.428571410e+01, v9;
	v17 =	vld.idx.msk [tilespmem:v17+s6+$0x0], $0xffff;
	(erf) = vpow2.f32 v13;
	[tilespmem:s8+$0xFFFFFFE0] =	vst v7  }
0xf4: {  	v10 =	vmul.f32 $1.442695020e+00, v10;
	v7 =	vld [tilespmem:s9+$0x0];
	v13 =	vmul.f32 $1.428571410e+01, v18;
	[tilespmem:s20+$0xFFFFFFF0] =	vst v11;
	v11 =	vnsel vm2, $0x0, v2  }
0xf5: {  	v15 =	vmul.f32 $1.442695020e+00, v15;
	v2 =	vsel vm2, $0x0, v2;
	v18 =	vld [tilespmem:s9+$0xFFFFFF90];
	v19 =	vmul.f32 $1.428571410e+01, v19;
	[tilespmem:s8+$0xFFFFFFF0] =	vst v5  }
0xf6: {  	v9 =	vmul.f32 $1.442695020e+00, v9;
	v5 =	vld [tilespmem:s9+$0x10];
	v21 =	vmul.f32 $1.428571410e+01, v21;
	[tilespmem:s20+$0x0] =	vst v6  }
0xf7: {  	v12 =	vshll.u32 v12, $0x3;
	v20 =	vshll.u32 v20, $0x3;
	v13 =	vmul.f32 $1.442695020e+00, v13;
	v6 =	vld [tilespmem:s9+$0xFFFFFFA0];
	[tilespmem:s8+$0x0] =	vst v4  }
0xf8: {  	v12 =	vand.u32 $0x18, v12;
	v20 =	vand.u32 $0x18, v20;
	v19 =	vmul.f32 $1.442695020e+00, v19;
	v4 =	vld [tilespmem:s9+$0x20];
	[tilespmem:s20+$0x10] =	vst v8  }
0xf9: {  	v16 =	vshra.s32 v16, v20;
	v21 =	vmul.f32 $1.442695020e+00, v21;
	v12 =	vshra.s32 v17, v12;
	v8 =	vld [tilespmem:s9+$0xFFFFFFB0];
	[tilespmem:s8+$0x10] =	vst v3  }
0xfa: {  	v3 =	vshra.s32 v7, $0x2;
	v12 =	vxor.u32 v16, v12;
	[tilespmem:s17+$0xFFFFFFD0] =	vst v18;
	v17 =	vshra.s32 v18, $0x2;
	v20 =	vld [tilespmem:s9+$0x30]  }
0xfb: {  	v12 =	vand.u32 $0xFF, v12;
	v16 =	vshra.s32 v5, $0x2;
	v22 =	vld [tilespmem:s9+$0xFFFFFFC0];
	(erf) = vpow2.f32 v14;
	[tilespmem:s20+$0x20] =	vst v11  }
0xfc: {  	vm0 =	veq.s32 v12, $0x0;
	[tilespmem:s17+$0xFFFFFFE0] =	vst v6;
	v11 =	vshra.s32 v6, $0x2;
	v14 =	vld [tilespmem:s9+$0x40];
	(erf) = vpow2.f32 v10;
	v10 =	vpop (erf)  }
0xfd: {  	s20 =	sadd.s32 $0x80, s20;
	v12 =	vshra.s32 v4, $0x2;
	v23 =	vld [tilespmem:s9+$0xFFFFFFD0];
	v24 =	vnsel vm0, $0x0, v10;
	(erf) = vpow2.f32 v15;
	[tilespmem:s8+$0x20] =	vst v2  }
0xfe: {  	v10 =	vsel vm0, $0x0, v10;
	s8 =	sadd.s32 $0x80, s8;
	v2 =	vshra.s32 v8, $0x2;
	v15 =	vld [tilespmem:s9+$0x50];
	[tilespmem:s20+$0x30] =	vst v24;
	(erf) = vpow2.f32 v9  }
0xff: {  	v9 =	vshll.u32 v7, $0x3;
	v24 =	vshra.s32 v20, $0x2;
	v7 =	vld [tilespmem:s9+$0xFFFFFFE0];
	[tilespmem:s8+$0x30] =	vst v10;
	(erf) = vpow2.f32 v13  }
0x100: {  	v10 =	vshll.u32 v18, $0x3;
	[tilespmem:s17+$0xFFFFFFF0] =	vst v8;
	v13 =	vshra.s32 v22, $0x2;
	v18 =	vld [tilespmem:s9+$0x60];
	(erf) = vpow2.f32 v19  }
0x101: {  	v25 =	vshll.u32 v5, $0x3;
	v19 =	vld [tilespmem:s9+$0xFFFFFF80];
	[tilespmem:s17+$0x0] =	vst v22;
	v26 =	vshra.s32 v14, $0x2;
	(erf) = vpow2.f32 v21  }
0x102: {  	v27 =	vshll.u32 v4, $0x3;
	v21 =	vshll.u32 v6, $0x3;
	v17 =	vld.idx.msk [tilespmem:v17+s6+$0x0], $0xffff;
	[tilespmem:s17+$0x10] =	vst v23;
	v28 =	vshra.s32 v23, $0x2  }
0x103: {  	v29 =	vshll.u32 v8, $0x3;
	v20 =	vshll.u32 v20, $0x3;
	v16 =	vld.idx.msk [tilespmem:v16+s6+$0x0], $0xffff;
	v30 =	vshra.s32 v15, $0x2  }
0x104: {  	v14 =	vshll.u32 v14, $0x3;
	v31 =	vld.idx.msk [tilespmem:v11+s6+$0x0], $0xffff;
	v11 =	vshll.u32 v22, $0x3;
	[tilespmem:s17+$0x20] =	vst v7;
	v22 =	vshra.s32 v7, $0x2;
	v8 =	vpop (erf)  }
0x105: {  	v23 =	vshll.u32 v23, $0x3;
	v15 =	vshll.u32 v15, $0x3;
	v12 =	vld.idx.msk [tilespmem:v12+s6+$0x0], $0xffff;
	v32 =	vshra.s32 v18, $0x2;
	v6 =	vpop (erf)  }
0x106: {  	v34 =	vshll.u32 v7, $0x3;
	[tilespmem:s17+$0xFFFFFFC0] =	vst v19;
	v33 =	vshra.s32 v19, $0x2;
	v38 =	vshll.u32 v19, $0x3;
	v19 =	vld.idx.msk [tilespmem:v2+s6+$0x0], $0xffff;
	v7 =	vpop (erf)  }
0x107: {  	v37 =	vand.u32 $0x18, v9;
	v9 =	vshll.u32 v18, $0x3;
	v35 =	vld.idx.msk [tilespmem:v3+s6+$0x0], $0xffff;
	v36 =	vand.u32 $0x18, v38;
	v5 =	vpop (erf)  }
0x108: {  	v25 =	vand.u32 $0x18, v25;
	v21 =	vand.u32 $0x18, v21;
	v18 =	vand.u32 $0x18, v10;
	v24 =	vld.idx.msk [tilespmem:v24+s6+$0x0], $0xffff;
	v4 =	vpop (erf)  }
0x109: {  	v27 =	vand.u32 $0x18, v27;
	v29 =	vand.u32 $0x18, v29;
	v20 =	vand.u32 $0x18, v20;
	v38 =	vld.idx.msk [tilespmem:v13+s6+$0x0], $0xffff;
	v3 =	vpop (erf)  }
0x10a: {  	v40 =	vand.u32 $0x18, v14;
	v23 =	vand.u32 $0x18, v23;
	v39 =	vand.u32 $0x18, v11;
	v26 =	vld.idx.msk [tilespmem:v26+s6+$0x0], $0xffff;
	v2 =	vpop (erf)  }
0x10b: {  	v11 =	vand.u32 $0x18, v15;
	v10 =	vand.u32 $0x18, v34;
	v9 =	vand.u32 $0x18, v9;
	v33 =	vld.idx.msk [tilespmem:v33+s6+$0x0], $0xffff  }
0x10c: {  	v14 =	vshra.s32 v16, v25;
	v13 =	vshra.s32 v17, v18;
	v15 =	vshra.s32 v31, v21;
	v18 =	vld.idx.msk [tilespmem:v28+s6+$0x0], $0xffff  }
0x10d: {  	v17 =	vshra.s32 v12, v27;
	v19 =	vshra.s32 v19, v29;
	v16 =	vshra.s32 v35, v37;
	v12 =	vld.idx.msk [tilespmem:v30+s6+$0x0], $0xffff  }
.Ltmp2:
0x10e: {  	v14 =	vxor.u32 v13, v14;
	v15 =	vxor.u32 v15, v17;
	v17 =	vshra.s32 v24, v20;
	v13 =	vld.idx.msk [tilespmem:v22+s6+$0x0], $0xffff;
	(pc) =	sbr.rel @p0 .LBB2_6-.Ltmp2, $4  }
0x10f: {  	v20 =	vand.u32 $0xFF, v14;
	v19 =	vxor.u32 v19, v17;
	v21 =	vshra.s32 v38, v39;
	v14 =	vld.idx.msk [tilespmem:v32+s6+$0x0], $0xffff  }
0x110: {  	v17 =	vand.u32 $0xFF, v15;
	v15 =	vand.u32 $0xFF, v19;
	v19 =	vshra.s32 v26, v40  }
0x111: {  	vm0 =	veq.s32 v20, $0x0;
	v22 =	vshra.s32 v33, v36;
	v20 =	vxor.u32 v21, v19  }
0x112: {  	s9 =	sadd.s32 $0x100, s9;
	v19 =	vxor.u32 v22, v16;
	v16 =	vand.u32 $0xFF, v20;
	v18 =	vshra.s32 v18, v23  }
0x113: {  	v51 =	vnsel vm0, $0x0, v6  }
0x114: {  	vm11 =	veq.s32 v17, $0x0;
	v52 =	vsel vm0, $0x0, v6;
	[tilespmem:s20+$0xFFFFFFD0] =	vst v51  }
0x115: {  	vm12 =	veq.s32 v15, $0x0;
	v53 =	vnsel vm11, $0x0, v7;
	[tilespmem:s8+$0xFFFFFFD0] =	vst v52  }
0x116: {  	v19 =	vand.u32 $0xFF, v19;
	vm13 =	veq.s32 v16, $0x0;
	v56 =	vnsel vm12, $0x0, v5;
	[tilespmem:s20+$0xFFFFFFE0] =	vst v53  }
0x117: {  	vm1 =	veq.s32 v19, $0x0;
	v60 =	vnsel vm13, $0x0, v4;
	[tilespmem:s20+$0xFFFFFFF0] =	vst v56  }
0x118: {  	v19 =	vnsel vm1, $0x0, v8;
	[tilespmem:s20+$0x0] =	vst v60  }
0x119: {  	v54 =	vshra.s32 v12, v11;
	v55 =	vsel vm11, $0x0, v7;
	[tilespmem:s20+$0xFFFFFFC0] =	vst v19  }
0x11a: {  	v57 =	vshra.s32 v13, v10;
	v6 =	vxor.u32 v18, v54;
	v58 =	vsel vm12, $0x0, v5;
	[tilespmem:s8+$0xFFFFFFE0] =	vst v55  }
0x11b: {  	v59 =	vshra.s32 v14, v9;
	v62 =	vsel vm13, $0x0, v4;
	v6 =	vand.u32 $0xFF, v6;
	[tilespmem:s8+$0xFFFFFFF0] =	vst v58  }
0x11c: {  	v50 =	vsel vm1, $0x0, v8;
	v61 =	vxor.u32 v57, v59;
	vm14 =	veq.s32 v6, $0x0;
	[tilespmem:s8+$0x0] =	vst v62  }
0x11d: {  	v5 =	vand.u32 $0xFF, v61;
	[tilespmem:s8+$0xFFFFFFC0] =	vst v50;
	v6 =	vnsel vm14, $0x0, v3  }
0x11e: {  	vm15 =	veq.s32 v5, $0x0;
	v3 =	vsel vm14, $0x0, v3;
	[tilespmem:s20+$0x10] =	vst v6  }
0x11f: {  	v63 =	vnsel vm15, $0x0, v2;
	[tilespmem:s8+$0x10] =	vst v3  }
0x120: {  	v2 =	vsel vm15, $0x0, v2;
	[tilespmem:s20+$0x20] =	vst v63  }
0x121: {  	[tilespmem:s8+$0x20] =	vst v2  }
0x122: {  	[spmem:s4] =	stream.indirect.scatter.add.f32 [tilespmem:s11], [sflag:$0x4], $0x1, s10, s31, $0xb8;
	[tilespmem:$0x10B80] =	vst v63  }
0x123: {  	_ = 	snop  }
0x124: {  	[spmem:s5] =	stream.indirect.scatter.add.f32 [tilespmem:s12], [sflag:$0x4], $0x1, s10, s31, $0xb8;
	[tilespmem:$0x10B80] =	vst v63  }
0x125: {  	s16 =	simm.s32 $0x0;
	s8 =	rddreg [dreg:$0xf]  }
0x126: {  	[tilespmem:s28], [sflag:$0x2] =	stream.linear.gather [hbm4b:s8+s16], $0x1000, $0x38;
	[tilespmem:$0x10B80] =	vst v63  }
0x127: {  	s22 =	rddreg [dreg:$0x10]  }
0x128: {  	[tilespmem:s29], [sflag:$0x2] =	stream.linear.gather [hbm4b:s22+s16], $0x800, $0x38;
	[tilespmem:$0x10B80] =	vst v63  }
.LBB2_8:
0x129: {  	_ =	swait.ge [sflag:s30], $0x1000  }
0x12a: {  	[sflag:s30] =	ssyncset.done $0x0  }
0x12b: {  	[sflag:s30] =	ssyncadd.s32 $0xFFFFF000  }
0x12c: {  	_ =	swait.ge [sflag:s30], $0x800  }
0x12d: {  	[sflag:s30] =	ssyncset.done $0x0  }
0x12e: {  	[sflag:s30] =	ssyncadd.s32 $0xFFFFF800  }
0x12f: {  	_ =	swait.ge [sflag:s13], $0x800  }
0x130: {  	[sflag:s13] =	ssyncset.done $0x0  }
0x131: {  	[sflag:s13] =	ssyncadd.s32 $0xFFFFF800  }
0x132: {  	_ =	swait.ge [sflag:s13], $0x800  }
0x133: {  	[sflag:s13] =	ssyncset.done $0x0  }
0x134: {  	s8 =	simm.s32 $0x6280;
	[sflag:s13] =	ssyncadd.s32 $0xFFFFF800  }
0x135: {  	v2 =	vld [tilespmem:s8+$0xFFFFFFF0]  }
0x136: {  	s20 =	simm.s32 $0x8240;
	v3 =	vld [tilespmem:s8+$0x70]  }
0x137: {  	v4 =	vld [tilespmem:s20+$0x30]  }
0x138: {  	v5 =	vld [tilespmem:s20+$0xFFFFFFC0]  }
0x139: {  	v6 =	vld [tilespmem:s20+$0xFFFFFFD0]  }
0x13a: {  	v7 =	vld [tilespmem:s20+$0xFFFFFFE0]  }
0x13b: {  	v9 =	vld [tilespmem:s20+$0xFFFFFFF0]  }
0x13c: {  	v11 =	vld [tilespmem:s20+$0x0]  }
0x13d: {  	v12 =	vld [tilespmem:s20+$0x10]  }
0x13e: {  	v13 =	vld [tilespmem:s20+$0x20]  }
0x13f: {  	v20 =	vld [tilespmem:s8+$0xFFFFFFC0]  }
0x140: {  	v21 =	vld [tilespmem:s8+$0x40]  }
0x141: {  	v22 =	vld [tilespmem:s8+$0xFFFFFFD0]  }
0x142: {  	v24 =	vld [tilespmem:s8+$0x50];
	v4 =	vmul.f32 $1.428571410e+01, v4;
	v5 =	vmul.f32 $1.428571410e+01, v5  }
0x143: {  	v25 =	vld [tilespmem:s8+$0xFFFFFFE0];
	v6 =	vmul.f32 $1.428571410e+01, v6;
	v7 =	vmul.f32 $1.428571410e+01, v7  }
0x144: {  	v27 =	vld [tilespmem:s8+$0x60];
	v8 =	vshra.s32 v2, $0x2;
	v9 =	vmul.f32 $1.428571410e+01, v9;
	v11 =	vmul.f32 $1.428571410e+01, v11  }
0x145: {  	s21 =	simm.s32 $0x9240;
	v10 =	vshra.s32 v3, $0x2;
	v12 =	vmul.f32 $1.428571410e+01, v12;
	v13 =	vmul.f32 $1.428571410e+01, v13  }
0x146: {  	v14 =	vld [tilespmem:s8+$0xFFFFFF90];
	[tilespmem:s21+$0x30] =	vst v2;
	v2 =	vshll.u32 v2, $0x3;
	v3 =	vshll.u32 v3, $0x3;
	v26 =	vshra.s32 v20, $0x2  }
0x147: {  	v16 =	vld [tilespmem:s8+$0xFFFFFFA0];
	v28 =	vshra.s32 v21, $0x2;
	v30 =	vshra.s32 v24, $0x2;
	v21 =	vshll.u32 v21, $0x3  }
0x148: {  	v17 =	vld [tilespmem:s8+$0x20];
	v31 =	vshra.s32 v25, $0x2;
	v32 =	vshll.u32 v22, $0x3;
	v24 =	vshll.u32 v24, $0x3  }
0x149: {  	v18 =	vld [tilespmem:s8+$0xFFFFFFB0];
	v33 =	vshra.s32 v27, $0x2;
	v35 =	vshll.u32 v25, $0x3;
	v4 =	vmul.f32 $1.442695020e+00, v4  }
0x14a: {  	v19 =	vld [tilespmem:s8+$0x30];
	v2 =	vand.u32 $0x18, v2;
	v5 =	vmul.f32 $1.442695020e+00, v5;
	v6 =	vmul.f32 $1.442695020e+00, v6  }
0x14b: {  	v3 =	vand.u32 $0x18, v3;
	v7 =	vmul.f32 $1.442695020e+00, v7;
	v9 =	vmul.f32 $1.442695020e+00, v9;
	v10 =	vld.idx.msk [tilespmem:v10+s6+$0x0], $0xffff  }
0x14c: {  	v21 =	vand.u32 $0x18, v21;
	v11 =	vmul.f32 $1.442695020e+00, v11;
	(erf) = vpow2.f32 v4;
	v8 =	vld.idx.msk [tilespmem:v8+s6+$0x0], $0xffff  }
0x14d: {  	v15 =	vld [tilespmem:s8+$0x10];
	v32 =	vand.u32 $0x18, v32;
	v12 =	vmul.f32 $1.442695020e+00, v12;
	(erf) = vpow2.f32 v5  }
0x14e: {  	v13 =	vmul.f32 $1.442695020e+00, v13;
	v4 =	vld [tilespmem:s8+$0x0];
	v5 =	vshra.s32 v16, $0x2;
	(erf) = vpow2.f32 v6  }
0x14f: {  	v6 =	vshra.s32 v17, $0x2;
	(erf) = vpow2.f32 v7;
	v7 =	vshra.s32 v18, $0x2  }
0x150: {  	(erf) = vpow2.f32 v9;
	v3 =	vshra.s32 v10, v3;
	v10 =	vshra.s32 v14, $0x2  }
0x151: {  	v9 =	vshra.s32 v19, $0x2;
	(erf) = vpow2.f32 v11;
	v2 =	vshra.s32 v8, v2  }
0x152: {  	[tilespmem:s21+$0xFFFFFFE0] =	vst v16;
	(erf) = vpow2.f32 v12;
	v12 =	vld [tilespmem:s8+$0xFFFFFF80];
	v2 =	vxor.u32 v2, v3;
	v3 =	vshra.s32 v15, $0x2  }
0x153: {  	[tilespmem:s21+$0xFFFFFFF0] =	vst v18;
	v19 =	vshll.u32 v19, $0x3;
	v11 =	vshll.u32 v14, $0x3;
	v8 =	vshra.s32 v4, $0x2;
	v5 =	vld.idx.msk [tilespmem:v5+s6+$0x0], $0xffff  }
0x154: {  	[tilespmem:s21+$0xFFFFFFD0] =	vst v14;
	v19 =	vand.u32 $0x18, v19;
	v4 =	vshll.u32 v4, $0x3;
	v14 =	vshll.u32 v17, $0x3;
	v7 =	vld.idx.msk [tilespmem:v7+s6+$0x0], $0xffff  }
0x155: {  	v17 =	vshra.s32 v22, $0x2;
	v36 =	vand.u32 $0x18, v11;
	v2 =	vand.u32 $0xFF, v2;
	v29 =	vld.idx.msk [tilespmem:v10+s6+$0x0], $0xffff  }
0x156: {  	v11 =	vand.u32 $0x18, v24;
	v15 =	vshll.u32 v15, $0x3;
	v10 =	vshll.u32 v18, $0x3;
	v18 =	vld.idx.msk [tilespmem:v6+s6+$0x0], $0xffff  }
0x157: {  	v4 =	vand.u32 $0x18, v4;
	v14 =	vand.u32 $0x18, v14;
	v15 =	vand.u32 $0x18, v15;
	[tilespmem:s21+$0xFFFFFFC0] =	vst v12;
	v3 =	vld.idx.msk [tilespmem:v3+s6+$0x0], $0xffff  }
0x158: {  	vm0 =	veq.s32 v2, $0x0;
	v2 =	vpop (erf);
	(erf) = vpow2.f32 v13;
	v6 =	vshra.s32 v12, $0x2;
	v60 =	vld.idx.msk [tilespmem:v8+s6+$0x0], $0xffff  }
0x159: {  	[tilespmem:s21+$0x0] =	vst v20;
	v13 =	vshll.u32 v16, $0x3;
	v16 =	vshll.u32 v20, $0x3;
	v34 =	vshll.u32 v12, $0x3;
	v20 =	vld.idx.msk [tilespmem:v9+s6+$0x0], $0xffff  }
0x15a: {  	v26 =	vld.idx.msk [tilespmem:v26+s6+$0x0], $0xffff;
	v12 =	vshll.u32 v27, $0x3;
	v23 =	vnsel vm0, $0x0, v2;
	v2 =	vsel vm0, $0x0, v2  }
0x15b: {  	v61 =	vld.idx.msk [tilespmem:v28+s6+$0x0], $0xffff;
	v13 =	vand.u32 $0x18, v13;
	v37 =	vand.u32 $0x18, v10;
	v9 =	vand.u32 $0x18, v12  }
0x15c: {  	[tilespmem:s21+$0x10] =	vst v22;
	v5 =	vshra.s32 v5, v13;
	v13 =	vshra.s32 v7, v37;
	v12 =	vshra.s32 v29, v36  }
0x15d: {  	v8 =	vpop (erf);
	v62 =	vld.idx.msk [tilespmem:v6+s6+$0x0], $0xffff;
	v3 =	vshra.s32 v3, v15;
	v27 =	vshra.s32 v60, v4;
	v4 =	vshra.s32 v18, v14  }
0x15e: {  	v63 =	vld.idx.msk [tilespmem:v17+s6+$0x0], $0xffff;
	v6 =	vpop (erf);
	v3 =	vxor.u32 v12, v3;
	v14 =	vxor.u32 v5, v4;
	v4 =	vshra.s32 v20, v19  }
0x15f: {  	[tilespmem:s21+$0x20] =	vst v25;
	v16 =	vand.u32 $0x18, v16;
	v7 =	vpop (erf);
	v12 =	vld.idx.msk [tilespmem:v30+s6+$0x0], $0xffff;
	v18 =	vand.u32 $0xFF, v3;
	v3 =	vxor.u32 v13, v4  }
0x160: {  	v16 =	vshra.s32 v26, v16;
	v5 =	vpop (erf);
	v17 =	vand.u32 $0xFF, v14;
	v14 =	vshra.s32 v61, v21;
	v13 =	vld.idx.msk [tilespmem:v31+s6+$0x0], $0xffff  }
0x161: {  	s22 =	simm.s32 $0xA240;
	v34 =	vand.u32 $0x18, v34;
	v10 =	vand.u32 $0x18, v35;
	v16 =	vxor.u32 v16, v14;
	v14 =	vld.idx.msk [tilespmem:v33+s6+$0x0], $0xffff;
	v4 =	vpop (erf)  }
0x162: {  	s8 =	simm.s32 $0xB240;
	[tilespmem:s22+$0x30] =	vst v23;
	v15 =	vand.u32 $0xFF, v3;
	vm0 =	veq.s32 v18, $0x0;
	v19 =	vshra.s32 v62, v34;
	v3 =	vpop (erf)  }
0x163: {  	s17 =	sshll.u32 s16, $0x6;
	s9 =	simm.s32 $0x0;
	s15 =	simm.s32 $0x6380;
	[tilespmem:s8+$0x30] =	vst v2;
	v18 =	vshra.s32 v63, v32;
	v16 =	vand.u32 $0xFF, v16;
	v19 =	vxor.u32 v19, v27;
	v2 =	vpop (erf)  }
.LBB2_9:
0x164: {  	v20 =	vld [tilespmem:s15+$0xFFFFFFF0];
	v19 =	vand.u32 $0xFF, v19;
	vm3 =	veq.s32 v17, $0x0;
	v11 =	vshra.s32 v12, v11  }
0x165: {  	v10 =	vshra.s32 v13, v10;
	s20 =	sadd.s32 $0x80, s20;
	v12 =	vld [tilespmem:s15+$0x70];
	vm2 =	veq.s32 v19, $0x0;
	v11 =	vxor.u32 v18, v11  }
0x166: {  	s9 =	sadd.s32 $0x80, s9;
	vm5 =	veq.s32 v15, $0x0;
	v9 =	vshra.s32 v14, v9;
	v13 =	vld [tilespmem:s20+$0x30];
	v11 =	vand.u32 $0xFF, v11  }
0x167: {  	vm4 =	veq.s32 v16, $0x0;
	p0 =	slt.u32 s9, $0x780;
	v9 =	vxor.u32 v10, v9;
	v14 =	vld [tilespmem:s20+$0xFFFFFFC0];
	vm1 =	veq.s32 v11, $0x0  }
0x168: {  	v11 =	vnsel vm2, $0x0, v8;
	v8 =	vsel vm2, $0x0, v8;
	v9 =	vand.u32 $0xFF, v9;
	v10 =	vld [tilespmem:s20+$0xFFFFFFD0]  }
0x169: {  	vm2 =	veq.s32 v9, $0x0;
	v15 =	vld [tilespmem:s20+$0xFFFFFFE0];
	v16 =	vshra.s32 v20, $0x2;
	[tilespmem:s22+$0xFFFFFFC0] =	vst v11;
	v11 =	vnsel vm0, $0x0, v6  }
0x16a: {  	v6 =	vsel vm0, $0x0, v6;
	v9 =	vld [tilespmem:s20+$0xFFFFFFF0];
	v17 =	vshra.s32 v12, $0x2;
	[tilespmem:s8+$0xFFFFFFC0] =	vst v8;
	v8 =	vnsel vm3, $0x0, v7  }
0x16b: {  	v7 =	vsel vm3, $0x0, v7;
	v18 =	vld [tilespmem:s20+$0x0];
	v13 =	vmul.f32 $1.428571410e+01, v13;
	[tilespmem:s22+$0xFFFFFFD0] =	vst v11;
	v11 =	vnsel vm5, $0x0, v5  }
0x16c: {  	s21 =	sadd.s32 $0x80, s21;
	v5 =	vsel vm5, $0x0, v5;
	v14 =	vmul.f32 $1.428571410e+01, v14;
	v19 =	vld [tilespmem:s20+$0x10];
	[tilespmem:s8+$0xFFFFFFD0] =	vst v6;
	v6 =	vnsel vm4, $0x0, v4  }
0x16d: {  	v4 =	vsel vm4, $0x0, v4;
	v10 =	vmul.f32 $1.428571410e+01, v10;
	v21 =	vld [tilespmem:s20+$0x20];
	[tilespmem:s21+$0x30] =	vst v20;
	v13 =	vmul.f32 $1.442695020e+00, v13  }
0x16e: {  	v14 =	vmul.f32 $1.442695020e+00, v14;
	v15 =	vmul.f32 $1.428571410e+01, v15;
	v16 =	vld.idx.msk [tilespmem:v16+s6+$0x0], $0xffff;
	[tilespmem:s22+$0xFFFFFFE0] =	vst v8;
	v8 =	vnsel vm1, $0x0, v3  }
0x16f: {  	v3 =	vsel vm1, $0x0, v3;
	v9 =	vmul.f32 $1.428571410e+01, v9;
	v17 =	vld.idx.msk [tilespmem:v17+s6+$0x0], $0xffff;
	(erf) = vpow2.f32 v13;
	[tilespmem:s8+$0xFFFFFFE0] =	vst v7  }
0x170: {  	v10 =	vmul.f32 $1.442695020e+00, v10;
	v7 =	vld [tilespmem:s15+$0x0];
	v13 =	vmul.f32 $1.428571410e+01, v18;
	[tilespmem:s22+$0xFFFFFFF0] =	vst v11;
	v11 =	vnsel vm2, $0x0, v2  }
0x171: {  	v15 =	vmul.f32 $1.442695020e+00, v15;
	v2 =	vsel vm2, $0x0, v2;
	v18 =	vld [tilespmem:s15+$0xFFFFFF90];
	v19 =	vmul.f32 $1.428571410e+01, v19;
	[tilespmem:s8+$0xFFFFFFF0] =	vst v5  }
0x172: {  	v9 =	vmul.f32 $1.442695020e+00, v9;
	v5 =	vld [tilespmem:s15+$0x10];
	v21 =	vmul.f32 $1.428571410e+01, v21;
	[tilespmem:s22+$0x0] =	vst v6  }
0x173: {  	v12 =	vshll.u32 v12, $0x3;
	v20 =	vshll.u32 v20, $0x3;
	v13 =	vmul.f32 $1.442695020e+00, v13;
	v6 =	vld [tilespmem:s15+$0xFFFFFFA0];
	[tilespmem:s8+$0x0] =	vst v4  }
0x174: {  	v12 =	vand.u32 $0x18, v12;
	v20 =	vand.u32 $0x18, v20;
	v19 =	vmul.f32 $1.442695020e+00, v19;
	v4 =	vld [tilespmem:s15+$0x20];
	[tilespmem:s22+$0x10] =	vst v8  }
0x175: {  	v16 =	vshra.s32 v16, v20;
	v21 =	vmul.f32 $1.442695020e+00, v21;
	v12 =	vshra.s32 v17, v12;
	v8 =	vld [tilespmem:s15+$0xFFFFFFB0];
	[tilespmem:s8+$0x10] =	vst v3  }
0x176: {  	v3 =	vshra.s32 v7, $0x2;
	v12 =	vxor.u32 v16, v12;
	[tilespmem:s21+$0xFFFFFFD0] =	vst v18;
	v17 =	vshra.s32 v18, $0x2;
	v20 =	vld [tilespmem:s15+$0x30]  }
0x177: {  	v12 =	vand.u32 $0xFF, v12;
	v16 =	vshra.s32 v5, $0x2;
	v22 =	vld [tilespmem:s15+$0xFFFFFFC0];
	(erf) = vpow2.f32 v14;
	[tilespmem:s22+$0x20] =	vst v11  }
0x178: {  	vm0 =	veq.s32 v12, $0x0;
	[tilespmem:s21+$0xFFFFFFE0] =	vst v6;
	v11 =	vshra.s32 v6, $0x2;
	v14 =	vld [tilespmem:s15+$0x40];
	(erf) = vpow2.f32 v10;
	v10 =	vpop (erf)  }
0x179: {  	s22 =	sadd.s32 $0x80, s22;
	v12 =	vshra.s32 v4, $0x2;
	v23 =	vld [tilespmem:s15+$0xFFFFFFD0];
	v24 =	vnsel vm0, $0x0, v10;
	(erf) = vpow2.f32 v15;
	[tilespmem:s8+$0x20] =	vst v2  }
0x17a: {  	v10 =	vsel vm0, $0x0, v10;
	s8 =	sadd.s32 $0x80, s8;
	v2 =	vshra.s32 v8, $0x2;
	v15 =	vld [tilespmem:s15+$0x50];
	[tilespmem:s22+$0x30] =	vst v24;
	(erf) = vpow2.f32 v9  }
0x17b: {  	v9 =	vshll.u32 v7, $0x3;
	v24 =	vshra.s32 v20, $0x2;
	v7 =	vld [tilespmem:s15+$0xFFFFFFE0];
	[tilespmem:s8+$0x30] =	vst v10;
	(erf) = vpow2.f32 v13  }
0x17c: {  	v10 =	vshll.u32 v18, $0x3;
	[tilespmem:s21+$0xFFFFFFF0] =	vst v8;
	v13 =	vshra.s32 v22, $0x2;
	v18 =	vld [tilespmem:s15+$0x60];
	(erf) = vpow2.f32 v19  }
0x17d: {  	v25 =	vshll.u32 v5, $0x3;
	v19 =	vld [tilespmem:s15+$0xFFFFFF80];
	[tilespmem:s21+$0x0] =	vst v22;
	v26 =	vshra.s32 v14, $0x2;
	(erf) = vpow2.f32 v21  }
0x17e: {  	v27 =	vshll.u32 v4, $0x3;
	v21 =	vshll.u32 v6, $0x3;
	v17 =	vld.idx.msk [tilespmem:v17+s6+$0x0], $0xffff;
	[tilespmem:s21+$0x10] =	vst v23;
	v28 =	vshra.s32 v23, $0x2  }
0x17f: {  	v29 =	vshll.u32 v8, $0x3;
	v20 =	vshll.u32 v20, $0x3;
	v16 =	vld.idx.msk [tilespmem:v16+s6+$0x0], $0xffff;
	v30 =	vshra.s32 v15, $0x2  }
0x180: {  	v14 =	vshll.u32 v14, $0x3;
	v31 =	vld.idx.msk [tilespmem:v11+s6+$0x0], $0xffff;
	v11 =	vshll.u32 v22, $0x3;
	[tilespmem:s21+$0x20] =	vst v7;
	v22 =	vshra.s32 v7, $0x2;
	v8 =	vpop (erf)  }
0x181: {  	v23 =	vshll.u32 v23, $0x3;
	v15 =	vshll.u32 v15, $0x3;
	v12 =	vld.idx.msk [tilespmem:v12+s6+$0x0], $0xffff;
	v32 =	vshra.s32 v18, $0x2;
	v6 =	vpop (erf)  }
0x182: {  	v34 =	vshll.u32 v7, $0x3;
	[tilespmem:s21+$0xFFFFFFC0] =	vst v19;
	v33 =	vshra.s32 v19, $0x2;
	v38 =	vshll.u32 v19, $0x3;
	v19 =	vld.idx.msk [tilespmem:v2+s6+$0x0], $0xffff;
	v7 =	vpop (erf)  }
0x183: {  	v37 =	vand.u32 $0x18, v9;
	v9 =	vshll.u32 v18, $0x3;
	v35 =	vld.idx.msk [tilespmem:v3+s6+$0x0], $0xffff;
	v36 =	vand.u32 $0x18, v38;
	v5 =	vpop (erf)  }
0x184: {  	v25 =	vand.u32 $0x18, v25;
	v21 =	vand.u32 $0x18, v21;
	v18 =	vand.u32 $0x18, v10;
	v24 =	vld.idx.msk [tilespmem:v24+s6+$0x0], $0xffff;
	v4 =	vpop (erf)  }
0x185: {  	v27 =	vand.u32 $0x18, v27;
	v29 =	vand.u32 $0x18, v29;
	v20 =	vand.u32 $0x18, v20;
	v38 =	vld.idx.msk [tilespmem:v13+s6+$0x0], $0xffff;
	v3 =	vpop (erf)  }
0x186: {  	v40 =	vand.u32 $0x18, v14;
	v23 =	vand.u32 $0x18, v23;
	v39 =	vand.u32 $0x18, v11;
	v26 =	vld.idx.msk [tilespmem:v26+s6+$0x0], $0xffff;
	v2 =	vpop (erf)  }
0x187: {  	v11 =	vand.u32 $0x18, v15;
	v10 =	vand.u32 $0x18, v34;
	v9 =	vand.u32 $0x18, v9;
	v33 =	vld.idx.msk [tilespmem:v33+s6+$0x0], $0xffff  }
0x188: {  	v14 =	vshra.s32 v16, v25;
	v13 =	vshra.s32 v17, v18;
	v15 =	vshra.s32 v31, v21;
	v18 =	vld.idx.msk [tilespmem:v28+s6+$0x0], $0xffff  }
0x189: {  	v17 =	vshra.s32 v12, v27;
	v19 =	vshra.s32 v19, v29;
	v16 =	vshra.s32 v35, v37;
	v12 =	vld.idx.msk [tilespmem:v30+s6+$0x0], $0xffff  }
.Ltmp3:
0x18a: {  	v14 =	vxor.u32 v13, v14;
	v15 =	vxor.u32 v15, v17;
	v17 =	vshra.s32 v24, v20;
	v13 =	vld.idx.msk [tilespmem:v22+s6+$0x0], $0xffff;
	(pc) =	sbr.rel @p0 .LBB2_9-.Ltmp3, $4  }
0x18b: {  	v20 =	vand.u32 $0xFF, v14;
	v19 =	vxor.u32 v19, v17;
	v21 =	vshra.s32 v38, v39;
	v14 =	vld.idx.msk [tilespmem:v32+s6+$0x0], $0xffff  }
0x18c: {  	v17 =	vand.u32 $0xFF, v15;
	v15 =	vand.u32 $0xFF, v19;
	v19 =	vshra.s32 v26, v40  }
0x18d: {  	vm0 =	veq.s32 v20, $0x0;
	v22 =	vshra.s32 v33, v36;
	v20 =	vxor.u32 v21, v19  }
0x18e: {  	s15 =	sadd.s32 $0x100, s15;
	v19 =	vxor.u32 v22, v16;
	v16 =	vand.u32 $0xFF, v20;
	v18 =	vshra.s32 v18, v23  }
0x18f: {  	v19 =	vand.u32 $0xFF, v19  }
0x190: {  	vm1 =	veq.s32 v19, $0x0  }
0x191: {  	v19 =	vnsel vm1, $0x0, v8  }
0x192: {  	v8 =	vsel vm1, $0x0, v8;
	[tilespmem:s22+$0xFFFFFFC0] =	vst v19  }
0x193: {  	v19 =	vnsel vm0, $0x0, v6;
	[tilespmem:s8+$0xFFFFFFC0] =	vst v8  }
0x194: {  	vm1 =	veq.s32 v17, $0x0;
	v6 =	vsel vm0, $0x0, v6;
	[tilespmem:s22+$0xFFFFFFD0] =	vst v19  }
0x195: {  	v8 =	vnsel vm1, $0x0, v7;
	[tilespmem:s8+$0xFFFFFFD0] =	vst v6  }
0x196: {  	vm0 =	veq.s32 v15, $0x0;
	v7 =	vsel vm1, $0x0, v7;
	[tilespmem:s22+$0xFFFFFFE0] =	vst v8  }
0x197: {  	vm1 =	veq.s32 v16, $0x0;
	v6 =	vshra.s32 v12, v11;
	v8 =	vnsel vm0, $0x0, v5;
	[tilespmem:s8+$0xFFFFFFE0] =	vst v7  }
0x198: {  	v5 =	vsel vm0, $0x0, v5;
	v6 =	vxor.u32 v18, v6;
	v7 =	vshra.s32 v13, v10;
	[tilespmem:s22+$0xFFFFFFF0] =	vst v8  }
0x199: {  	v8 =	vshra.s32 v14, v9;
	v9 =	vnsel vm1, $0x0, v4;
	v6 =	vand.u32 $0xFF, v6;
	[tilespmem:s8+$0xFFFFFFF0] =	vst v5  }
0x19a: {  	v4 =	vsel vm1, $0x0, v4;
	v5 =	vxor.u32 v7, v8;
	[tilespmem:s22+$0x0] =	vst v9;
	vm0 =	veq.s32 v6, $0x0  }
0x19b: {  	v5 =	vand.u32 $0xFF, v5;
	[tilespmem:s8+$0x0] =	vst v4;
	v6 =	vnsel vm0, $0x0, v3  }
0x19c: {  	vm1 =	veq.s32 v5, $0x0;
	v3 =	vsel vm0, $0x0, v3;
	[tilespmem:s22+$0x10] =	vst v6  }
0x19d: {  	v4 =	vnsel vm1, $0x0, v2;
	[tilespmem:s8+$0x10] =	vst v3  }
0x19e: {  	v2 =	vsel vm1, $0x0, v2;
	[tilespmem:s22+$0x20] =	vst v4  }
0x19f: {  	s21 =	sadd.s32 s18, s17;
	[tilespmem:s8+$0x20] =	vst v2  }
0x1a0: {  	[spmem:s4] =	stream.indirect.scatter.add.f32 [tilespmem:s3], [sflag:$0x3], $0x1, s0, s31, $0xb8;
	[tilespmem:$0x10B80] =	vst v63  }
0x1a1: {  	s9 =	sshll.u32 s21, $0x9  }
0x1a2: {  	[spmem:s5] =	stream.indirect.scatter.add.f32 [tilespmem:s23], [sflag:$0x3], $0x1, s0, s31, $0xb8;
	[tilespmem:$0x10B80] =	vst v63  }
0x1a3: {  	s9 =	sadd.s32 s1, s9;
	s8 =	sshll.u32 s21, $0x8  }
0x1a4: {  	[tilespmem:s25], [sflag:$0x1] =	stream.linear.gather [hbm4b:s9+s6], $0x1000, $0x38;
	[tilespmem:$0x10B80] =	vst v63  }
0x1a5: {  	s8 =	sadd.s32 s2, s8  }
0x1a6: {  	[tilespmem:s26], [sflag:$0x1] =	stream.linear.gather [hbm4b:s8+s6], $0x800, $0x38;
	[tilespmem:$0x10B80] =	vst v63  }
0x1a7: {  	_ =	swait.ge [sflag:s7], $0x1000  }
0x1a8: {  	[sflag:s7] =	ssyncset.done $0x0  }
0x1a9: {  	[sflag:s7] =	ssyncadd.s32 $0xFFFFF000  }
0x1aa: {  	_ =	swait.ge [sflag:s7], $0x800  }
0x1ab: {  	[sflag:s7] =	ssyncset.done $0x0  }
0x1ac: {  	[sflag:s7] =	ssyncadd.s32 $0xFFFFF800  }
0x1ad: {  	_ =	swait.ge [sflag:s14], $0x800  }
0x1ae: {  	[sflag:s14] =	ssyncset.done $0x0  }
0x1af: {  	[sflag:s14] =	ssyncadd.s32 $0xFFFFF800  }
0x1b0: {  	_ =	swait.ge [sflag:s14], $0x800  }
0x1b1: {  	[sflag:s14] =	ssyncset.done $0x0  }
0x1b2: {  	s22 =	simm.s32 $0x7280;
	[sflag:s14] =	ssyncadd.s32 $0xFFFFF800  }
0x1b3: {  	v2 =	vld [tilespmem:s22+$0xFFFFFFF0]  }
0x1b4: {  	s20 =	simm.s32 $0x8A40;
	v3 =	vld [tilespmem:s22+$0x70]  }
0x1b5: {  	v4 =	vld [tilespmem:s20+$0x30]  }
0x1b6: {  	v5 =	vld [tilespmem:s20+$0xFFFFFFC0]  }
0x1b7: {  	v6 =	vld [tilespmem:s20+$0xFFFFFFD0]  }
0x1b8: {  	v7 =	vld [tilespmem:s20+$0xFFFFFFE0]  }
0x1b9: {  	v9 =	vld [tilespmem:s20+$0xFFFFFFF0]  }
0x1ba: {  	v11 =	vld [tilespmem:s20+$0x0]  }
0x1bb: {  	v12 =	vld [tilespmem:s20+$0x10]  }
0x1bc: {  	v13 =	vld [tilespmem:s20+$0x20]  }
0x1bd: {  	v20 =	vld [tilespmem:s22+$0xFFFFFFC0]  }
0x1be: {  	v21 =	vld [tilespmem:s22+$0x40]  }
0x1bf: {  	v22 =	vld [tilespmem:s22+$0xFFFFFFD0]  }
0x1c0: {  	v24 =	vld [tilespmem:s22+$0x50];
	v4 =	vmul.f32 $1.428571410e+01, v4;
	v5 =	vmul.f32 $1.428571410e+01, v5  }
0x1c1: {  	v25 =	vld [tilespmem:s22+$0xFFFFFFE0];
	v6 =	vmul.f32 $1.428571410e+01, v6;
	v7 =	vmul.f32 $1.428571410e+01, v7  }
0x1c2: {  	v27 =	vld [tilespmem:s22+$0x60];
	v8 =	vshra.s32 v2, $0x2;
	v9 =	vmul.f32 $1.428571410e+01, v9;
	v11 =	vmul.f32 $1.428571410e+01, v11  }
0x1c3: {  	s21 =	simm.s32 $0x9A40;
	v10 =	vshra.s32 v3, $0x2;
	v12 =	vmul.f32 $1.428571410e+01, v12;
	v13 =	vmul.f32 $1.428571410e+01, v13  }
0x1c4: {  	v14 =	vld [tilespmem:s22+$0xFFFFFF90];
	[tilespmem:s21+$0x30] =	vst v2;
	v2 =	vshll.u32 v2, $0x3;
	v3 =	vshll.u32 v3, $0x3;
	v26 =	vshra.s32 v20, $0x2  }
0x1c5: {  	v16 =	vld [tilespmem:s22+$0xFFFFFFA0];
	v28 =	vshra.s32 v21, $0x2;
	v30 =	vshra.s32 v24, $0x2;
	v21 =	vshll.u32 v21, $0x3  }
0x1c6: {  	v17 =	vld [tilespmem:s22+$0x20];
	v31 =	vshra.s32 v25, $0x2;
	v32 =	vshll.u32 v22, $0x3;
	v24 =	vshll.u32 v24, $0x3  }
0x1c7: {  	v18 =	vld [tilespmem:s22+$0xFFFFFFB0];
	v33 =	vshra.s32 v27, $0x2;
	v35 =	vshll.u32 v25, $0x3;
	v4 =	vmul.f32 $1.442695020e+00, v4  }
0x1c8: {  	v19 =	vld [tilespmem:s22+$0x30];
	v2 =	vand.u32 $0x18, v2;
	v5 =	vmul.f32 $1.442695020e+00, v5;
	v6 =	vmul.f32 $1.442695020e+00, v6  }
0x1c9: {  	v3 =	vand.u32 $0x18, v3;
	v7 =	vmul.f32 $1.442695020e+00, v7;
	v9 =	vmul.f32 $1.442695020e+00, v9;
	v10 =	vld.idx.msk [tilespmem:v10+s6+$0x0], $0xffff  }
0x1ca: {  	v21 =	vand.u32 $0x18, v21;
	v11 =	vmul.f32 $1.442695020e+00, v11;
	(erf) = vpow2.f32 v4;
	v8 =	vld.idx.msk [tilespmem:v8+s6+$0x0], $0xffff  }
0x1cb: {  	v15 =	vld [tilespmem:s22+$0x10];
	v32 =	vand.u32 $0x18, v32;
	v12 =	vmul.f32 $1.442695020e+00, v12;
	(erf) = vpow2.f32 v5  }
0x1cc: {  	v13 =	vmul.f32 $1.442695020e+00, v13;
	v4 =	vld [tilespmem:s22+$0x0];
	v5 =	vshra.s32 v16, $0x2;
	(erf) = vpow2.f32 v6  }
0x1cd: {  	v6 =	vshra.s32 v17, $0x2;
	(erf) = vpow2.f32 v7;
	v7 =	vshra.s32 v18, $0x2  }
0x1ce: {  	(erf) = vpow2.f32 v9;
	v3 =	vshra.s32 v10, v3;
	v10 =	vshra.s32 v14, $0x2  }
0x1cf: {  	v9 =	vshra.s32 v19, $0x2;
	(erf) = vpow2.f32 v11;
	v2 =	vshra.s32 v8, v2  }
0x1d0: {  	[tilespmem:s21+$0xFFFFFFE0] =	vst v16;
	(erf) = vpow2.f32 v12;
	v12 =	vld [tilespmem:s22+$0xFFFFFF80];
	v2 =	vxor.u32 v2, v3;
	v3 =	vshra.s32 v15, $0x2  }
0x1d1: {  	[tilespmem:s21+$0xFFFFFFF0] =	vst v18;
	v19 =	vshll.u32 v19, $0x3;
	v11 =	vshll.u32 v14, $0x3;
	v8 =	vshra.s32 v4, $0x2;
	v5 =	vld.idx.msk [tilespmem:v5+s6+$0x0], $0xffff  }
0x1d2: {  	[tilespmem:s21+$0xFFFFFFD0] =	vst v14;
	v19 =	vand.u32 $0x18, v19;
	v4 =	vshll.u32 v4, $0x3;
	v14 =	vshll.u32 v17, $0x3;
	v7 =	vld.idx.msk [tilespmem:v7+s6+$0x0], $0xffff  }
0x1d3: {  	v17 =	vshra.s32 v22, $0x2;
	v36 =	vand.u32 $0x18, v11;
	v2 =	vand.u32 $0xFF, v2;
	v29 =	vld.idx.msk [tilespmem:v10+s6+$0x0], $0xffff  }
0x1d4: {  	v11 =	vand.u32 $0x18, v24;
	v15 =	vshll.u32 v15, $0x3;
	v10 =	vshll.u32 v18, $0x3;
	v18 =	vld.idx.msk [tilespmem:v6+s6+$0x0], $0xffff  }
0x1d5: {  	v4 =	vand.u32 $0x18, v4;
	v14 =	vand.u32 $0x18, v14;
	v15 =	vand.u32 $0x18, v15;
	[tilespmem:s21+$0xFFFFFFC0] =	vst v12;
	v3 =	vld.idx.msk [tilespmem:v3+s6+$0x0], $0xffff  }
0x1d6: {  	vm0 =	veq.s32 v2, $0x0;
	v2 =	vpop (erf);
	(erf) = vpow2.f32 v13;
	v6 =	vshra.s32 v12, $0x2;
	v60 =	vld.idx.msk [tilespmem:v8+s6+$0x0], $0xffff  }
0x1d7: {  	[tilespmem:s21+$0x0] =	vst v20;
	v13 =	vshll.u32 v16, $0x3;
	v16 =	vshll.u32 v20, $0x3;
	v34 =	vshll.u32 v12, $0x3;
	v20 =	vld.idx.msk [tilespmem:v9+s6+$0x0], $0xffff  }
0x1d8: {  	v26 =	vld.idx.msk [tilespmem:v26+s6+$0x0], $0xffff;
	v12 =	vshll.u32 v27, $0x3;
	v23 =	vnsel vm0, $0x0, v2;
	v2 =	vsel vm0, $0x0, v2  }
0x1d9: {  	v61 =	vld.idx.msk [tilespmem:v28+s6+$0x0], $0xffff;
	v13 =	vand.u32 $0x18, v13;
	v37 =	vand.u32 $0x18, v10;
	v9 =	vand.u32 $0x18, v12  }
0x1da: {  	[tilespmem:s21+$0x10] =	vst v22;
	v5 =	vshra.s32 v5, v13;
	v13 =	vshra.s32 v7, v37;
	v12 =	vshra.s32 v29, v36  }
0x1db: {  	v8 =	vpop (erf);
	v62 =	vld.idx.msk [tilespmem:v6+s6+$0x0], $0xffff;
	v3 =	vshra.s32 v3, v15;
	v27 =	vshra.s32 v60, v4;
	v4 =	vshra.s32 v18, v14  }
0x1dc: {  	v63 =	vld.idx.msk [tilespmem:v17+s6+$0x0], $0xffff;
	v6 =	vpop (erf);
	v3 =	vxor.u32 v12, v3;
	v14 =	vxor.u32 v5, v4;
	v4 =	vshra.s32 v20, v19  }
0x1dd: {  	[tilespmem:s21+$0x20] =	vst v25;
	v16 =	vand.u32 $0x18, v16;
	v7 =	vpop (erf);
	v12 =	vld.idx.msk [tilespmem:v30+s6+$0x0], $0xffff;
	v18 =	vand.u32 $0xFF, v3;
	v3 =	vxor.u32 v13, v4  }
0x1de: {  	v16 =	vshra.s32 v26, v16;
	v5 =	vpop (erf);
	v17 =	vand.u32 $0xFF, v14;
	v14 =	vshra.s32 v61, v21;
	v13 =	vld.idx.msk [tilespmem:v31+s6+$0x0], $0xffff  }
0x1df: {  	s22 =	simm.s32 $0xAA40;
	v34 =	vand.u32 $0x18, v34;
	v10 =	vand.u32 $0x18, v35;
	v16 =	vxor.u32 v16, v14;
	v14 =	vld.idx.msk [tilespmem:v33+s6+$0x0], $0xffff;
	v4 =	vpop (erf)  }
0x1e0: {  	s8 =	simm.s32 $0xBA40;
	[tilespmem:s22+$0x30] =	vst v23;
	v15 =	vand.u32 $0xFF, v3;
	vm0 =	veq.s32 v18, $0x0;
	v19 =	vshra.s32 v62, v34;
	v3 =	vpop (erf)  }
0x1e1: {  	s15 =	simm.s32 $0x7380;
	s9 =	simm.s32 $0x0;
	[tilespmem:s8+$0x30] =	vst v2;
	v18 =	vshra.s32 v63, v32;
	v16 =	vand.u32 $0xFF, v16;
	v19 =	vxor.u32 v19, v27;
	v2 =	vpop (erf)  }
.LBB2_11:
0x1e2: {  	v20 =	vld [tilespmem:s15+$0xFFFFFFF0];
	v19 =	vand.u32 $0xFF, v19;
	vm3 =	veq.s32 v17, $0x0;
	v11 =	vshra.s32 v12, v11  }
0x1e3: {  	v10 =	vshra.s32 v13, v10;
	s20 =	sadd.s32 $0x80, s20;
	v12 =	vld [tilespmem:s15+$0x70];
	vm2 =	veq.s32 v19, $0x0;
	v11 =	vxor.u32 v18, v11  }
0x1e4: {  	s9 =	sadd.s32 $0x80, s9;
	vm5 =	veq.s32 v15, $0x0;
	v9 =	vshra.s32 v14, v9;
	v13 =	vld [tilespmem:s20+$0x30];
	v11 =	vand.u32 $0xFF, v11  }
0x1e5: {  	vm4 =	veq.s32 v16, $0x0;
	p0 =	slt.u32 s9, $0x780;
	v9 =	vxor.u32 v10, v9;
	v14 =	vld [tilespmem:s20+$0xFFFFFFC0];
	vm1 =	veq.s32 v11, $0x0  }
0x1e6: {  	v11 =	vnsel vm2, $0x0, v8;
	v8 =	vsel vm2, $0x0, v8;
	v9 =	vand.u32 $0xFF, v9;
	v10 =	vld [tilespmem:s20+$0xFFFFFFD0]  }
0x1e7: {  	vm2 =	veq.s32 v9, $0x0;
	v15 =	vld [tilespmem:s20+$0xFFFFFFE0];
	v16 =	vshra.s32 v20, $0x2;
	[tilespmem:s22+$0xFFFFFFC0] =	vst v11;
	v11 =	vnsel vm0, $0x0, v6  }
0x1e8: {  	v6 =	vsel vm0, $0x0, v6;
	v9 =	vld [tilespmem:s20+$0xFFFFFFF0];
	v17 =	vshra.s32 v12, $0x2;
	[tilespmem:s8+$0xFFFFFFC0] =	vst v8;
	v8 =	vnsel vm3, $0x0, v7  }
0x1e9: {  	v7 =	vsel vm3, $0x0, v7;
	v18 =	vld [tilespmem:s20+$0x0];
	v13 =	vmul.f32 $1.428571410e+01, v13;
	[tilespmem:s22+$0xFFFFFFD0] =	vst v11;
	v11 =	vnsel vm5, $0x0, v5  }
0x1ea: {  	s21 =	sadd.s32 $0x80, s21;
	v5 =	vsel vm5, $0x0, v5;
	v14 =	vmul.f32 $1.428571410e+01, v14;
	v19 =	vld [tilespmem:s20+$0x10];
	[tilespmem:s8+$0xFFFFFFD0] =	vst v6;
	v6 =	vnsel vm4, $0x0, v4  }
0x1eb: {  	v4 =	vsel vm4, $0x0, v4;
	v10 =	vmul.f32 $1.428571410e+01, v10;
	v21 =	vld [tilespmem:s20+$0x20];
	[tilespmem:s21+$0x30] =	vst v20;
	v13 =	vmul.f32 $1.442695020e+00, v13  }
0x1ec: {  	v14 =	vmul.f32 $1.442695020e+00, v14;
	v15 =	vmul.f32 $1.428571410e+01, v15;
	v16 =	vld.idx.msk [tilespmem:v16+s6+$0x0], $0xffff;
	[tilespmem:s22+$0xFFFFFFE0] =	vst v8;
	v8 =	vnsel vm1, $0x0, v3  }
0x1ed: {  	v3 =	vsel vm1, $0x0, v3;
	v9 =	vmul.f32 $1.428571410e+01, v9;
	v17 =	vld.idx.msk [tilespmem:v17+s6+$0x0], $0xffff;
	(erf) = vpow2.f32 v13;
	[tilespmem:s8+$0xFFFFFFE0] =	vst v7  }
0x1ee: {  	v10 =	vmul.f32 $1.442695020e+00, v10;
	v7 =	vld [tilespmem:s15+$0x0];
	v13 =	vmul.f32 $1.428571410e+01, v18;
	[tilespmem:s22+$0xFFFFFFF0] =	vst v11;
	v11 =	vnsel vm2, $0x0, v2  }
0x1ef: {  	v15 =	vmul.f32 $1.442695020e+00, v15;
	v2 =	vsel vm2, $0x0, v2;
	v18 =	vld [tilespmem:s15+$0xFFFFFF90];
	v19 =	vmul.f32 $1.428571410e+01, v19;
	[tilespmem:s8+$0xFFFFFFF0] =	vst v5  }
0x1f0: {  	v9 =	vmul.f32 $1.442695020e+00, v9;
	v5 =	vld [tilespmem:s15+$0x10];
	v21 =	vmul.f32 $1.428571410e+01, v21;
	[tilespmem:s22+$0x0] =	vst v6  }
0x1f1: {  	v12 =	vshll.u32 v12, $0x3;
	v20 =	vshll.u32 v20, $0x3;
	v13 =	vmul.f32 $1.442695020e+00, v13;
	v6 =	vld [tilespmem:s15+$0xFFFFFFA0];
	[tilespmem:s8+$0x0] =	vst v4  }
0x1f2: {  	v12 =	vand.u32 $0x18, v12;
	v20 =	vand.u32 $0x18, v20;
	v19 =	vmul.f32 $1.442695020e+00, v19;
	v4 =	vld [tilespmem:s15+$0x20];
	[tilespmem:s22+$0x10] =	vst v8  }
0x1f3: {  	v16 =	vshra.s32 v16, v20;
	v21 =	vmul.f32 $1.442695020e+00, v21;
	v12 =	vshra.s32 v17, v12;
	v8 =	vld [tilespmem:s15+$0xFFFFFFB0];
	[tilespmem:s8+$0x10] =	vst v3  }
0x1f4: {  	v3 =	vshra.s32 v7, $0x2;
	v12 =	vxor.u32 v16, v12;
	[tilespmem:s21+$0xFFFFFFD0] =	vst v18;
	v17 =	vshra.s32 v18, $0x2;
	v20 =	vld [tilespmem:s15+$0x30]  }
0x1f5: {  	v12 =	vand.u32 $0xFF, v12;
	v16 =	vshra.s32 v5, $0x2;
	v22 =	vld [tilespmem:s15+$0xFFFFFFC0];
	(erf) = vpow2.f32 v14;
	[tilespmem:s22+$0x20] =	vst v11  }
0x1f6: {  	vm0 =	veq.s32 v12, $0x0;
	[tilespmem:s21+$0xFFFFFFE0] =	vst v6;
	v11 =	vshra.s32 v6, $0x2;
	v14 =	vld [tilespmem:s15+$0x40];
	(erf) = vpow2.f32 v10;
	v10 =	vpop (erf)  }
0x1f7: {  	s22 =	sadd.s32 $0x80, s22;
	v12 =	vshra.s32 v4, $0x2;
	v23 =	vld [tilespmem:s15+$0xFFFFFFD0];
	v24 =	vnsel vm0, $0x0, v10;
	(erf) = vpow2.f32 v15;
	[tilespmem:s8+$0x20] =	vst v2  }
0x1f8: {  	v10 =	vsel vm0, $0x0, v10;
	s8 =	sadd.s32 $0x80, s8;
	v2 =	vshra.s32 v8, $0x2;
	v15 =	vld [tilespmem:s15+$0x50];
	[tilespmem:s22+$0x30] =	vst v24;
	(erf) = vpow2.f32 v9  }
0x1f9: {  	v9 =	vshll.u32 v7, $0x3;
	v24 =	vshra.s32 v20, $0x2;
	v7 =	vld [tilespmem:s15+$0xFFFFFFE0];
	[tilespmem:s8+$0x30] =	vst v10;
	(erf) = vpow2.f32 v13  }
0x1fa: {  	v10 =	vshll.u32 v18, $0x3;
	[tilespmem:s21+$0xFFFFFFF0] =	vst v8;
	v13 =	vshra.s32 v22, $0x2;
	v18 =	vld [tilespmem:s15+$0x60];
	(erf) = vpow2.f32 v19  }
0x1fb: {  	v25 =	vshll.u32 v5, $0x3;
	v19 =	vld [tilespmem:s15+$0xFFFFFF80];
	[tilespmem:s21+$0x0] =	vst v22;
	v26 =	vshra.s32 v14, $0x2;
	(erf) = vpow2.f32 v21  }
0x1fc: {  	v27 =	vshll.u32 v4, $0x3;
	v21 =	vshll.u32 v6, $0x3;
	v17 =	vld.idx.msk [tilespmem:v17+s6+$0x0], $0xffff;
	[tilespmem:s21+$0x10] =	vst v23;
	v28 =	vshra.s32 v23, $0x2  }
0x1fd: {  	v29 =	vshll.u32 v8, $0x3;
	v20 =	vshll.u32 v20, $0x3;
	v16 =	vld.idx.msk [tilespmem:v16+s6+$0x0], $0xffff;
	v30 =	vshra.s32 v15, $0x2  }
0x1fe: {  	v14 =	vshll.u32 v14, $0x3;
	v31 =	vld.idx.msk [tilespmem:v11+s6+$0x0], $0xffff;
	v11 =	vshll.u32 v22, $0x3;
	[tilespmem:s21+$0x20] =	vst v7;
	v22 =	vshra.s32 v7, $0x2;
	v8 =	vpop (erf)  }
0x1ff: {  	v23 =	vshll.u32 v23, $0x3;
	v15 =	vshll.u32 v15, $0x3;
	v12 =	vld.idx.msk [tilespmem:v12+s6+$0x0], $0xffff;
	v32 =	vshra.s32 v18, $0x2;
	v6 =	vpop (erf)  }
0x200: {  	v34 =	vshll.u32 v7, $0x3;
	[tilespmem:s21+$0xFFFFFFC0] =	vst v19;
	v33 =	vshra.s32 v19, $0x2;
	v38 =	vshll.u32 v19, $0x3;
	v19 =	vld.idx.msk [tilespmem:v2+s6+$0x0], $0xffff;
	v7 =	vpop (erf)  }
0x201: {  	v37 =	vand.u32 $0x18, v9;
	v9 =	vshll.u32 v18, $0x3;
	v35 =	vld.idx.msk [tilespmem:v3+s6+$0x0], $0xffff;
	v36 =	vand.u32 $0x18, v38;
	v5 =	vpop (erf)  }
0x202: {  	v25 =	vand.u32 $0x18, v25;
	v21 =	vand.u32 $0x18, v21;
	v18 =	vand.u32 $0x18, v10;
	v24 =	vld.idx.msk [tilespmem:v24+s6+$0x0], $0xffff;
	v4 =	vpop (erf)  }
0x203: {  	v27 =	vand.u32 $0x18, v27;
	v29 =	vand.u32 $0x18, v29;
	v20 =	vand.u32 $0x18, v20;
	v38 =	vld.idx.msk [tilespmem:v13+s6+$0x0], $0xffff;
	v3 =	vpop (erf)  }
0x204: {  	v40 =	vand.u32 $0x18, v14;
	v23 =	vand.u32 $0x18, v23;
	v39 =	vand.u32 $0x18, v11;
	v26 =	vld.idx.msk [tilespmem:v26+s6+$0x0], $0xffff;
	v2 =	vpop (erf)  }
0x205: {  	v11 =	vand.u32 $0x18, v15;
	v10 =	vand.u32 $0x18, v34;
	v9 =	vand.u32 $0x18, v9;
	v33 =	vld.idx.msk [tilespmem:v33+s6+$0x0], $0xffff  }
0x206: {  	v14 =	vshra.s32 v16, v25;
	v13 =	vshra.s32 v17, v18;
	v15 =	vshra.s32 v31, v21;
	v18 =	vld.idx.msk [tilespmem:v28+s6+$0x0], $0xffff  }
0x207: {  	v17 =	vshra.s32 v12, v27;
	v19 =	vshra.s32 v19, v29;
	v16 =	vshra.s32 v35, v37;
	v12 =	vld.idx.msk [tilespmem:v30+s6+$0x0], $0xffff  }
.Ltmp4:
0x208: {  	v14 =	vxor.u32 v13, v14;
	v15 =	vxor.u32 v15, v17;
	v17 =	vshra.s32 v24, v20;
	v13 =	vld.idx.msk [tilespmem:v22+s6+$0x0], $0xffff;
	(pc) =	sbr.rel @p0 .LBB2_11-.Ltmp4, $4  }
0x209: {  	v20 =	vand.u32 $0xFF, v14;
	v19 =	vxor.u32 v19, v17;
	v21 =	vshra.s32 v38, v39;
	v14 =	vld.idx.msk [tilespmem:v32+s6+$0x0], $0xffff  }
0x20a: {  	v17 =	vand.u32 $0xFF, v15;
	v15 =	vand.u32 $0xFF, v19;
	v19 =	vshra.s32 v26, v40  }
0x20b: {  	vm0 =	veq.s32 v20, $0x0;
	v22 =	vshra.s32 v33, v36;
	v20 =	vxor.u32 v21, v19  }
0x20c: {  	s15 =	sadd.s32 $0x100, s15;
	v19 =	vxor.u32 v22, v16;
	v16 =	vand.u32 $0xFF, v20;
	v18 =	vshra.s32 v18, v23  }
0x20d: {  	v51 =	vnsel vm0, $0x0, v6  }
0x20e: {  	vm11 =	veq.s32 v17, $0x0;
	v52 =	vsel vm0, $0x0, v6;
	[tilespmem:s22+$0xFFFFFFD0] =	vst v51  }
0x20f: {  	vm12 =	veq.s32 v15, $0x0;
	v53 =	vnsel vm11, $0x0, v7;
	[tilespmem:s8+$0xFFFFFFD0] =	vst v52  }
0x210: {  	v19 =	vand.u32 $0xFF, v19;
	vm13 =	veq.s32 v16, $0x0;
	v56 =	vnsel vm12, $0x0, v5;
	[tilespmem:s22+$0xFFFFFFE0] =	vst v53  }
0x211: {  	vm1 =	veq.s32 v19, $0x0;
	v60 =	vnsel vm13, $0x0, v4;
	[tilespmem:s22+$0xFFFFFFF0] =	vst v56  }
0x212: {  	v19 =	vnsel vm1, $0x0, v8;
	[tilespmem:s22+$0x0] =	vst v60  }
0x213: {  	v54 =	vshra.s32 v12, v11;
	v55 =	vsel vm11, $0x0, v7;
	[tilespmem:s22+$0xFFFFFFC0] =	vst v19  }
0x214: {  	v57 =	vshra.s32 v13, v10;
	v6 =	vxor.u32 v18, v54;
	v58 =	vsel vm12, $0x0, v5;
	[tilespmem:s8+$0xFFFFFFE0] =	vst v55  }
0x215: {  	v59 =	vshra.s32 v14, v9;
	v62 =	vsel vm13, $0x0, v4;
	v6 =	vand.u32 $0xFF, v6;
	[tilespmem:s8+$0xFFFFFFF0] =	vst v58  }
0x216: {  	v50 =	vsel vm1, $0x0, v8;
	v61 =	vxor.u32 v57, v59;
	vm14 =	veq.s32 v6, $0x0;
	[tilespmem:s8+$0x0] =	vst v62  }
0x217: {  	v5 =	vand.u32 $0xFF, v61;
	[tilespmem:s8+$0xFFFFFFC0] =	vst v50;
	v6 =	vnsel vm14, $0x0, v3  }
0x218: {  	vm15 =	veq.s32 v5, $0x0;
	v3 =	vsel vm14, $0x0, v3;
	[tilespmem:s22+$0x10] =	vst v6  }
0x219: {  	v63 =	vnsel vm15, $0x0, v2;
	[tilespmem:s8+$0x10] =	vst v3  }
0x21a: {  	v2 =	vsel vm15, $0x0, v2;
	[tilespmem:s22+$0x20] =	vst v63  }
0x21b: {  	s16 =	sadd.s32 $0x1, s16;
	s22 =	sadd.s32 s19, s17;
	[tilespmem:s8+$0x20] =	vst v2  }
0x21c: {  	[spmem:s4] =	stream.indirect.scatter.add.f32 [tilespmem:s11], [sflag:$0x4], $0x1, s10, s31, $0xb8;
	[tilespmem:$0x10B80] =	vst v63  }
0x21d: {  	p0 =	sne.s32 s16, $0x2F;
	s8 =	smin.u32 s22, $0xC34  }
0x21e: {  	[spmem:s5] =	stream.indirect.scatter.add.f32 [tilespmem:s12], [sflag:$0x4], $0x1, s10, s31, $0xb8;
	[tilespmem:$0x10B80] =	vst v63  }
.Ltmp5:
0x21f: {  	s9 =	sshll.u32 s8, $0x9;
	(pc) =	sbr.rel @p0 .LBB2_8-.Ltmp5, $4  }
0x220: {  	s8 =	sshll.u32 s8, $0x8;
	s9 =	sadd.s32 s1, s9  }
0x221: {  	[tilespmem:s28], [sflag:$0x2] =	stream.linear.gather [hbm4b:s9+s6], $0x1000, $0x38;
	[tilespmem:$0x10B80] =	vst v63  }
0x222: {  	s8 =	sadd.s32 s2, s8  }
0x223: {  	[tilespmem:s29], [sflag:$0x2] =	stream.linear.gather [hbm4b:s8+s6], $0x800, $0x38;
	[tilespmem:$0x10B80] =	vst v63  }
0x224: {  	_ =	swait.ge [sflag:s30], $0x1000  }
0x225: {  	[sflag:s30] =	ssyncset.done $0x0  }
0x226: {  	[sflag:s30] =	ssyncadd.s32 $0xFFFFF000  }
0x227: {  	_ =	swait.ge [sflag:s30], $0x800  }
0x228: {  	[sflag:s30] =	ssyncset.done $0x0  }
0x229: {  	[sflag:s30] =	ssyncadd.s32 $0xFFFFF800  }
0x22a: {  	_ =	swait.ge [sflag:s13], $0x800  }
0x22b: {  	[sflag:s13] =	ssyncset.done $0x0  }
0x22c: {  	[sflag:s13] =	ssyncadd.s32 $0xFFFFF800  }
0x22d: {  	_ =	swait.ge [sflag:s13], $0x800  }
0x22e: {  	[sflag:s13] =	ssyncset.done $0x0  }
0x22f: {  	s8 =	simm.s32 $0x6280;
	[sflag:s13] =	ssyncadd.s32 $0xFFFFF800  }
0x230: {  	v2 =	vld [tilespmem:s8+$0xFFFFFFF0]  }
0x231: {  	s16 =	simm.s32 $0x8240;
	v3 =	vld [tilespmem:s8+$0x70]  }
0x232: {  	v4 =	vld [tilespmem:s16+$0x30]  }
0x233: {  	v5 =	vld [tilespmem:s16+$0xFFFFFFC0]  }
0x234: {  	v6 =	vld [tilespmem:s16+$0xFFFFFFD0]  }
0x235: {  	v7 =	vld [tilespmem:s16+$0xFFFFFFE0]  }
0x236: {  	v9 =	vld [tilespmem:s16+$0xFFFFFFF0]  }
0x237: {  	v11 =	vld [tilespmem:s16+$0x0]  }
0x238: {  	v12 =	vld [tilespmem:s16+$0x10]  }
0x239: {  	v13 =	vld [tilespmem:s16+$0x20]  }
0x23a: {  	v20 =	vld [tilespmem:s8+$0xFFFFFFC0]  }
0x23b: {  	v21 =	vld [tilespmem:s8+$0x40]  }
0x23c: {  	v22 =	vld [tilespmem:s8+$0xFFFFFFD0]  }
0x23d: {  	v24 =	vld [tilespmem:s8+$0x50];
	v4 =	vmul.f32 $1.428571410e+01, v4;
	v5 =	vmul.f32 $1.428571410e+01, v5  }
0x23e: {  	v25 =	vld [tilespmem:s8+$0xFFFFFFE0];
	v6 =	vmul.f32 $1.428571410e+01, v6;
	v7 =	vmul.f32 $1.428571410e+01, v7  }
0x23f: {  	v27 =	vld [tilespmem:s8+$0x60];
	v8 =	vshra.s32 v2, $0x2;
	v9 =	vmul.f32 $1.428571410e+01, v9;
	v11 =	vmul.f32 $1.428571410e+01, v11  }
0x240: {  	s17 =	simm.s32 $0x9240;
	v10 =	vshra.s32 v3, $0x2;
	v12 =	vmul.f32 $1.428571410e+01, v12;
	v13 =	vmul.f32 $1.428571410e+01, v13  }
0x241: {  	v14 =	vld [tilespmem:s8+$0xFFFFFF90];
	[tilespmem:s17+$0x30] =	vst v2;
	v2 =	vshll.u32 v2, $0x3;
	v3 =	vshll.u32 v3, $0x3;
	v26 =	vshra.s32 v20, $0x2  }
0x242: {  	v16 =	vld [tilespmem:s8+$0xFFFFFFA0];
	v28 =	vshra.s32 v21, $0x2;
	v30 =	vshra.s32 v24, $0x2;
	v21 =	vshll.u32 v21, $0x3  }
0x243: {  	v17 =	vld [tilespmem:s8+$0x20];
	v31 =	vshra.s32 v25, $0x2;
	v32 =	vshll.u32 v22, $0x3;
	v24 =	vshll.u32 v24, $0x3  }
0x244: {  	v18 =	vld [tilespmem:s8+$0xFFFFFFB0];
	v33 =	vshra.s32 v27, $0x2;
	v35 =	vshll.u32 v25, $0x3;
	v4 =	vmul.f32 $1.442695020e+00, v4  }
0x245: {  	v19 =	vld [tilespmem:s8+$0x30];
	v2 =	vand.u32 $0x18, v2;
	v5 =	vmul.f32 $1.442695020e+00, v5;
	v6 =	vmul.f32 $1.442695020e+00, v6  }
0x246: {  	v3 =	vand.u32 $0x18, v3;
	v7 =	vmul.f32 $1.442695020e+00, v7;
	v9 =	vmul.f32 $1.442695020e+00, v9;
	v10 =	vld.idx.msk [tilespmem:v10+s6+$0x0], $0xffff  }
0x247: {  	v21 =	vand.u32 $0x18, v21;
	v11 =	vmul.f32 $1.442695020e+00, v11;
	(erf) = vpow2.f32 v4;
	v8 =	vld.idx.msk [tilespmem:v8+s6+$0x0], $0xffff  }
0x248: {  	v15 =	vld [tilespmem:s8+$0x10];
	v32 =	vand.u32 $0x18, v32;
	v12 =	vmul.f32 $1.442695020e+00, v12;
	(erf) = vpow2.f32 v5  }
0x249: {  	v13 =	vmul.f32 $1.442695020e+00, v13;
	v4 =	vld [tilespmem:s8+$0x0];
	v5 =	vshra.s32 v16, $0x2;
	(erf) = vpow2.f32 v6  }
0x24a: {  	v6 =	vshra.s32 v17, $0x2;
	(erf) = vpow2.f32 v7;
	v7 =	vshra.s32 v18, $0x2  }
0x24b: {  	(erf) = vpow2.f32 v9;
	v3 =	vshra.s32 v10, v3;
	v10 =	vshra.s32 v14, $0x2  }
0x24c: {  	v9 =	vshra.s32 v19, $0x2;
	(erf) = vpow2.f32 v11;
	v2 =	vshra.s32 v8, v2  }
0x24d: {  	[tilespmem:s17+$0xFFFFFFE0] =	vst v16;
	(erf) = vpow2.f32 v12;
	v12 =	vld [tilespmem:s8+$0xFFFFFF80];
	v2 =	vxor.u32 v2, v3;
	v3 =	vshra.s32 v15, $0x2  }
0x24e: {  	[tilespmem:s17+$0xFFFFFFF0] =	vst v18;
	v19 =	vshll.u32 v19, $0x3;
	v11 =	vshll.u32 v14, $0x3;
	v8 =	vshra.s32 v4, $0x2;
	v5 =	vld.idx.msk [tilespmem:v5+s6+$0x0], $0xffff  }
0x24f: {  	[tilespmem:s17+$0xFFFFFFD0] =	vst v14;
	v19 =	vand.u32 $0x18, v19;
	v4 =	vshll.u32 v4, $0x3;
	v14 =	vshll.u32 v17, $0x3;
	v7 =	vld.idx.msk [tilespmem:v7+s6+$0x0], $0xffff  }
0x250: {  	v17 =	vshra.s32 v22, $0x2;
	v36 =	vand.u32 $0x18, v11;
	v2 =	vand.u32 $0xFF, v2;
	v29 =	vld.idx.msk [tilespmem:v10+s6+$0x0], $0xffff  }
0x251: {  	v11 =	vand.u32 $0x18, v24;
	v15 =	vshll.u32 v15, $0x3;
	v10 =	vshll.u32 v18, $0x3;
	v18 =	vld.idx.msk [tilespmem:v6+s6+$0x0], $0xffff  }
0x252: {  	v4 =	vand.u32 $0x18, v4;
	v14 =	vand.u32 $0x18, v14;
	v15 =	vand.u32 $0x18, v15;
	[tilespmem:s17+$0xFFFFFFC0] =	vst v12;
	v3 =	vld.idx.msk [tilespmem:v3+s6+$0x0], $0xffff  }
0x253: {  	vm0 =	veq.s32 v2, $0x0;
	v2 =	vpop (erf);
	(erf) = vpow2.f32 v13;
	v6 =	vshra.s32 v12, $0x2;
	v60 =	vld.idx.msk [tilespmem:v8+s6+$0x0], $0xffff  }
0x254: {  	[tilespmem:s17+$0x0] =	vst v20;
	v13 =	vshll.u32 v16, $0x3;
	v16 =	vshll.u32 v20, $0x3;
	v34 =	vshll.u32 v12, $0x3;
	v20 =	vld.idx.msk [tilespmem:v9+s6+$0x0], $0xffff  }
0x255: {  	v26 =	vld.idx.msk [tilespmem:v26+s6+$0x0], $0xffff;
	v12 =	vshll.u32 v27, $0x3;
	v23 =	vnsel vm0, $0x0, v2;
	v2 =	vsel vm0, $0x0, v2  }
0x256: {  	v61 =	vld.idx.msk [tilespmem:v28+s6+$0x0], $0xffff;
	v13 =	vand.u32 $0x18, v13;
	v37 =	vand.u32 $0x18, v10;
	v9 =	vand.u32 $0x18, v12  }
0x257: {  	[tilespmem:s17+$0x10] =	vst v22;
	v5 =	vshra.s32 v5, v13;
	v13 =	vshra.s32 v7, v37;
	v12 =	vshra.s32 v29, v36  }
0x258: {  	v8 =	vpop (erf);
	v62 =	vld.idx.msk [tilespmem:v6+s6+$0x0], $0xffff;
	v3 =	vshra.s32 v3, v15;
	v27 =	vshra.s32 v60, v4;
	v4 =	vshra.s32 v18, v14  }
0x259: {  	v63 =	vld.idx.msk [tilespmem:v17+s6+$0x0], $0xffff;
	v6 =	vpop (erf);
	v3 =	vxor.u32 v12, v3;
	v14 =	vxor.u32 v5, v4;
	v4 =	vshra.s32 v20, v19  }
0x25a: {  	[tilespmem:s17+$0x20] =	vst v25;
	v16 =	vand.u32 $0x18, v16;
	v7 =	vpop (erf);
	v12 =	vld.idx.msk [tilespmem:v30+s6+$0x0], $0xffff;
	v18 =	vand.u32 $0xFF, v3;
	v3 =	vxor.u32 v13, v4  }
0x25b: {  	v16 =	vshra.s32 v26, v16;
	v5 =	vpop (erf);
	v17 =	vand.u32 $0xFF, v14;
	v14 =	vshra.s32 v61, v21;
	v13 =	vld.idx.msk [tilespmem:v31+s6+$0x0], $0xffff  }
0x25c: {  	s20 =	simm.s32 $0xA240;
	v34 =	vand.u32 $0x18, v34;
	v10 =	vand.u32 $0x18, v35;
	v16 =	vxor.u32 v16, v14;
	v14 =	vld.idx.msk [tilespmem:v33+s6+$0x0], $0xffff;
	v4 =	vpop (erf)  }
0x25d: {  	s8 =	simm.s32 $0xB240;
	[tilespmem:s20+$0x30] =	vst v23;
	v15 =	vand.u32 $0xFF, v3;
	vm0 =	veq.s32 v18, $0x0;
	v19 =	vshra.s32 v62, v34;
	v3 =	vpop (erf)  }
0x25e: {  	s9 =	simm.s32 $0x0;
	s15 =	simm.s32 $0x6380;
	[tilespmem:s8+$0x30] =	vst v2;
	v18 =	vshra.s32 v63, v32;
	v16 =	vand.u32 $0xFF, v16;
	v19 =	vxor.u32 v19, v27;
	v2 =	vpop (erf)  }
.LBB2_14:
0x25f: {  	v20 =	vld [tilespmem:s15+$0xFFFFFFF0];
	v19 =	vand.u32 $0xFF, v19;
	vm3 =	veq.s32 v17, $0x0;
	v11 =	vshra.s32 v12, v11  }
0x260: {  	v10 =	vshra.s32 v13, v10;
	s16 =	sadd.s32 $0x80, s16;
	v12 =	vld [tilespmem:s15+$0x70];
	vm2 =	veq.s32 v19, $0x0;
	v11 =	vxor.u32 v18, v11  }
0x261: {  	s9 =	sadd.s32 $0x80, s9;
	vm5 =	veq.s32 v15, $0x0;
	v9 =	vshra.s32 v14, v9;
	v13 =	vld [tilespmem:s16+$0x30];
	v11 =	vand.u32 $0xFF, v11  }
0x262: {  	vm4 =	veq.s32 v16, $0x0;
	p0 =	slt.u32 s9, $0x780;
	v9 =	vxor.u32 v10, v9;
	v14 =	vld [tilespmem:s16+$0xFFFFFFC0];
	vm1 =	veq.s32 v11, $0x0  }
0x263: {  	v11 =	vnsel vm2, $0x0, v8;
	v8 =	vsel vm2, $0x0, v8;
	v9 =	vand.u32 $0xFF, v9;
	v10 =	vld [tilespmem:s16+$0xFFFFFFD0]  }
0x264: {  	vm2 =	veq.s32 v9, $0x0;
	v15 =	vld [tilespmem:s16+$0xFFFFFFE0];
	v16 =	vshra.s32 v20, $0x2;
	[tilespmem:s20+$0xFFFFFFC0] =	vst v11;
	v11 =	vnsel vm0, $0x0, v6  }
0x265: {  	v6 =	vsel vm0, $0x0, v6;
	v9 =	vld [tilespmem:s16+$0xFFFFFFF0];
	v17 =	vshra.s32 v12, $0x2;
	[tilespmem:s8+$0xFFFFFFC0] =	vst v8;
	v8 =	vnsel vm3, $0x0, v7  }
0x266: {  	v7 =	vsel vm3, $0x0, v7;
	v18 =	vld [tilespmem:s16+$0x0];
	v13 =	vmul.f32 $1.428571410e+01, v13;
	[tilespmem:s20+$0xFFFFFFD0] =	vst v11;
	v11 =	vnsel vm5, $0x0, v5  }
0x267: {  	s17 =	sadd.s32 $0x80, s17;
	v5 =	vsel vm5, $0x0, v5;
	v14 =	vmul.f32 $1.428571410e+01, v14;
	v19 =	vld [tilespmem:s16+$0x10];
	[tilespmem:s8+$0xFFFFFFD0] =	vst v6;
	v6 =	vnsel vm4, $0x0, v4  }
0x268: {  	v4 =	vsel vm4, $0x0, v4;
	v10 =	vmul.f32 $1.428571410e+01, v10;
	v21 =	vld [tilespmem:s16+$0x20];
	[tilespmem:s17+$0x30] =	vst v20;
	v13 =	vmul.f32 $1.442695020e+00, v13  }
0x269: {  	v14 =	vmul.f32 $1.442695020e+00, v14;
	v15 =	vmul.f32 $1.428571410e+01, v15;
	v16 =	vld.idx.msk [tilespmem:v16+s6+$0x0], $0xffff;
	[tilespmem:s20+$0xFFFFFFE0] =	vst v8;
	v8 =	vnsel vm1, $0x0, v3  }
0x26a: {  	v3 =	vsel vm1, $0x0, v3;
	v9 =	vmul.f32 $1.428571410e+01, v9;
	v17 =	vld.idx.msk [tilespmem:v17+s6+$0x0], $0xffff;
	(erf) = vpow2.f32 v13;
	[tilespmem:s8+$0xFFFFFFE0] =	vst v7  }
0x26b: {  	v10 =	vmul.f32 $1.442695020e+00, v10;
	v7 =	vld [tilespmem:s15+$0x0];
	v13 =	vmul.f32 $1.428571410e+01, v18;
	[tilespmem:s20+$0xFFFFFFF0] =	vst v11;
	v11 =	vnsel vm2, $0x0, v2  }
0x26c: {  	v15 =	vmul.f32 $1.442695020e+00, v15;
	v2 =	vsel vm2, $0x0, v2;
	v18 =	vld [tilespmem:s15+$0xFFFFFF90];
	v19 =	vmul.f32 $1.428571410e+01, v19;
	[tilespmem:s8+$0xFFFFFFF0] =	vst v5  }
0x26d: {  	v9 =	vmul.f32 $1.442695020e+00, v9;
	v5 =	vld [tilespmem:s15+$0x10];
	v21 =	vmul.f32 $1.428571410e+01, v21;
	[tilespmem:s20+$0x0] =	vst v6  }
0x26e: {  	v12 =	vshll.u32 v12, $0x3;
	v20 =	vshll.u32 v20, $0x3;
	v13 =	vmul.f32 $1.442695020e+00, v13;
	v6 =	vld [tilespmem:s15+$0xFFFFFFA0];
	[tilespmem:s8+$0x0] =	vst v4  }
0x26f: {  	v12 =	vand.u32 $0x18, v12;
	v20 =	vand.u32 $0x18, v20;
	v19 =	vmul.f32 $1.442695020e+00, v19;
	v4 =	vld [tilespmem:s15+$0x20];
	[tilespmem:s20+$0x10] =	vst v8  }
0x270: {  	v16 =	vshra.s32 v16, v20;
	v21 =	vmul.f32 $1.442695020e+00, v21;
	v12 =	vshra.s32 v17, v12;
	v8 =	vld [tilespmem:s15+$0xFFFFFFB0];
	[tilespmem:s8+$0x10] =	vst v3  }
0x271: {  	v3 =	vshra.s32 v7, $0x2;
	v12 =	vxor.u32 v16, v12;
	[tilespmem:s17+$0xFFFFFFD0] =	vst v18;
	v17 =	vshra.s32 v18, $0x2;
	v20 =	vld [tilespmem:s15+$0x30]  }
0x272: {  	v12 =	vand.u32 $0xFF, v12;
	v16 =	vshra.s32 v5, $0x2;
	v22 =	vld [tilespmem:s15+$0xFFFFFFC0];
	(erf) = vpow2.f32 v14;
	[tilespmem:s20+$0x20] =	vst v11  }
0x273: {  	vm0 =	veq.s32 v12, $0x0;
	[tilespmem:s17+$0xFFFFFFE0] =	vst v6;
	v11 =	vshra.s32 v6, $0x2;
	v14 =	vld [tilespmem:s15+$0x40];
	(erf) = vpow2.f32 v10;
	v10 =	vpop (erf)  }
0x274: {  	s20 =	sadd.s32 $0x80, s20;
	v12 =	vshra.s32 v4, $0x2;
	v23 =	vld [tilespmem:s15+$0xFFFFFFD0];
	v24 =	vnsel vm0, $0x0, v10;
	(erf) = vpow2.f32 v15;
	[tilespmem:s8+$0x20] =	vst v2  }
0x275: {  	v10 =	vsel vm0, $0x0, v10;
	s8 =	sadd.s32 $0x80, s8;
	v2 =	vshra.s32 v8, $0x2;
	v15 =	vld [tilespmem:s15+$0x50];
	[tilespmem:s20+$0x30] =	vst v24;
	(erf) = vpow2.f32 v9  }
0x276: {  	v9 =	vshll.u32 v7, $0x3;
	v24 =	vshra.s32 v20, $0x2;
	v7 =	vld [tilespmem:s15+$0xFFFFFFE0];
	[tilespmem:s8+$0x30] =	vst v10;
	(erf) = vpow2.f32 v13  }
0x277: {  	v10 =	vshll.u32 v18, $0x3;
	[tilespmem:s17+$0xFFFFFFF0] =	vst v8;
	v13 =	vshra.s32 v22, $0x2;
	v18 =	vld [tilespmem:s15+$0x60];
	(erf) = vpow2.f32 v19  }
0x278: {  	v25 =	vshll.u32 v5, $0x3;
	v19 =	vld [tilespmem:s15+$0xFFFFFF80];
	[tilespmem:s17+$0x0] =	vst v22;
	v26 =	vshra.s32 v14, $0x2;
	(erf) = vpow2.f32 v21  }
0x279: {  	v27 =	vshll.u32 v4, $0x3;
	v21 =	vshll.u32 v6, $0x3;
	v17 =	vld.idx.msk [tilespmem:v17+s6+$0x0], $0xffff;
	[tilespmem:s17+$0x10] =	vst v23;
	v28 =	vshra.s32 v23, $0x2  }
0x27a: {  	v29 =	vshll.u32 v8, $0x3;
	v20 =	vshll.u32 v20, $0x3;
	v16 =	vld.idx.msk [tilespmem:v16+s6+$0x0], $0xffff;
	v30 =	vshra.s32 v15, $0x2  }
0x27b: {  	v14 =	vshll.u32 v14, $0x3;
	v31 =	vld.idx.msk [tilespmem:v11+s6+$0x0], $0xffff;
	v11 =	vshll.u32 v22, $0x3;
	[tilespmem:s17+$0x20] =	vst v7;
	v22 =	vshra.s32 v7, $0x2;
	v8 =	vpop (erf)  }
0x27c: {  	v23 =	vshll.u32 v23, $0x3;
	v15 =	vshll.u32 v15, $0x3;
	v12 =	vld.idx.msk [tilespmem:v12+s6+$0x0], $0xffff;
	v32 =	vshra.s32 v18, $0x2;
	v6 =	vpop (erf)  }
0x27d: {  	v34 =	vshll.u32 v7, $0x3;
	[tilespmem:s17+$0xFFFFFFC0] =	vst v19;
	v33 =	vshra.s32 v19, $0x2;
	v38 =	vshll.u32 v19, $0x3;
	v19 =	vld.idx.msk [tilespmem:v2+s6+$0x0], $0xffff;
	v7 =	vpop (erf)  }
0x27e: {  	v37 =	vand.u32 $0x18, v9;
	v9 =	vshll.u32 v18, $0x3;
	v35 =	vld.idx.msk [tilespmem:v3+s6+$0x0], $0xffff;
	v36 =	vand.u32 $0x18, v38;
	v5 =	vpop (erf)  }
0x27f: {  	v25 =	vand.u32 $0x18, v25;
	v21 =	vand.u32 $0x18, v21;
	v18 =	vand.u32 $0x18, v10;
	v24 =	vld.idx.msk [tilespmem:v24+s6+$0x0], $0xffff;
	v4 =	vpop (erf)  }
0x280: {  	v27 =	vand.u32 $0x18, v27;
	v29 =	vand.u32 $0x18, v29;
	v20 =	vand.u32 $0x18, v20;
	v38 =	vld.idx.msk [tilespmem:v13+s6+$0x0], $0xffff;
	v3 =	vpop (erf)  }
0x281: {  	v40 =	vand.u32 $0x18, v14;
	v23 =	vand.u32 $0x18, v23;
	v39 =	vand.u32 $0x18, v11;
	v26 =	vld.idx.msk [tilespmem:v26+s6+$0x0], $0xffff;
	v2 =	vpop (erf)  }
0x282: {  	v11 =	vand.u32 $0x18, v15;
	v10 =	vand.u32 $0x18, v34;
	v9 =	vand.u32 $0x18, v9;
	v33 =	vld.idx.msk [tilespmem:v33+s6+$0x0], $0xffff  }
0x283: {  	v14 =	vshra.s32 v16, v25;
	v13 =	vshra.s32 v17, v18;
	v15 =	vshra.s32 v31, v21;
	v18 =	vld.idx.msk [tilespmem:v28+s6+$0x0], $0xffff  }
0x284: {  	v17 =	vshra.s32 v12, v27;
	v19 =	vshra.s32 v19, v29;
	v16 =	vshra.s32 v35, v37;
	v12 =	vld.idx.msk [tilespmem:v30+s6+$0x0], $0xffff  }
.Ltmp6:
0x285: {  	v14 =	vxor.u32 v13, v14;
	v15 =	vxor.u32 v15, v17;
	v17 =	vshra.s32 v24, v20;
	v13 =	vld.idx.msk [tilespmem:v22+s6+$0x0], $0xffff;
	(pc) =	sbr.rel @p0 .LBB2_14-.Ltmp6, $4  }
0x286: {  	v20 =	vand.u32 $0xFF, v14;
	v19 =	vxor.u32 v19, v17;
	v21 =	vshra.s32 v38, v39;
	v14 =	vld.idx.msk [tilespmem:v32+s6+$0x0], $0xffff  }
0x287: {  	v17 =	vand.u32 $0xFF, v15;
	v15 =	vand.u32 $0xFF, v19;
	v19 =	vshra.s32 v26, v40  }
0x288: {  	vm0 =	veq.s32 v20, $0x0;
	v22 =	vshra.s32 v33, v36;
	v20 =	vxor.u32 v21, v19  }
0x289: {  	s15 =	sadd.s32 $0x100, s15;
	v19 =	vxor.u32 v22, v16;
	v16 =	vand.u32 $0xFF, v20;
	v18 =	vshra.s32 v18, v23  }
0x28a: {  	v19 =	vand.u32 $0xFF, v19  }
0x28b: {  	vm1 =	veq.s32 v19, $0x0  }
0x28c: {  	v19 =	vnsel vm1, $0x0, v8  }
0x28d: {  	v8 =	vsel vm1, $0x0, v8;
	[tilespmem:s20+$0xFFFFFFC0] =	vst v19  }
0x28e: {  	v19 =	vnsel vm0, $0x0, v6;
	[tilespmem:s8+$0xFFFFFFC0] =	vst v8  }
0x28f: {  	vm10 =	veq.s32 v17, $0x0;
	v6 =	vsel vm0, $0x0, v6;
	[tilespmem:s20+$0xFFFFFFD0] =	vst v19  }
0x290: {  	v8 =	vnsel vm10, $0x0, v7;
	[tilespmem:s8+$0xFFFFFFD0] =	vst v6  }
0x291: {  	vm11 =	veq.s32 v15, $0x0;
	v7 =	vsel vm10, $0x0, v7;
	[tilespmem:s20+$0xFFFFFFE0] =	vst v8  }
0x292: {  	vm12 =	veq.s32 v16, $0x0;
	v6 =	vshra.s32 v12, v11;
	v8 =	vnsel vm11, $0x0, v5;
	[tilespmem:s8+$0xFFFFFFE0] =	vst v7  }
0x293: {  	v5 =	vsel vm11, $0x0, v5;
	v6 =	vxor.u32 v18, v6;
	v7 =	vshra.s32 v13, v10;
	[tilespmem:s20+$0xFFFFFFF0] =	vst v8  }
0x294: {  	v8 =	vshra.s32 v14, v9;
	v9 =	vnsel vm12, $0x0, v4;
	v6 =	vand.u32 $0xFF, v6;
	[tilespmem:s8+$0xFFFFFFF0] =	vst v5  }
0x295: {  	v4 =	vsel vm12, $0x0, v4;
	v5 =	vxor.u32 v7, v8;
	[tilespmem:s20+$0x0] =	vst v9;
	vm13 =	veq.s32 v6, $0x0  }
0x296: {  	v5 =	vand.u32 $0xFF, v5;
	[tilespmem:s8+$0x0] =	vst v4;
	v6 =	vnsel vm13, $0x0, v3  }
0x297: {  	vm14 =	veq.s32 v5, $0x0;
	v3 =	vsel vm13, $0x0, v3;
	[tilespmem:s20+$0x10] =	vst v6  }
0x298: {  	v4 =	vnsel vm14, $0x0, v2;
	[tilespmem:s8+$0x10] =	vst v3  }
0x299: {  	v2 =	vsel vm14, $0x0, v2;
	[tilespmem:s20+$0x20] =	vst v4  }
0x29a: {  	[tilespmem:s8+$0x20] =	vst v2  }
0x29b: {  	[spmem:s4] =	stream.indirect.scatter.add.f32 [tilespmem:s3], [sflag:$0x3], $0x1, s0, s31, $0xb8;
	[tilespmem:$0x10B80] =	vst v63  }
0x29c: {  	_ = 	snop  }
0x29d: {  	[spmem:s5] =	stream.indirect.scatter.add.f32 [tilespmem:s23], [sflag:$0x3], $0x1, s0, s31, $0xb8;
	[tilespmem:$0x10B80] =	vst v63  }
0x29e: {  	_ =	swait.ge [sflag:s7], $0x1000  }
0x29f: {  	[sflag:s7] =	ssyncset.done $0x0  }
0x2a0: {  	[sflag:s7] =	ssyncadd.s32 $0xFFFFF000  }
0x2a1: {  	_ =	swait.ge [sflag:s7], $0x800  }
0x2a2: {  	[sflag:s7] =	ssyncset.done $0x0  }
0x2a3: {  	[sflag:s7] =	ssyncadd.s32 $0xFFFFF800  }
0x2a4: {  	_ =	swait.ge [sflag:s14], $0x800  }
0x2a5: {  	[sflag:s14] =	ssyncset.done $0x0  }
0x2a6: {  	[sflag:s14] =	ssyncadd.s32 $0xFFFFF800  }
0x2a7: {  	_ =	swait.ge [sflag:s14], $0x800  }
0x2a8: {  	[sflag:s14] =	ssyncset.done $0x0  }
0x2a9: {  	s22 =	simm.s32 $0x7280;
	[sflag:s14] =	ssyncadd.s32 $0xFFFFF800  }
0x2aa: {  	s16 =	simm.s32 $0x8A40;
	v2 =	vld [tilespmem:s22+$0xFFFFFFF0]  }
0x2ab: {  	v3 =	vld [tilespmem:s16+$0x30]  }
0x2ac: {  	v4 =	vld [tilespmem:s22+$0x70]  }
0x2ad: {  	v5 =	vld [tilespmem:s16+$0xFFFFFFC0]  }
0x2ae: {  	v6 =	vld [tilespmem:s16+$0xFFFFFFD0]  }
0x2af: {  	v7 =	vld [tilespmem:s16+$0xFFFFFFE0]  }
0x2b0: {  	v12 =	vld [tilespmem:s16+$0x10]  }
0x2b1: {  	v13 =	vld [tilespmem:s16+$0x20]  }
0x2b2: {  	v14 =	vld [tilespmem:s22+$0x0]  }
0x2b3: {  	v19 =	vld [tilespmem:s22+$0xFFFFFFB0]  }
0x2b4: {  	v21 =	vld [tilespmem:s22+$0xFFFFFFE0]  }
0x2b5: {  	v24 =	vld [tilespmem:s22+$0x60];
	v3 =	vmul.f32 $1.428571410e+01, v3  }
0x2b6: {  	v25 =	vld [tilespmem:s22+$0xFFFFFF80];
	v9 =	vshra.s32 v2, $0x2;
	v5 =	vmul.f32 $1.428571410e+01, v5;
	v6 =	vmul.f32 $1.428571410e+01, v6  }
0x2b7: {  	s17 =	simm.s32 $0x9A40;
	v8 =	vld [tilespmem:s16+$0xFFFFFFF0];
	v11 =	vshra.s32 v4, $0x2;
	v7 =	vmul.f32 $1.428571410e+01, v7;
	v12 =	vmul.f32 $1.428571410e+01, v12  }
0x2b8: {  	v10 =	vld [tilespmem:s16+$0x0];
	[tilespmem:s17+$0x30] =	vst v2;
	v13 =	vmul.f32 $1.428571410e+01, v13;
	v16 =	vshra.s32 v14, $0x2;
	v2 =	vshll.u32 v2, $0x3  }
0x2b9: {  	v4 =	vshll.u32 v4, $0x3;
	v14 =	vshll.u32 v14, $0x3;
	v3 =	vmul.f32 $1.442695020e+00, v3  }
0x2ba: {  	v29 =	vshll.u32 v19, $0x3;
	v31 =	vshra.s32 v21, $0x2;
	v33 =	vshra.s32 v24, $0x2  }
0x2bb: {  	v15 =	vld [tilespmem:s22+$0x10];
	v34 =	vshll.u32 v25, $0x3;
	v6 =	vmul.f32 $1.442695020e+00, v6;
	(erf) = vpow2.f32 v3  }
0x2bc: {  	v60 =	vshll.u32 v21, $0x3;
	v3 =	vmul.f32 $1.442695020e+00, v5;
	v5 =	vmul.f32 $1.428571410e+01, v8;
	v8 =	vld.idx.msk [tilespmem:v9+s6+$0x0], $0xffff  }
0x2bd: {  	v24 =	vshll.u32 v24, $0x3;
	v7 =	vmul.f32 $1.442695020e+00, v7;
	v9 =	vmul.f32 $1.428571410e+01, v10;
	v10 =	vld.idx.msk [tilespmem:v11+s6+$0x0], $0xffff  }
0x2be: {  	v2 =	vand.u32 $0x18, v2;
	v12 =	vmul.f32 $1.442695020e+00, v12;
	v11 =	vld [tilespmem:s22+$0xFFFFFF90];
	(erf) = vpow2.f32 v3  }
0x2bf: {  	v18 =	vld [tilespmem:s22+$0x20];
	v4 =	vand.u32 $0x18, v4;
	v5 =	vmul.f32 $1.442695020e+00, v5;
	(erf) = vpow2.f32 v6  }
0x2c0: {  	v17 =	vld [tilespmem:s22+$0xFFFFFFA0];
	v59 =	vand.u32 $0x18, v34;
	v13 =	vmul.f32 $1.442695020e+00, v13;
	(erf) = vpow2.f32 v7  }
0x2c1: {  	v14 =	vand.u32 $0x18, v14;
	v3 =	vld [tilespmem:s22+$0x30];
	v9 =	vmul.f32 $1.442695020e+00, v9;
	(erf) = vpow2.f32 v5  }
0x2c2: {  	v7 =	vld [tilespmem:s22+$0x40];
	v5 =	vshra.s32 v15, $0x2;
	v2 =	vshra.s32 v8, v2;
	v4 =	vshra.s32 v10, v4  }
0x2c3: {  	[tilespmem:s17+$0xFFFFFFC0] =	vst v25;
	v6 =	vshra.s32 v11, $0x2;
	v8 =	vld [tilespmem:s22+$0xFFFFFFC0];
	(erf) = vpow2.f32 v9;
	v2 =	vxor.u32 v2, v4  }
0x2c4: {  	v16 =	vld.idx.msk [tilespmem:v16+s6+$0x0], $0xffff;
	(erf) = vpow2.f32 v12;
	v12 =	vshra.s32 v18, $0x2;
	v2 =	vand.u32 $0xFF, v2  }
0x2c5: {  	v34 =	vand.u32 $0x18, v60;
	v10 =	vld [tilespmem:s22+$0xFFFFFFD0];
	vm15 =	veq.s32 v2, $0x0;
	v2 =	vshra.s32 v17, $0x2  }
0x2c6: {  	v62 =	vand.u32 $0x18, v24;
	v9 =	vld [tilespmem:s22+$0x50];
	[tilespmem:s17+$0xFFFFFFD0] =	vst v11;
	v4 =	vpop (erf);
	(erf) = vpow2.f32 v13;
	v13 =	vshra.s32 v3, $0x2  }
0x2c7: {  	v26 =	vshll.u32 v11, $0x3;
	v27 =	vshra.s32 v7, $0x2;
	v4 =	vmul.f32 v4, v0;
	v5 =	vld.idx.msk [tilespmem:v5+s6+$0x0], $0xffff  }
0x2c8: {  	[tilespmem:s17+$0xFFFFFFE0] =	vst v17;
	v11 =	vshll.u32 v15, $0x3;
	v15 =	vshll.u32 v17, $0x3;
	v23 =	vshra.s32 v8, $0x2;
	v6 =	vld.idx.msk [tilespmem:v6+s6+$0x0], $0xffff  }
0x2c9: {  	v20 =	vnsel vm15, $0x0, v4;
	v22 =	vsel vm15, $0x0, v4;
	v4 =	vshra.s32 v19, $0x2;
	v12 =	vld.idx.msk [tilespmem:v12+s6+$0x0], $0xffff  }
0x2ca: {  	[tilespmem:s17+$0xFFFFFFF0] =	vst v19;
	v14 =	vshra.s32 v16, v14;
	v18 =	vshll.u32 v18, $0x3;
	v19 =	vshra.s32 v25, $0x2;
	v2 =	vld.idx.msk [tilespmem:v2+s6+$0x0], $0xffff  }
0x2cb: {  	v26 =	vand.u32 $0x18, v26;
	v30 =	vshra.s32 v9, $0x2;
	v17 =	vshll.u32 v8, $0x3;
	[tilespmem:s17+$0x0] =	vst v8;
	v8 =	vld.idx.msk [tilespmem:v13+s6+$0x0], $0xffff  }
0x2cc: {  	v3 =	vshll.u32 v3, $0x3;
	v7 =	vshll.u32 v7, $0x3;
	v28 =	vshra.s32 v10, $0x2;
	v27 =	vld.idx.msk [tilespmem:v27+s6+$0x0], $0xffff  }
0x2cd: {  	v11 =	vand.u32 $0x18, v11;
	v3 =	vand.u32 $0x18, v3;
	v61 =	vand.u32 $0x18, v7;
	v23 =	vld.idx.msk [tilespmem:v23+s6+$0x0], $0xffff  }
0x2ce: {  	v32 =	vshll.u32 v10, $0x3;
	v9 =	vshll.u32 v9, $0x3;
	v17 =	vand.u32 $0x18, v17;
	v4 =	vld.idx.msk [tilespmem:v4+s6+$0x0], $0xffff  }
0x2cf: {  	[tilespmem:s17+$0x10] =	vst v10;
	v13 =	vand.u32 $0x18, v15;
	v15 =	vand.u32 $0x18, v18;
	v5 =	vshra.s32 v5, v11;
	v19 =	vld.idx.msk [tilespmem:v19+s6+$0x0], $0xffff  }
0x2d0: {  	v35 =	vand.u32 $0x18, v9;
	v7 =	vpop (erf);
	v6 =	vshra.s32 v6, v26;
	v9 =	vshra.s32 v12, v15;
	v12 =	vld.idx.msk [tilespmem:v30+s6+$0x0], $0xffff  }
0x2d1: {  	v32 =	vand.u32 $0x18, v32;
	v18 =	vand.u32 $0x18, v29;
	v11 =	vpop (erf);
	v63 =	vld.idx.msk [tilespmem:v28+s6+$0x0], $0xffff;
	v15 =	vxor.u32 v6, v5  }
0x2d2: {  	[tilespmem:s17+$0x20] =	vst v21;
	v5 =	vpop (erf);
	v15 =	vand.u32 $0xFF, v15;
	v3 =	vshra.s32 v8, v3;
	v8 =	vmul.f32 v7, v0  }
0x2d3: {  	v2 =	vshra.s32 v2, v13;
	v13 =	vld.idx.msk [tilespmem:v31+s6+$0x0], $0xffff;
	v7 =	vmul.f32 v11, v0;
	v6 =	vmul.f32 v5, v0  }
0x2d4: {  	v10 =	vxor.u32 v2, v9;
	v2 =	vshra.s32 v23, v17;
	v17 =	vld.idx.msk [tilespmem:v33+s6+$0x0], $0xffff;
	v4 =	vshra.s32 v4, v18  }
0x2d5: {  	v18 =	vshra.s32 v19, v59;
	v12 =	vshra.s32 v12, v35;
	v9 =	vxor.u32 v4, v3;
	v3 =	vpop (erf)  }
0x2d6: {  	v4 =	vshra.s32 v27, v61;
	v14 =	vxor.u32 v18, v14;
	v18 =	vshra.s32 v63, v32;
	v16 =	vpop (erf)  }
0x2d7: {  	s20 =	simm.s32 $0xAA40;
	v11 =	vxor.u32 v2, v4;
	v5 =	vmul.f32 v3, v0;
	v12 =	vxor.u32 v18, v12;
	v2 =	vpop (erf)  }
0x2d8: {  	s21 =	simm.s32 $0xBA40;
	[tilespmem:s20+$0x30] =	vst v20;
	v13 =	vshra.s32 v13, v34;
	v4 =	vmul.f32 v16, v0;
	v16 =	vand.u32 $0xFF, v14;
	v19 =	vpop (erf)  }
0x2d9: {  	s8 =	simm.s32 $0x0;
	s22 =	simm.s32 $0x7380;
	[tilespmem:s21+$0x30] =	vst v22;
	v3 =	vmul.f32 v2, v0;
	v14 =	vshra.s32 v17, v62;
	v2 =	vmul.f32 v19, v0  }
.LBB2_16:
0x2da: {  	v17 =	vld [tilespmem:s22+$0xFFFFFFF0];
	v10 =	vand.u32 $0xFF, v10;
	v9 =	vand.u32 $0xFF, v9;
	v13 =	vxor.u32 v13, v14;
	s16 =	sadd.s32 $0x80, s16  }
0x2db: {  	v11 =	vand.u32 $0xFF, v11;
	v12 =	vand.u32 $0xFF, v12;
	v14 =	vld [tilespmem:s16+$0x30];
	v13 =	vand.u32 $0xFF, v13  }
0x2dc: {  	s8 =	sadd.s32 $0x80, s8;
	vm0 =	veq.s32 v16, $0x0;
	vm3 =	veq.s32 v15, $0x0;
	vm4 =	veq.s32 v10, $0x0;
	v18 =	vld [tilespmem:s22+$0x70]  }
0x2dd: {  	p0 =	slt.u32 s8, $0x780;
	vm5 =	veq.s32 v9, $0x0;
	vm2 =	veq.s32 v11, $0x0;
	vm1 =	veq.s32 v12, $0x0;
	v10 =	vld [tilespmem:s16+$0xFFFFFFC0]  }
0x2de: {  	v11 =	vnsel vm0, $0x0, v8;
	v8 =	vsel vm0, $0x0, v8;
	vm0 =	veq.s32 v13, $0x0;
	v9 =	vld [tilespmem:s16+$0xFFFFFFD0]  }
0x2df: {  	v13 =	vnsel vm4, $0x0, v6;
	v12 =	vld [tilespmem:s16+$0xFFFFFFE0];
	[tilespmem:s20+$0xFFFFFFC0] =	vst v11;
	v11 =	vnsel vm3, $0x0, v7;
	v7 =	vsel vm3, $0x0, v7  }
0x2e0: {  	v6 =	vsel vm4, $0x0, v6;
	v16 =	vshra.s32 v17, $0x2;
	v15 =	vld [tilespmem:s16+$0xFFFFFFF0];
	v14 =	vmul.f32 $1.428571410e+01, v14;
	[tilespmem:s21+$0xFFFFFFC0] =	vst v8  }
0x2e1: {  	v8 =	vld [tilespmem:s16+$0x0];
	v19 =	vshra.s32 v18, $0x2;
	[tilespmem:s20+$0xFFFFFFD0] =	vst v11;
	v11 =	vnsel vm5, $0x0, v5;
	v5 =	vsel vm5, $0x0, v5  }
0x2e2: {  	v10 =	vmul.f32 $1.428571410e+01, v10;
	v20 =	vld [tilespmem:s16+$0x10];
	v14 =	vmul.f32 $1.442695020e+00, v14;
	[tilespmem:s21+$0xFFFFFFD0] =	vst v7;
	v7 =	vnsel vm2, $0x0, v4  }
0x2e3: {  	s17 =	sadd.s32 $0x80, s17;
	v4 =	vsel vm2, $0x0, v4;
	v9 =	vmul.f32 $1.428571410e+01, v9;
	v21 =	vld [tilespmem:s16+$0x20];
	[tilespmem:s20+$0xFFFFFFE0] =	vst v13;
	v13 =	vnsel vm1, $0x0, v3  }
0x2e4: {  	v3 =	vsel vm1, $0x0, v3;
	v22 =	vld [tilespmem:s22+$0x0];
	v12 =	vmul.f32 $1.428571410e+01, v12;
	[tilespmem:s17+$0x30] =	vst v17;
	(erf) = vpow2.f32 v14  }
0x2e5: {  	v10 =	vmul.f32 $1.442695020e+00, v10;
	v14 =	vmul.f32 $1.428571410e+01, v15;
	v15 =	vld.idx.msk [tilespmem:v16+s6+$0x0], $0xffff;
	[tilespmem:s21+$0xFFFFFFE0] =	vst v6;
	v6 =	vnsel vm0, $0x0, v2  }
0x2e6: {  	v9 =	vmul.f32 $1.442695020e+00, v9;
	v2 =	vsel vm0, $0x0, v2;
	v8 =	vmul.f32 $1.428571410e+01, v8;
	v16 =	vld.idx.msk [tilespmem:v19+s6+$0x0], $0xffff;
	[tilespmem:s20+$0xFFFFFFF0] =	vst v11  }
0x2e7: {  	v12 =	vmul.f32 $1.442695020e+00, v12;
	v11 =	vld [tilespmem:s22+$0xFFFFFF90];
	v19 =	vmul.f32 $1.428571410e+01, v20;
	[tilespmem:s21+$0xFFFFFFF0] =	vst v5  }
0x2e8: {  	v14 =	vmul.f32 $1.442695020e+00, v14;
	v5 =	vld [tilespmem:s22+$0x10];
	v20 =	vmul.f32 $1.428571410e+01, v21;
	[tilespmem:s20+$0x0] =	vst v7  }
0x2e9: {  	v8 =	vmul.f32 $1.442695020e+00, v8;
	v7 =	vshra.s32 v22, $0x2;
	v21 =	vld [tilespmem:s22+$0xFFFFFFA0];
	v19 =	vmul.f32 $1.442695020e+00, v19;
	[tilespmem:s21+$0x0] =	vst v4  }
0x2ea: {  	v18 =	vshll.u32 v18, $0x3;
	v17 =	vshll.u32 v17, $0x3;
	v4 =	vld [tilespmem:s22+$0x20];
	v20 =	vmul.f32 $1.442695020e+00, v20;
	[tilespmem:s20+$0x10] =	vst v13  }
0x2eb: {  	v18 =	vand.u32 $0x18, v18;
	v17 =	vand.u32 $0x18, v17;
	v13 =	vld [tilespmem:s22+$0xFFFFFFB0];
	(erf) = vpow2.f32 v10;
	[tilespmem:s21+$0x10] =	vst v3  }
0x2ec: {  	v10 =	vshra.s32 v15, v17;
	v15 =	vshra.s32 v16, v18;
	[tilespmem:s17+$0xFFFFFFD0] =	vst v11;
	v3 =	vld [tilespmem:s22+$0x30];
	(erf) = vpow2.f32 v9  }
0x2ed: {  	v9 =	vshra.s32 v11, $0x2;
	v10 =	vxor.u32 v10, v15;
	v16 =	vld [tilespmem:s22+$0xFFFFFFC0];
	(erf) = vpow2.f32 v12;
	v12 =	vpop (erf);
	[tilespmem:s20+$0x20] =	vst v6  }
0x2ee: {  	v10 =	vand.u32 $0xFF, v10;
	[tilespmem:s17+$0xFFFFFFE0] =	vst v21;
	v6 =	vld [tilespmem:s22+$0x40];
	v12 =	vmul.f32 v12, v0;
	(erf) = vpow2.f32 v14  }
0x2ef: {  	v14 =	vshra.s32 v5, $0x2;
	vm0 =	veq.s32 v10, $0x0;
	v15 =	vld [tilespmem:s22+$0xFFFFFFD0];
	(erf) = vpow2.f32 v8;
	[tilespmem:s21+$0x20] =	vst v2  }
0x2f0: {  	s20 =	sadd.s32 $0x80, s20;
	v2 =	vshra.s32 v21, $0x2;
	[tilespmem:s17+$0xFFFFFFF0] =	vst v13;
	v8 =	vld [tilespmem:s22+$0x50];
	v10 =	vnsel vm0, $0x0, v12;
	(erf) = vpow2.f32 v19  }
0x2f1: {  	v17 =	vshra.s32 v4, $0x2;
	s21 =	sadd.s32 $0x80, s21;
	v18 =	vld [tilespmem:s22+$0xFFFFFFE0];
	[tilespmem:s20+$0x30] =	vst v10;
	v10 =	vsel vm0, $0x0, v12;
	(erf) = vpow2.f32 v20  }
0x2f2: {  	v12 =	vshra.s32 v13, $0x2;
	v19 =	vshra.s32 v3, $0x2;
	v20 =	vshra.s32 v16, $0x2;
	v23 =	vld [tilespmem:s22+$0x60];
	[tilespmem:s21+$0x30] =	vst v10  }
0x2f3: {  	v22 =	vshll.u32 v22, $0x3;
	v11 =	vshll.u32 v11, $0x3;
	v10 =	vld [tilespmem:s22+$0xFFFFFF80];
	[tilespmem:s17+$0x0] =	vst v16;
	v24 =	vshra.s32 v6, $0x2  }
0x2f4: {  	v5 =	vshll.u32 v5, $0x3;
	v21 =	vshll.u32 v21, $0x3;
	v9 =	vld.idx.msk [tilespmem:v9+s6+$0x0], $0xffff;
	[tilespmem:s17+$0x10] =	vst v15;
	v25 =	vshra.s32 v15, $0x2;
	v26 =	vpop (erf)  }
0x2f5: {  	v4 =	vshll.u32 v4, $0x3;
	v13 =	vshll.u32 v13, $0x3;
	v14 =	vld.idx.msk [tilespmem:v14+s6+$0x0], $0xffff;
	v27 =	vshra.s32 v8, $0x2;
	v28 =	vpop (erf)  }
0x2f6: {  	v3 =	vshll.u32 v3, $0x3;
	v16 =	vshll.u32 v16, $0x3;
	v2 =	vld.idx.msk [tilespmem:v2+s6+$0x0], $0xffff;
	[tilespmem:s17+$0x20] =	vst v18;
	v29 =	vshra.s32 v18, $0x2;
	v30 =	vpop (erf)  }
0x2f7: {  	v6 =	vshll.u32 v6, $0x3;
	v15 =	vshll.u32 v15, $0x3;
	v17 =	vld.idx.msk [tilespmem:v17+s6+$0x0], $0xffff;
	v31 =	vshra.s32 v23, $0x2;
	v32 =	vpop (erf)  }
0x2f8: {  	v8 =	vshll.u32 v8, $0x3;
	[tilespmem:s17+$0xFFFFFFC0] =	vst v10;
	v33 =	vshra.s32 v10, $0x2;
	v10 =	vshll.u32 v10, $0x3;
	v12 =	vld.idx.msk [tilespmem:v12+s6+$0x0], $0xffff;
	v34 =	vpop (erf)  }
0x2f9: {  	v7 =	vld.idx.msk [tilespmem:v7+s6+$0x0], $0xffff;
	v35 =	vand.u32 $0x18, v10;
	v10 =	vshll.u32 v18, $0x3;
	v18 =	vshll.u32 v23, $0x3;
	v23 =	vpop (erf)  }
0x2fa: {  	v22 =	vand.u32 $0x18, v22;
	v11 =	vand.u32 $0x18, v11;
	v5 =	vand.u32 $0x18, v5;
	v19 =	vld.idx.msk [tilespmem:v19+s6+$0x0], $0xffff;
	v36 =	vpop (erf)  }
0x2fb: {  	v21 =	vand.u32 $0x18, v21;
	v4 =	vand.u32 $0x18, v4;
	v13 =	vand.u32 $0x18, v13;
	v20 =	vld.idx.msk [tilespmem:v20+s6+$0x0], $0xffff  }
0x2fc: {  	v3 =	vand.u32 $0x18, v3;
	v16 =	vand.u32 $0x18, v16;
	v6 =	vand.u32 $0x18, v6;
	v24 =	vld.idx.msk [tilespmem:v24+s6+$0x0], $0xffff  }
0x2fd: {  	v15 =	vand.u32 $0x18, v15;
	v37 =	vand.u32 $0x18, v8;
	v38 =	vand.u32 $0x18, v10;
	v33 =	vld.idx.msk [tilespmem:v33+s6+$0x0], $0xffff  }
0x2fe: {  	v8 =	vshra.s32 v9, v11;
	v5 =	vshra.s32 v14, v5;
	v18 =	vand.u32 $0x18, v18;
	v14 =	vld.idx.msk [tilespmem:v25+s6+$0x0], $0xffff  }
0x2ff: {  	v2 =	vshra.s32 v2, v21;
	v4 =	vshra.s32 v17, v4;
	v22 =	vshra.s32 v7, v22;
	v17 =	vld.idx.msk [tilespmem:v27+s6+$0x0], $0xffff  }
0x300: {  	v21 =	vxor.u32 v8, v5;
	v5 =	vshra.s32 v12, v13;
	v3 =	vshra.s32 v19, v3;
	v13 =	vld.idx.msk [tilespmem:v29+s6+$0x0], $0xffff  }
0x301: {  	v10 =	vxor.u32 v2, v4;
	v9 =	vxor.u32 v5, v3;
	v2 =	vshra.s32 v20, v16;
	v19 =	vld.idx.msk [tilespmem:v31+s6+$0x0], $0xffff  }
0x302: {  	v8 =	vmul.f32 v26, v0;
	v7 =	vmul.f32 v28, v0;
	v3 =	vshra.s32 v24, v6  }
.Ltmp7:
0x303: {  	v6 =	vmul.f32 v30, v0;
	v4 =	vshra.s32 v33, v35;
	v11 =	vxor.u32 v2, v3;
	(pc) =	sbr.rel @p0 .LBB2_16-.Ltmp7, $4  }
0x304: {  	v5 =	vmul.f32 v32, v0;
	v16 =	vxor.u32 v4, v22;
	v2 =	vshra.s32 v14, v15  }
0x305: {  	v3 =	vmul.f32 v23, v0;
	v4 =	vmul.f32 v34, v0;
	v12 =	vshra.s32 v17, v37  }
0x306: {  	v12 =	vxor.u32 v2, v12;
	v13 =	vshra.s32 v13, v38;
	v2 =	vmul.f32 v36, v0  }
0x307: {  	s22 =	sadd.s32 $0x100, s22;
	v15 =	vand.u32 $0xFF, v21;
	v16 =	vand.u32 $0xFF, v16;
	v14 =	vshra.s32 v19, v18  }
0x308: {  	vm0 =	veq.s32 v16, $0x0  }
0x309: {  	vm11 =	veq.s32 v15, $0x0;
	v16 =	vnsel vm0, $0x0, v8  }
0x30a: {  	v15 =	vnsel vm11, $0x0, v7;
	[tilespmem:s20+$0xFFFFFFC0] =	vst v16  }
0x30b: {  	v10 =	vand.u32 $0xFF, v10;
	v53 =	vsel vm0, $0x0, v8;
	[tilespmem:s20+$0xFFFFFFD0] =	vst v15  }
0x30c: {  	v55 =	vand.u32 $0xFF, v9;
	vm1 =	veq.s32 v10, $0x0;
	v54 =	vsel vm11, $0x0, v7;
	[tilespmem:s21+$0xFFFFFFC0] =	vst v53  }
0x30d: {  	v58 =	vand.u32 $0xFF, v11;
	vm12 =	veq.s32 v55, $0x0;
	v56 =	vnsel vm1, $0x0, v6;
	[tilespmem:s21+$0xFFFFFFD0] =	vst v54  }
0x30e: {  	v60 =	vand.u32 $0xFF, v12;
	vm13 =	veq.s32 v58, $0x0;
	v8 =	vnsel vm12, $0x0, v5;
	[tilespmem:s20+$0xFFFFFFE0] =	vst v56  }
0x30f: {  	vm14 =	veq.s32 v60, $0x0;
	v7 =	vnsel vm13, $0x0, v4;
	[tilespmem:s20+$0xFFFFFFF0] =	vst v8  }
0x310: {  	v57 =	vsel vm1, $0x0, v6;
	v6 =	vnsel vm14, $0x0, v3;
	[tilespmem:s20+$0x0] =	vst v7  }
0x311: {  	[tilespmem:s20+$0x10] =	vst v6  }
0x312: {  	v61 =	vxor.u32 v13, v14;
	v59 =	vsel vm12, $0x0, v5;
	[tilespmem:s21+$0xFFFFFFE0] =	vst v57  }
0x313: {  	v62 =	vsel vm13, $0x0, v4;
	v5 =	vand.u32 $0xFF, v61;
	[tilespmem:s21+$0xFFFFFFF0] =	vst v59  }
0x314: {  	v3 =	vsel vm14, $0x0, v3;
	vm15 =	veq.s32 v5, $0x0;
	[tilespmem:s21+$0x0] =	vst v62  }
0x315: {  	v63 =	vnsel vm15, $0x0, v2;
	[tilespmem:s21+$0x10] =	vst v3  }
0x316: {  	v2 =	vsel vm15, $0x0, v2;
	[tilespmem:s20+$0x20] =	vst v63  }
0x317: {  	[tilespmem:s21+$0x20] =	vst v2  }
0x318: {  	[spmem:s4] =	stream.indirect.scatter.add.f32 [tilespmem:s11], [sflag:$0x4], $0x1, s10, s31, $0xb8;
	[tilespmem:$0x10B80] =	vst v63  }
0x319: {  	_ = 	snop  }
0x31a: {  	[spmem:s5] =	stream.indirect.scatter.add.f32 [tilespmem:s12], [sflag:$0x4], $0x1, s10, s31, $0xb8;
	[tilespmem:$0x10B80] =	vst v63  }
0x31b: {  	_ =	swait.ge [sflag:s13], $0x800  }
0x31c: {  	[sflag:s13] =	ssyncset.done $0x0  }
0x31d: {  	[sflag:s13] =	ssyncadd.s32 $0xFFFFF800  }
0x31e: {  	_ =	swait.ge [sflag:s13], $0x800  }
0x31f: {  	[sflag:s13] =	ssyncset.done $0x0  }
0x320: {  	[sflag:s13] =	ssyncadd.s32 $0xFFFFF800  }
0x321: {  	_ =	swait.ge [sflag:s14], $0x800  }
0x322: {  	[sflag:s14] =	ssyncset.done $0x0  }
0x323: {  	[sflag:s14] =	ssyncadd.s32 $0xFFFFF800  }
0x324: {  	_ =	swait.ge [sflag:s14], $0x800  }
0x325: {  	[sflag:s14] =	ssyncset.done $0x0  }
0x326: {  	[sflag:s14] =	ssyncadd.s32 $0xFFFFF800  }
0x327: {  	s8 =	stileid.u32;
	[bflag:$0x0] =	sbarrier.arrive $0xFFFF  }
0x328: {  	s8 =	sshll.u32 s8, $0x6;
	s15 =	rddreg [dreg:$0x7]  }
0x329: {  	s8 =	sor.u32 $0x1C05, s8;
	s16 =	rddreg [dreg:$0x11];
	s9 =	sshrl.u32 s15, $0x3  }
0x32a: {  	[hbm:s16], [sflag:s8] =	dma.local [spmem:s9], $0x310  }
0x32b: {  	_ =	swait.ge [sflag:s24], $0x310  }
0x32c: {  	[sflag:s24] =	ssyncset.done $0x0;
	s16 =	rddreg [dreg:$0x8]  }
0x32d: {  	s17 =	rddreg [dreg:$0x12];
	[sflag:s24] =	ssyncadd.s32 $0xFFFFFCF0;
	s20 =	sshrl.u32 s16, $0x3  }
0x32e: {  	[hbm:s17], [sflag:s8] =	dma.local [spmem:s20], $0x310  }
0x32f: {  	_ =	swait.ge [sflag:s24], $0x310  }
0x330: {  	s21 =	rddreg [dreg:$0x14]  }
0x331: {  	s22 =	rddreg [dreg:$0x13];
	s9 =	sadd.s32 $0x1, s21  }
0x332: {  	p0 =	sne.s32 s9, s22  }
.Ltmp8:
0x333: {  	_ = 	snop;
	(pc) =	sbr.rel @p0 .LBB2_1-.Ltmp8, $3  }
0x334: {  	_ =	sdelay $0x1  }
0x335: {  	[sflag:s24] =	ssyncset.done $0x0  }
0x336: {  	[sflag:s24] =	ssyncadd.s32 $0xFFFFFCF0  }
0x337: {  	_ =	sfence.sel $0x180000  }
0x338: {  	[bflag:$0x0] =	sbarrier.arrive $0xFFFF  }
0x339: {  	_ =	strace $0x90000047  }
0x33a: {  	s0 =	stileid.u32;
	[bflag:$0x2] =	sbarrier.arrive $0xFFFF  }
0x33b: {  	p0 =	sne.s32 s0, $0x0;
	s0 =	rddreg [dreg:$0x5]  }
0x33c: {  	s0 =	sadd.s32 @!p0 $0x100000, s0  }
0x33d: {  	[sflag:s0] =	ssyncadd.tile.s32 @!p0 $0x1;
	_ =	shalt  }
.Lfunc_end2:
_tile_overlayer_lowered:
.L_overlay_start_2:
0x33e: {  	(tag) =	ssettag $0x2  }
0x33f: {  	s0 =	rddreg [dreg:$0x0];
	s2 =	stileid.u32  }
0x340: {  	s1 =	rddreg [dreg:$0x1];
	p0 =	sne.s32 s2, $0x0  }
0x341: {  	s3 =	rddreg [dreg:$0x2];
	[bflag:$0x3] =	sbarrier.arrive $0xFFFF;
	s2 =	simm.s32 @!p0 $0x1C05  }
0x342: {  	[timem:s3], [sflag:s2] =	dma.local @!p0 [hbm:s0], s1  }
0x343: {  	s0 =	simm.s32 @!p0 $0x5  }
0x344: {  	_ =	swait.ge @!p0 [sflag:s0], s1  }
0x345: {  	s1 =	ssub.s32 @!p0 $0x0, s1;
	[sflag:s0] =	ssyncset.done @!p0 $0x0  }
0x346: {  	[sflag:s0] =	ssyncadd.s32 @!p0 s1  }
0x347: {  	[bflag:$0x3] =	sbarrier.arrive $0xFFFF  }
0x348: {  	_ =	shalt  }

</sc_bundles>
